<compile_context>
chip_gen: v7x
topology: tpu7x:2x2x1
jax: 0.10.2.dev20260603
libtpu: 0.0.44.dev20260713+nightly
codegen_flags: <defaults>
</compile_context>

<pallas_src>
import functools

import jax
import jax.numpy as jnp
from jax import lax
from jax.experimental import pallas as pl
from jax.experimental.pallas import tpu as pltpu
from jax.experimental.pallas import tpu_sc as plsc

_MARGIN = 0.5
_NON_MATCH_LOSS_WEIGHT = 1.0
_L = 16


def _sc_geometry():
    try:
        info = plsc.get_sparse_core_info()
        return info.num_cores, info.num_subcores
    except Exception:
        return 2, 16


@functools.partial(jax.jit, static_argnums=(6, 7, 8, 9))
def _partials(ta, tb, mA, mB, nA, nB, B, N, D, M):
    NC, NS = _sc_geometry()
    NW = NC * NS
    WPB = NW // B
    DPW = D // WPB
    M2 = M // 2
    mesh = plsc.VectorSubcoreMesh(core_axis_name="c", subcore_axis_name="s",
                                  num_cores=NC, num_subcores=NS)

    def body(ta_hbm, tb_hbm, mA_hbm, mB_hbm, nA_hbm, nB_hbm, out_hbm,
             rowa, rowb, ima, imb, ina, inb, res_v, semr, semi):
        wid = lax.axis_index("s") * NC + lax.axis_index("c")
        b = wid // WPB
        dg = (wid % WPB) * DPW

        cps = [pltpu.async_copy(src.at[pl.ds(b * M2, M2)], dst, semi)
               for src, dst in ((mA_hbm, ima), (mB_hbm, imb),
                                (nA_hbm, ina), (nB_hbm, inb))]
        for cp in cps:
            cp.wait()

        acc_m = [jnp.zeros((_L,), jnp.float32) for _ in range(4)]
        acc_p = [jnp.zeros((_L,), jnp.float32) for _ in range(4)]
        acc_c = [jnp.zeros((_L,), jnp.float32) for _ in range(4)]

        for dd in range(DPW):
            d1 = dg + dd
            ca = pltpu.async_copy(ta_hbm.at[b, d1, :], rowa, semr)
            cb = pltpu.async_copy(tb_hbm.at[b, d1, :], rowb, semr)
            ca.wait()
            cb.wait()
            def mbody(i, accs):
                accs = list(accs)
                sl = pl.ds(i * _L, _L)
                wa = ima[sl]
                wb = imb[sl]
                for half in range(2):
                    if half == 0:
                        ia = wa & 0xFFFF
                        ib = wb & 0xFFFF
                    else:
                        ia = lax.shift_right_logical(wa, 16)
                        ib = lax.shift_right_logical(wb, 16)
                    av = plsc.load_gather(rowa, [ia])
                    bv = plsc.load_gather(rowb, [ib])
                    d_ = av - bv
                    accs[2 * half] = accs[2 * half] + d_ * d_
                return tuple(accs)
            acc_m = list(lax.fori_loop(0, M2 // _L, mbody, tuple(acc_m)))

            def nbody(i, accs):
                a0 = list(accs[0])
                a1 = list(accs[1])
                sl = pl.ds(i * _L, _L)
                wa = ina[sl]
                wb = inb[sl]
                for half in range(2):
                    if half == 0:
                        ia = wa & 0xFFFF
                        ib = wb & 0xFFFF
                    else:
                        ia = lax.shift_right_logical(wa, 16)
                        ib = lax.shift_right_logical(wb, 16)
                    av = plsc.load_gather(rowa, [ia])
                    bv = plsc.load_gather(rowb, [ib])
                    d_ = av - bv
                    t = _MARGIN - d_ * d_
                    pos = t > 0.0
                    a0[2 * half] = a0[2 * half] + jnp.where(pos, t, 0.0)
                    a1[2 * half] = a1[2 * half] + jnp.where(pos, 1.0, 0.0)
                return tuple(a0), tuple(a1)
            acc_p, acc_c = lax.fori_loop(0, M2 // _L, nbody,
                                         (tuple(acc_p), tuple(acc_c)))
            acc_p = list(acc_p)
            acc_c = list(acc_c)

        zero = jnp.zeros((_L,), jnp.float32)
        for j in range(4 * B):
            res_v[pl.ds(j * _L, _L)] = zero
        res_v[pl.ds(b * 64, _L)] = (acc_m[0] + acc_m[1]) + (acc_m[2] + acc_m[3])
        res_v[pl.ds(b * 64 + _L, _L)] = (acc_p[0] + acc_p[1]) + (acc_p[2] + acc_p[3])
        res_v[pl.ds(b * 64 + 2 * _L, _L)] = (acc_c[0] + acc_c[1]) + (acc_c[2] + acc_c[3])
        pltpu.sync_copy(res_v, out_hbm.at[pl.ds(wid * 4 * B * _L, 4 * B * _L)])

    call = pl.kernel(
        body,
        out_type=jax.ShapeDtypeStruct((NW * B * 4 * _L,), jnp.float32),
        mesh=mesh,
        scratch_types=[
            pltpu.VMEM((N,), jnp.float32),
            pltpu.VMEM((N,), jnp.float32),
            pltpu.VMEM((M2,), jnp.int32),
            pltpu.VMEM((M2,), jnp.int32),
            pltpu.VMEM((M2,), jnp.int32),
            pltpu.VMEM((M2,), jnp.int32),
            pltpu.VMEM((B * 4 * _L,), jnp.float32),
            pltpu.SemaphoreType.DMA,
            pltpu.SemaphoreType.DMA,
        ],
        compiler_params=pltpu.CompilerParams(needs_layout_passes=False),
    )
    return call(ta, tb, mA, mB, nA, nB)


def kernel(outA, outB, matchA, matchB, nonMatchA, nonMatchB):
    B, N, D = outA.shape
    M = matchA.shape[1]
    ta = jnp.transpose(outA, (0, 2, 1))
    tb = jnp.transpose(outB, (0, 2, 1))

    def pack(x):
        u = x.astype(jnp.uint32)
        return (u[:, 0::2] | (u[:, 1::2] << 16)).astype(jnp.int32).reshape(-1)
    mA = pack(matchA)
    mB = pack(matchB)
    nA = pack(nonMatchA)
    nB = pack(nonMatchB)
    parts = _partials(ta, tb, mA, mB, nA, nB, B, N, D, M)
    NC, NS = _sc_geometry()
    sums = jnp.sum(parts.reshape(NC * NS, B, 4, _L), axis=(0, 3))
    match_loss = jnp.sum(sums[:, 0]) / M
    non_match_loss = _NON_MATCH_LOSS_WEIGHT * jnp.sum(sums[:, 1] / sums[:, 2])
    return (match_loss + non_match_loss, match_loss, non_match_loss)

# --- scband reference (transcript-rebuilt; emitter-appended) ---
"""Pipeline reference for scband-contrastive-loss-19928648253530 (READ-ONLY COPY).

The authoritative reference and input builder live on the scoring server;
editing this copy changes nothing except your own understanding.
"""

import jax, jax.numpy as jnp
import numpy as np

MARGIN = 0.5
NON_MATCH_LOSS_WEIGHT = 1.0


def setup_inputs(seed: int = 0) -> dict:
    key = jax.random.key(seed)
    ks = jax.random.split(key, 6)
    B, N, D, M = 4, 50176, 64, 8192
    return {
        "outA": jax.random.normal(ks[0], (B, N, D), dtype=jnp.float32),
        "outB": jax.random.normal(ks[1], (B, N, D), dtype=jnp.float32),
        "matchA": jax.random.randint(ks[2], (B, M), 0, N, dtype=jnp.int64) if jax.config.jax_enable_x64 else jax.random.randint(ks[2], (B, M), 0, N, dtype=jnp.int32),
        "matchB": jax.random.randint(ks[3], (B, M), 0, N, dtype=jnp.int32),
        "nonMatchA": jax.random.randint(ks[4], (B, M), 0, N, dtype=jnp.int32),
        "nonMatchB": jax.random.randint(ks[5], (B, M), 0, N, dtype=jnp.int32),
    }


def reference(outA, outB, matchA, matchB, nonMatchA, nonMatchB):
    margin = MARGIN
    w = NON_MATCH_LOSS_WEIGHT
    B = outA.shape[0]
    contrastiveLossSum = 0.0
    matchLossSum = 0.0
    nonMatchLossSum = 0.0
    for b in range(B):
        nbMatch = matchA.shape[1]
        # gather matched / non-matched pixel descriptors: [M, D]
        matchADes = jnp.take(outA[b], matchA[b], axis=0)
        matchBDes = jnp.take(outB[b], matchB[b], axis=0)
        nonMatchADes = jnp.take(outA[b], nonMatchA[b], axis=0)
        nonMatchBDes = jnp.take(outB[b], nonMatchB[b], axis=0)
        matchLoss = (1.0 / nbMatch) * jnp.sum((matchADes - matchBDes) ** 2)
        pixelwiseNonMatchLoss = jnp.maximum(
            jnp.zeros_like(nonMatchADes), margin - (nonMatchADes - nonMatchBDes) ** 2
        )
        hardNegativeNonMatch = jnp.sum(pixelwiseNonMatchLoss > 0).astype(jnp.float32)
        nonMatchLoss = w * (1.0 / hardNegativeNonMatch) * jnp.sum(pixelwiseNonMatchLoss)
        contrastiveLoss = matchLoss + nonMatchLoss
        contrastiveLossSum = contrastiveLossSum + contrastiveLoss
        matchLossSum = matchLossSum + matchLoss
        nonMatchLossSum = nonMatchLossSum + nonMatchLoss
    return (contrastiveLossSum, matchLossSum, nonMatchLossSum)

if __name__ == "__main__":
    import jax
    _d = setup_inputs()
    print(jax.jit(kernel)(*tuple(_d.values())))

</pallas_src>

<mosaic_0001>
#map = affine_map<(d0, d1) -> (0, 0, 0)>
#map1 = affine_map<(d0, d1) -> (0)>
module attributes {stable_mosaic.version = 14 : i64} {
  func.func @body(%arg0: i32, %arg1: i32, %arg2: memref<4x64x50176xf32, #tpu.memory_space<hbm>>, %arg3: memref<4x64x50176xf32, #tpu.memory_space<hbm>>, %arg4: memref<16384xi32, #tpu.memory_space<hbm>>, %arg5: memref<16384xi32, #tpu.memory_space<hbm>>, %arg6: memref<16384xi32, #tpu.memory_space<hbm>>, %arg7: memref<16384xi32, #tpu.memory_space<hbm>>, %arg8: memref<8192xf32, #tpu.memory_space<hbm>>, %arg9: memref<50176xf32, #tpu.memory_space<vmem>>, %arg10: memref<50176xf32, #tpu.memory_space<vmem>>, %arg11: memref<4096xi32, #tpu.memory_space<vmem>>, %arg12: memref<4096xi32, #tpu.memory_space<vmem>>, %arg13: memref<4096xi32, #tpu.memory_space<vmem>>, %arg14: memref<4096xi32, #tpu.memory_space<vmem>>, %arg15: memref<256xf32, #tpu.memory_space<vmem>>, %arg16: memref<!tpu.dma_semaphore, #tpu.memory_space<semaphore_mem>>, %arg17: memref<!tpu.dma_semaphore, #tpu.memory_space<semaphore_mem>>) attributes {dimension_semantics = [#tpu.dimension_semantics<core_parallel>, #tpu.dimension_semantics<subcore_parallel>], iteration_bounds = array<i64: 2, 16>, scalar_prefetch = 0 : i64, scratch_operands = 9 : i64, tpu.core_type = #tpu.core_type<sc_vector_subcore>, window_params = [{transform_indices = #map}, {transform_indices = #map}, {transform_indices = #map1}, {transform_indices = #map1}, {transform_indices = #map1}, {transform_indices = #map1}, {transform_indices = #map1}]} {
    %mul3A = arith.constant 2 : i32
    %mul3A_0 = arith.muli %arg1, %mul3A : i32
    %add3A = arith.addi %mul3A_0, %arg0 : i32
    %jit3A = arith.constant 8 : i32
    %div3A = arith.divsi %add3A, %jit3A : i32
    %sign3A = arith.constant 0 : i32
    %sign3A_1 = arith.cmpi sgt, %add3A, %sign3A : i32
    %sign3A_2 = arith.extui %sign3A_1 : i1 to i32
    %sign3A_3 = arith.constant 0 : i32
    %sign3A_4 = arith.cmpi slt, %add3A, %sign3A_3 : i32
    %sign3A_5 = arith.extui %sign3A_4 : i1 to i32
    %sign3A_6 = arith.subi %sign3A_2, %sign3A_5 : i32
    %sign3A_7 = arith.constant 0 : i32
    %sign3A_8 = arith.cmpi sgt, %jit3A, %sign3A_7 : i32
    %sign3A_9 = arith.extui %sign3A_8 : i1 to i32
    %sign3A_10 = arith.constant 0 : i32
    %sign3A_11 = arith.cmpi slt, %jit3A, %sign3A_10 : i32
    %sign3A_12 = arith.extui %sign3A_11 : i1 to i32
    %sign3A_13 = arith.subi %sign3A_9, %sign3A_12 : i32
    %ne3A = arith.cmpi ne, %sign3A_6, %sign3A_13 : i32
    %rem3A = arith.remsi %add3A, %jit3A : i32
    %ne3A_14 = arith.constant 0 : i32
    %ne3A_15 = arith.cmpi ne, %rem3A, %ne3A_14 : i32
    %and3A = arith.andi %ne3A, %ne3A_15 : i1
    %sub3A = arith.constant 1 : i32
    %sub3A_16 = arith.subi %div3A, %sub3A : i32
    %select_n3A = arith.select %and3A, %sub3A_16, %div3A : i32
    %jit3A_17 = arith.constant 8 : i32
    %eq3A = arith.constant 0 : i32
    %eq3A_18 = arith.cmpi eq, %jit3A_17, %eq3A : i32
    %jit3A_19 = arith.constant 1 : i32
    %select_n3A_20 = arith.select %eq3A_18, %jit3A_19, %jit3A_17 : i32
    %rem3A_21 = arith.remsi %add3A, %select_n3A_20 : i32
    %ne3A_22 = arith.constant 0 : i32
    %ne3A_23 = arith.cmpi ne, %rem3A_21, %ne3A_22 : i32
    %lt3A = arith.constant 0 : i32
    %lt3A_24 = arith.cmpi slt, %rem3A_21, %lt3A : i32
    %lt3A_25 = arith.constant 0 : i32
    %lt3A_26 = arith.cmpi slt, %select_n3A_20, %lt3A_25 : i32
    %ne3A_27 = arith.xori %lt3A_24, %lt3A_26 : i1
    %and3A_28 = arith.andi %ne3A_27, %ne3A_23 : i1
    %add3A_29 = arith.addi %rem3A_21, %select_n3A_20 : i32
    %select_n3A_30 = arith.select %and3A_28, %add3A_29, %rem3A_21 : i32
    %mul3A_31 = arith.constant 8 : i32
    %mul3A_32 = arith.muli %select_n3A_30, %mul3A_31 : i32
    %mul3A_33 = arith.constant 4096 : i32
    %mul3A_34 = arith.muli %select_n3A, %mul3A_33 : i32
    %dma_start3A = tpu.memref_slice %arg4[%mul3A_34] : memref<16384xi32, #tpu.memory_space<hbm>> -> memref<4096xi32, #tpu.memory_space<hbm>>
    %dma_start3A_35 = tpu.memref_slice %arg4[%mul3A_34] : memref<16384xi32, #tpu.memory_space<hbm>> -> memref<4096xi32, #tpu.memory_space<hbm>>
    tpu.enqueue_dma source(%dma_start3A_35 : memref<4096xi32, #tpu.memory_space<hbm>>) target(%arg11 : memref<4096xi32, #tpu.memory_space<vmem>>) target_semaphore(%arg17 : memref<!tpu.dma_semaphore, #tpu.memory_space<semaphore_mem>>)
    %mul3A_36 = arith.constant 4096 : i32
    %mul3A_37 = arith.muli %select_n3A, %mul3A_36 : i32
    %dma_start3A_38 = tpu.memref_slice %arg5[%mul3A_37] : memref<16384xi32, #tpu.memory_space<hbm>> -> memref<4096xi32, #tpu.memory_space<hbm>>
    %dma_start3A_39 = tpu.memref_slice %arg5[%mul3A_37] : memref<16384xi32, #tpu.memory_space<hbm>> -> memref<4096xi32, #tpu.memory_space<hbm>>
    tpu.enqueue_dma source(%dma_start3A_39 : memref<4096xi32, #tpu.memory_space<hbm>>) target(%arg12 : memref<4096xi32, #tpu.memory_space<vmem>>) target_semaphore(%arg17 : memref<!tpu.dma_semaphore, #tpu.memory_space<semaphore_mem>>)
    %mul3A_40 = arith.constant 4096 : i32
    %mul3A_41 = arith.muli %select_n3A, %mul3A_40 : i32
    %dma_start3A_42 = tpu.memref_slice %arg6[%mul3A_41] : memref<16384xi32, #tpu.memory_space<hbm>> -> memref<4096xi32, #tpu.memory_space<hbm>>
    %dma_start3A_43 = tpu.memref_slice %arg6[%mul3A_41] : memref<16384xi32, #tpu.memory_space<hbm>> -> memref<4096xi32, #tpu.memory_space<hbm>>
    tpu.enqueue_dma source(%dma_start3A_43 : memref<4096xi32, #tpu.memory_space<hbm>>) target(%arg13 : memref<4096xi32, #tpu.memory_space<vmem>>) target_semaphore(%arg17 : memref<!tpu.dma_semaphore, #tpu.memory_space<semaphore_mem>>)
    %mul3A_44 = arith.constant 4096 : i32
    %mul3A_45 = arith.muli %select_n3A, %mul3A_44 : i32
    %dma_start3A_46 = tpu.memref_slice %arg7[%mul3A_45] : memref<16384xi32, #tpu.memory_space<hbm>> -> memref<4096xi32, #tpu.memory_space<hbm>>
    %dma_start3A_47 = tpu.memref_slice %arg7[%mul3A_45] : memref<16384xi32, #tpu.memory_space<hbm>> -> memref<4096xi32, #tpu.memory_space<hbm>>
    tpu.enqueue_dma source(%dma_start3A_47 : memref<4096xi32, #tpu.memory_space<hbm>>) target(%arg14 : memref<4096xi32, #tpu.memory_space<vmem>>) target_semaphore(%arg17 : memref<!tpu.dma_semaphore, #tpu.memory_space<semaphore_mem>>)
    %dma_wait3A = tpu.memref_slice %arg4[%mul3A_34] : memref<16384xi32, #tpu.memory_space<hbm>> -> memref<4096xi32, #tpu.memory_space<hbm>>
    %dma_wait3A_48 = tpu.memref_slice %arg4[%mul3A_34] : memref<16384xi32, #tpu.memory_space<hbm>> -> memref<4096xi32, #tpu.memory_space<hbm>>
    tpu.wait_dma2 semaphore(%arg17 : memref<!tpu.dma_semaphore, #tpu.memory_space<semaphore_mem>>) src(%dma_wait3A_48 : memref<4096xi32, #tpu.memory_space<hbm>>) dst(%arg11 : memref<4096xi32, #tpu.memory_space<vmem>>)
    %dma_wait3A_49 = tpu.memref_slice %arg5[%mul3A_37] : memref<16384xi32, #tpu.memory_space<hbm>> -> memref<4096xi32, #tpu.memory_space<hbm>>
    %dma_wait3A_50 = tpu.memref_slice %arg5[%mul3A_37] : memref<16384xi32, #tpu.memory_space<hbm>> -> memref<4096xi32, #tpu.memory_space<hbm>>
    tpu.wait_dma2 semaphore(%arg17 : memref<!tpu.dma_semaphore, #tpu.memory_space<semaphore_mem>>) src(%dma_wait3A_50 : memref<4096xi32, #tpu.memory_space<hbm>>) dst(%arg12 : memref<4096xi32, #tpu.memory_space<vmem>>)
    %dma_wait3A_51 = tpu.memref_slice %arg6[%mul3A_41] : memref<16384xi32, #tpu.memory_space<hbm>> -> memref<4096xi32, #tpu.memory_space<hbm>>
    %dma_wait3A_52 = tpu.memref_slice %arg6[%mul3A_41] : memref<16384xi32, #tpu.memory_space<hbm>> -> memref<4096xi32, #tpu.memory_space<hbm>>
    tpu.wait_dma2 semaphore(%arg17 : memref<!tpu.dma_semaphore, #tpu.memory_space<semaphore_mem>>) src(%dma_wait3A_52 : memref<4096xi32, #tpu.memory_space<hbm>>) dst(%arg13 : memref<4096xi32, #tpu.memory_space<vmem>>)
    %dma_wait3A_53 = tpu.memref_slice %arg7[%mul3A_45] : memref<16384xi32, #tpu.memory_space<hbm>> -> memref<4096xi32, #tpu.memory_space<hbm>>
    %dma_wait3A_54 = tpu.memref_slice %arg7[%mul3A_45] : memref<16384xi32, #tpu.memory_space<hbm>> -> memref<4096xi32, #tpu.memory_space<hbm>>
    tpu.wait_dma2 semaphore(%arg17 : memref<!tpu.dma_semaphore, #tpu.memory_space<semaphore_mem>>) src(%dma_wait3A_54 : memref<4096xi32, #tpu.memory_space<hbm>>) dst(%arg14 : memref<4096xi32, #tpu.memory_space<vmem>>)
    %broadcast_in_dim3A = arith.constant 0.000000e+00 : f32
    %broadcast_in_dim3A_55 = vector.broadcast %broadcast_in_dim3A : f32 to vector<16xf32>
    %broadcast_in_dim3A_56 = arith.constant 0.000000e+00 : f32
    %broadcast_in_dim3A_57 = vector.broadcast %broadcast_in_dim3A_56 : f32 to vector<16xf32>
    %broadcast_in_dim3A_58 = arith.constant 0.000000e+00 : f32
    %broadcast_in_dim3A_59 = vector.broadcast %broadcast_in_dim3A_58 : f32 to vector<16xf32>
    %broadcast_in_dim3A_60 = arith.constant 0.000000e+00 : f32
    %broadcast_in_dim3A_61 = vector.broadcast %broadcast_in_dim3A_60 : f32 to vector<16xf32>
    %broadcast_in_dim3A_62 = arith.constant 0.000000e+00 : f32
    %broadcast_in_dim3A_63 = vector.broadcast %broadcast_in_dim3A_62 : f32 to vector<16xf32>
    %broadcast_in_dim3A_64 = arith.constant 0.000000e+00 : f32
    %broadcast_in_dim3A_65 = vector.broadcast %broadcast_in_dim3A_64 : f32 to vector<16xf32>
    %broadcast_in_dim3A_66 = arith.constant 0.000000e+00 : f32
    %broadcast_in_dim3A_67 = vector.broadcast %broadcast_in_dim3A_66 : f32 to vector<16xf32>
    %broadcast_in_dim3A_68 = arith.constant 0.000000e+00 : f32
    %broadcast_in_dim3A_69 = vector.broadcast %broadcast_in_dim3A_68 : f32 to vector<16xf32>
    %broadcast_in_dim3A_70 = arith.constant 0.000000e+00 : f32
    %broadcast_in_dim3A_71 = vector.broadcast %broadcast_in_dim3A_70 : f32 to vector<16xf32>
    %broadcast_in_dim3A_72 = arith.constant 0.000000e+00 : f32
    %broadcast_in_dim3A_73 = vector.broadcast %broadcast_in_dim3A_72 : f32 to vector<16xf32>
    %broadcast_in_dim3A_74 = arith.constant 0.000000e+00 : f32
    %broadcast_in_dim3A_75 = vector.broadcast %broadcast_in_dim3A_74 : f32 to vector<16xf32>
    %broadcast_in_dim3A_76 = arith.constant 0.000000e+00 : f32
    %broadcast_in_dim3A_77 = vector.broadcast %broadcast_in_dim3A_76 : f32 to vector<16xf32>
    %add3A_78 = arith.constant 0 : i32
    %add3A_79 = arith.addi %mul3A_32, %add3A_78 : i32
    %dma_start3A_80 = arith.constant 0 : i32
    %dma_start3A_81 = tpu.memref_slice %arg2[%select_n3A, %add3A_79, %dma_start3A_80] : memref<4x64x50176xf32, #tpu.memory_space<hbm>> -> memref<1x1x50176xf32, #tpu.memory_space<hbm>>
    %dma_start3A_82 = tpu.memref_squeeze %dma_start3A_81 : memref<1x1x50176xf32, #tpu.memory_space<hbm>> -> memref<50176xf32, #tpu.memory_space<hbm>>
    %dma_start3A_83 = arith.constant 0 : i32
    %dma_start3A_84 = tpu.memref_slice %arg2[%select_n3A, %add3A_79, %dma_start3A_83] : memref<4x64x50176xf32, #tpu.memory_space<hbm>> -> memref<1x1x50176xf32, #tpu.memory_space<hbm>>
    %dma_start3A_85 = tpu.memref_squeeze %dma_start3A_84 : memref<1x1x50176xf32, #tpu.memory_space<hbm>> -> memref<50176xf32, #tpu.memory_space<hbm>>
    tpu.enqueue_dma source(%dma_start3A_85 : memref<50176xf32, #tpu.memory_space<hbm>>) target(%arg9 : memref<50176xf32, #tpu.memory_space<vmem>>) target_semaphore(%arg16 : memref<!tpu.dma_semaphore, #tpu.memory_space<semaphore_mem>>)
    %dma_start3A_86 = arith.constant 0 : i32
    %dma_start3A_87 = tpu.memref_slice %arg3[%select_n3A, %add3A_79, %dma_start3A_86] : memref<4x64x50176xf32, #tpu.memory_space<hbm>> -> memref<1x1x50176xf32, #tpu.memory_space<hbm>>
    %dma_start3A_88 = tpu.memref_squeeze %dma_start3A_87 : memref<1x1x50176xf32, #tpu.memory_space<hbm>> -> memref<50176xf32, #tpu.memory_space<hbm>>
    %dma_start3A_89 = arith.constant 0 : i32
    %dma_start3A_90 = tpu.memref_slice %arg3[%select_n3A, %add3A_79, %dma_start3A_89] : memref<4x64x50176xf32, #tpu.memory_space<hbm>> -> memref<1x1x50176xf32, #tpu.memory_space<hbm>>
    %dma_start3A_91 = tpu.memref_squeeze %dma_start3A_90 : memref<1x1x50176xf32, #tpu.memory_space<hbm>> -> memref<50176xf32, #tpu.memory_space<hbm>>
    tpu.enqueue_dma source(%dma_start3A_91 : memref<50176xf32, #tpu.memory_space<hbm>>) target(%arg10 : memref<50176xf32, #tpu.memory_space<vmem>>) target_semaphore(%arg16 : memref<!tpu.dma_semaphore, #tpu.memory_space<semaphore_mem>>)
    %dma_wait3A_92 = arith.constant 0 : i32
    %dma_wait3A_93 = tpu.memref_slice %arg2[%select_n3A, %add3A_79, %dma_wait3A_92] : memref<4x64x50176xf32, #tpu.memory_space<hbm>> -> memref<1x1x50176xf32, #tpu.memory_space<hbm>>
    %dma_wait3A_94 = tpu.memref_squeeze %dma_wait3A_93 : memref<1x1x50176xf32, #tpu.memory_space<hbm>> -> memref<50176xf32, #tpu.memory_space<hbm>>
    %dma_wait3A_95 = arith.constant 0 : i32
    %dma_wait3A_96 = tpu.memref_slice %arg2[%select_n3A, %add3A_79, %dma_wait3A_95] : memref<4x64x50176xf32, #tpu.memory_space<hbm>> -> memref<1x1x50176xf32, #tpu.memory_space<hbm>>
    %dma_wait3A_97 = tpu.memref_squeeze %dma_wait3A_96 : memref<1x1x50176xf32, #tpu.memory_space<hbm>> -> memref<50176xf32, #tpu.memory_space<hbm>>
    tpu.wait_dma2 semaphore(%arg16 : memref<!tpu.dma_semaphore, #tpu.memory_space<semaphore_mem>>) src(%dma_wait3A_97 : memref<50176xf32, #tpu.memory_space<hbm>>) dst(%arg9 : memref<50176xf32, #tpu.memory_space<vmem>>)
    %dma_wait3A_98 = arith.constant 0 : i32
    %dma_wait3A_99 = tpu.memref_slice %arg3[%select_n3A, %add3A_79, %dma_wait3A_98] : memref<4x64x50176xf32, #tpu.memory_space<hbm>> -> memref<1x1x50176xf32, #tpu.memory_space<hbm>>
    %dma_wait3A_100 = tpu.memref_squeeze %dma_wait3A_99 : memref<1x1x50176xf32, #tpu.memory_space<hbm>> -> memref<50176xf32, #tpu.memory_space<hbm>>
    %dma_wait3A_101 = arith.constant 0 : i32
    %dma_wait3A_102 = tpu.memref_slice %arg3[%select_n3A, %add3A_79, %dma_wait3A_101] : memref<4x64x50176xf32, #tpu.memory_space<hbm>> -> memref<1x1x50176xf32, #tpu.memory_space<hbm>>
    %dma_wait3A_103 = tpu.memref_squeeze %dma_wait3A_102 : memref<1x1x50176xf32, #tpu.memory_space<hbm>> -> memref<50176xf32, #tpu.memory_space<hbm>>
    tpu.wait_dma2 semaphore(%arg16 : memref<!tpu.dma_semaphore, #tpu.memory_space<semaphore_mem>>) src(%dma_wait3A_103 : memref<50176xf32, #tpu.memory_space<hbm>>) dst(%arg10 : memref<50176xf32, #tpu.memory_space<vmem>>)
    %scan3A = arith.constant 0 : i32
    %scan3A_104 = arith.constant 256 : i32
    %scan3A_105 = arith.addi %scan3A, %scan3A_104 : i32
    %scan3A_106 = arith.constant 1 : i32
    %scan3A_107:2 = scf.for %scan3A_445 = %scan3A to %scan3A_105 step %scan3A_106 iter_args(%scan3A_446 = %broadcast_in_dim3A_55, %scan3A_447 = %broadcast_in_dim3A_59) -> (vector<16xf32>, vector<16xf32>)  : i32 {
      %mul3A_448 = arith.constant 16 : i32
      %mul3A_449 = arith.muli %scan3A_445, %mul3A_448 : i32
      %get3A = arith.index_cast %mul3A_449 : i32 to index
      %get3A_450 = tpu.vector_load %arg11[%get3A] {strides = array<i32>} : memref<4096xi32, #tpu.memory_space<vmem>>, vector<16xi32>,
      %get3A_451 = arith.index_cast %mul3A_449 : i32 to index
      %get3A_452 = tpu.vector_load %arg12[%get3A_451] {strides = array<i32>} : memref<4096xi32, #tpu.memory_space<vmem>>, vector<16xi32>,
      %and3A_453 = arith.constant 65535 : i32
      %and3A_454 = vector.broadcast %and3A_453 : i32 to vector<16xi32>
      %and3A_455 = arith.andi %get3A_450, %and3A_454 : vector<16xi32>
      %and3A_456 = arith.constant 65535 : i32
      %and3A_457 = vector.broadcast %and3A_456 : i32 to vector<16xi32>
      %and3A_458 = arith.andi %get3A_452, %and3A_457 : vector<16xi32>
      %gather3A = tpu.vector_load_idx %arg9[%and3A_455] : memref<50176xf32, #tpu.memory_space<vmem>>[vector<16xi32>], vector<16xf32>,
      %gather3A_459 = tpu.vector_load_idx %arg10[%and3A_458] : memref<50176xf32, #tpu.memory_space<vmem>>[vector<16xi32>], vector<16xf32>,
      %sub3A_460 = arith.subf %gather3A, %gather3A_459 : vector<16xf32>
      %mul3A_461 = arith.mulf %sub3A_460, %sub3A_460 : vector<16xf32>
      %add3A_462 = arith.addf %scan3A_446, %mul3A_461 : vector<16xf32>
      %shift_right_logical3A = arith.constant 16 : i32
      %shift_right_logical3A_463 = vector.broadcast %shift_right_logical3A : i32 to vector<16xi32>
      %shift_right_logical3A_464 = arith.shrui %get3A_450, %shift_right_logical3A_463 : vector<16xi32>
      %shift_right_logical3A_465 = arith.constant 16 : i32
      %shift_right_logical3A_466 = vector.broadcast %shift_right_logical3A_465 : i32 to vector<16xi32>
      %shift_right_logical3A_467 = arith.shrui %get3A_452, %shift_right_logical3A_466 : vector<16xi32>
      %gather3A_468 = tpu.vector_load_idx %arg9[%shift_right_logical3A_464] : memref<50176xf32, #tpu.memory_space<vmem>>[vector<16xi32>], vector<16xf32>,
      %gather3A_469 = tpu.vector_load_idx %arg10[%shift_right_logical3A_467] : memref<50176xf32, #tpu.memory_space<vmem>>[vector<16xi32>], vector<16xf32>,
      %sub3A_470 = arith.subf %gather3A_468, %gather3A_469 : vector<16xf32>
      %mul3A_471 = arith.mulf %sub3A_470, %sub3A_470 : vector<16xf32>
      %add3A_472 = arith.addf %scan3A_447, %mul3A_471 : vector<16xf32>
      scf.yield %add3A_462, %add3A_472 : vector<16xf32>, vector<16xf32>
    }
    %scan3A_108 = arith.constant 256 : i32
    %scan3A_109 = arith.constant 0 : i32
    %scan3A_110 = arith.constant 256 : i32
    %scan3A_111 = arith.addi %scan3A_109, %scan3A_110 : i32
    %scan3A_112 = arith.constant 1 : i32
    %scan3A_113:4 = scf.for %scan3A_445 = %scan3A_109 to %scan3A_111 step %scan3A_112 iter_args(%scan3A_446 = %broadcast_in_dim3A_63, %scan3A_447 = %broadcast_in_dim3A_67, %scan3A_448 = %broadcast_in_dim3A_71, %scan3A_449 = %broadcast_in_dim3A_75) -> (vector<16xf32>, vector<16xf32>, vector<16xf32>, vector<16xf32>)  : i32 {
      %mul3A_450 = arith.constant 16 : i32
      %mul3A_451 = arith.muli %scan3A_445, %mul3A_450 : i32
      %get3A = arith.index_cast %mul3A_451 : i32 to index
      %get3A_452 = tpu.vector_load %arg13[%get3A] {strides = array<i32>} : memref<4096xi32, #tpu.memory_space<vmem>>, vector<16xi32>,
      %get3A_453 = arith.index_cast %mul3A_451 : i32 to index
      %get3A_454 = tpu.vector_load %arg14[%get3A_453] {strides = array<i32>} : memref<4096xi32, #tpu.memory_space<vmem>>, vector<16xi32>,
      %and3A_455 = arith.constant 65535 : i32
      %and3A_456 = vector.broadcast %and3A_455 : i32 to vector<16xi32>
      %and3A_457 = arith.andi %get3A_452, %and3A_456 : vector<16xi32>
      %and3A_458 = arith.constant 65535 : i32
      %and3A_459 = vector.broadcast %and3A_458 : i32 to vector<16xi32>
      %and3A_460 = arith.andi %get3A_454, %and3A_459 : vector<16xi32>
      %gather3A = tpu.vector_load_idx %arg9[%and3A_457] : memref<50176xf32, #tpu.memory_space<vmem>>[vector<16xi32>], vector<16xf32>,
      %gather3A_461 = tpu.vector_load_idx %arg10[%and3A_460] : memref<50176xf32, #tpu.memory_space<vmem>>[vector<16xi32>], vector<16xf32>,
      %sub3A_462 = arith.subf %gather3A, %gather3A_461 : vector<16xf32>
      %mul3A_463 = arith.mulf %sub3A_462, %sub3A_462 : vector<16xf32>
      %sub3A_464 = arith.constant 5.000000e-01 : f32
      %sub3A_465 = vector.broadcast %sub3A_464 : f32 to vector<16xf32>
      %sub3A_466 = arith.subf %sub3A_465, %mul3A_463 : vector<16xf32>
      %gt3A = arith.constant 0.000000e+00 : f32
      %gt3A_467 = vector.broadcast %gt3A : f32 to vector<16xf32>
      %gt3A_468 = arith.cmpf ogt, %sub3A_466, %gt3A_467 : vector<16xf32>
      %jit3A_469 = arith.constant 0.000000e+00 : f32
      %broadcast_in_dim3A_470 = vector.broadcast %jit3A_469 : f32 to vector<16xf32>
      %select_n3A_471 = arith.select %gt3A_468, %sub3A_466, %broadcast_in_dim3A_470 : vector<16xi1>, vector<16xf32>
      %add3A_472 = arith.addf %scan3A_446, %select_n3A_471 : vector<16xf32>
      %jit3A_473 = arith.constant 1.000000e+00 : f32
      %jit3A_474 = arith.constant 0.000000e+00 : f32
      %broadcast_in_dim3A_475 = vector.broadcast %jit3A_473 : f32 to vector<16xf32>
      %broadcast_in_dim3A_476 = vector.broadcast %jit3A_474 : f32 to vector<16xf32>
      %select_n3A_477 = arith.select %gt3A_468, %broadcast_in_dim3A_475, %broadcast_in_dim3A_476 : vector<16xi1>, vector<16xf32>
      %add3A_478 = arith.addf %scan3A_448, %select_n3A_477 : vector<16xf32>
      %shift_right_logical3A = arith.constant 16 : i32
      %shift_right_logical3A_479 = vector.broadcast %shift_right_logical3A : i32 to vector<16xi32>
      %shift_right_logical3A_480 = arith.shrui %get3A_452, %shift_right_logical3A_479 : vector<16xi32>
      %shift_right_logical3A_481 = arith.constant 16 : i32
      %shift_right_logical3A_482 = vector.broadcast %shift_right_logical3A_481 : i32 to vector<16xi32>
      %shift_right_logical3A_483 = arith.shrui %get3A_454, %shift_right_logical3A_482 : vector<16xi32>
      %gather3A_484 = tpu.vector_load_idx %arg9[%shift_right_logical3A_480] : memref<50176xf32, #tpu.memory_space<vmem>>[vector<16xi32>], vector<16xf32>,
      %gather3A_485 = tpu.vector_load_idx %arg10[%shift_right_logical3A_483] : memref<50176xf32, #tpu.memory_space<vmem>>[vector<16xi32>], vector<16xf32>,
      %sub3A_486 = arith.subf %gather3A_484, %gather3A_485 : vector<16xf32>
      %mul3A_487 = arith.mulf %sub3A_486, %sub3A_486 : vector<16xf32>
      %sub3A_488 = arith.constant 5.000000e-01 : f32
      %sub3A_489 = vector.broadcast %sub3A_488 : f32 to vector<16xf32>
      %sub3A_490 = arith.subf %sub3A_489, %mul3A_487 : vector<16xf32>
      %gt3A_491 = arith.constant 0.000000e+00 : f32
      %gt3A_492 = vector.broadcast %gt3A_491 : f32 to vector<16xf32>
      %gt3A_493 = arith.cmpf ogt, %sub3A_490, %gt3A_492 : vector<16xf32>
      %jit3A_494 = arith.constant 0.000000e+00 : f32
      %broadcast_in_dim3A_495 = vector.broadcast %jit3A_494 : f32 to vector<16xf32>
      %select_n3A_496 = arith.select %gt3A_493, %sub3A_490, %broadcast_in_dim3A_495 : vector<16xi1>, vector<16xf32>
      %add3A_497 = arith.addf %scan3A_447, %select_n3A_496 : vector<16xf32>
      %jit3A_498 = arith.constant 1.000000e+00 : f32
      %jit3A_499 = arith.constant 0.000000e+00 : f32
      %broadcast_in_dim3A_500 = vector.broadcast %jit3A_498 : f32 to vector<16xf32>
      %broadcast_in_dim3A_501 = vector.broadcast %jit3A_499 : f32 to vector<16xf32>
      %select_n3A_502 = arith.select %gt3A_493, %broadcast_in_dim3A_500, %broadcast_in_dim3A_501 : vector<16xi1>, vector<16xf32>
      %add3A_503 = arith.addf %scan3A_449, %select_n3A_502 : vector<16xf32>
      scf.yield %add3A_472, %add3A_497, %add3A_478, %add3A_503 : vector<16xf32>, vector<16xf32>, vector<16xf32>, vector<16xf32>
    }
    %scan3A_114 = arith.constant 256 : i32
    %add3A_115 = arith.constant 1 : i32
    %add3A_116 = arith.addi %mul3A_32, %add3A_115 : i32
    %dma_start3A_117 = arith.constant 0 : i32
    %dma_start3A_118 = tpu.memref_slice %arg2[%select_n3A, %add3A_116, %dma_start3A_117] : memref<4x64x50176xf32, #tpu.memory_space<hbm>> -> memref<1x1x50176xf32, #tpu.memory_space<hbm>>
    %dma_start3A_119 = tpu.memref_squeeze %dma_start3A_118 : memref<1x1x50176xf32, #tpu.memory_space<hbm>> -> memref<50176xf32, #tpu.memory_space<hbm>>
    %dma_start3A_120 = arith.constant 0 : i32
    %dma_start3A_121 = tpu.memref_slice %arg2[%select_n3A, %add3A_116, %dma_start3A_120] : memref<4x64x50176xf32, #tpu.memory_space<hbm>> -> memref<1x1x50176xf32, #tpu.memory_space<hbm>>
    %dma_start3A_122 = tpu.memref_squeeze %dma_start3A_121 : memref<1x1x50176xf32, #tpu.memory_space<hbm>> -> memref<50176xf32, #tpu.memory_space<hbm>>
    tpu.enqueue_dma source(%dma_start3A_122 : memref<50176xf32, #tpu.memory_space<hbm>>) target(%arg9 : memref<50176xf32, #tpu.memory_space<vmem>>) target_semaphore(%arg16 : memref<!tpu.dma_semaphore, #tpu.memory_space<semaphore_mem>>)
    %dma_start3A_123 = arith.constant 0 : i32
    %dma_start3A_124 = tpu.memref_slice %arg3[%select_n3A, %add3A_116, %dma_start3A_123] : memref<4x64x50176xf32, #tpu.memory_space<hbm>> -> memref<1x1x50176xf32, #tpu.memory_space<hbm>>
    %dma_start3A_125 = tpu.memref_squeeze %dma_start3A_124 : memref<1x1x50176xf32, #tpu.memory_space<hbm>> -> memref<50176xf32, #tpu.memory_space<hbm>>
    %dma_start3A_126 = arith.constant 0 : i32
    %dma_start3A_127 = tpu.memref_slice %arg3[%select_n3A, %add3A_116, %dma_start3A_126] : memref<4x64x50176xf32, #tpu.memory_space<hbm>> -> memref<1x1x50176xf32, #tpu.memory_space<hbm>>
    %dma_start3A_128 = tpu.memref_squeeze %dma_start3A_127 : memref<1x1x50176xf32, #tpu.memory_space<hbm>> -> memref<50176xf32, #tpu.memory_space<hbm>>
    tpu.enqueue_dma source(%dma_start3A_128 : memref<50176xf32, #tpu.memory_space<hbm>>) target(%arg10 : memref<50176xf32, #tpu.memory_space<vmem>>) target_semaphore(%arg16 : memref<!tpu.dma_semaphore, #tpu.memory_space<semaphore_mem>>)
    %dma_wait3A_129 = arith.constant 0 : i32
    %dma_wait3A_130 = tpu.memref_slice %arg2[%select_n3A, %add3A_116, %dma_wait3A_129] : memref<4x64x50176xf32, #tpu.memory_space<hbm>> -> memref<1x1x50176xf32, #tpu.memory_space<hbm>>
    %dma_wait3A_131 = tpu.memref_squeeze %dma_wait3A_130 : memref<1x1x50176xf32, #tpu.memory_space<hbm>> -> memref<50176xf32, #tpu.memory_space<hbm>>
    %dma_wait3A_132 = arith.constant 0 : i32
    %dma_wait3A_133 = tpu.memref_slice %arg2[%select_n3A, %add3A_116, %dma_wait3A_132] : memref<4x64x50176xf32, #tpu.memory_space<hbm>> -> memref<1x1x50176xf32, #tpu.memory_space<hbm>>
    %dma_wait3A_134 = tpu.memref_squeeze %dma_wait3A_133 : memref<1x1x50176xf32, #tpu.memory_space<hbm>> -> memref<50176xf32, #tpu.memory_space<hbm>>
    tpu.wait_dma2 semaphore(%arg16 : memref<!tpu.dma_semaphore, #tpu.memory_space<semaphore_mem>>) src(%dma_wait3A_134 : memref<50176xf32, #tpu.memory_space<hbm>>) dst(%arg9 : memref<50176xf32, #tpu.memory_space<vmem>>)
    %dma_wait3A_135 = arith.constant 0 : i32
    %dma_wait3A_136 = tpu.memref_slice %arg3[%select_n3A, %add3A_116, %dma_wait3A_135] : memref<4x64x50176xf32, #tpu.memory_space<hbm>> -> memref<1x1x50176xf32, #tpu.memory_space<hbm>>
    %dma_wait3A_137 = tpu.memref_squeeze %dma_wait3A_136 : memref<1x1x50176xf32, #tpu.memory_space<hbm>> -> memref<50176xf32, #tpu.memory_space<hbm>>
    %dma_wait3A_138 = arith.constant 0 : i32
    %dma_wait3A_139 = tpu.memref_slice %arg3[%select_n3A, %add3A_116, %dma_wait3A_138] : memref<4x64x50176xf32, #tpu.memory_space<hbm>> -> memref<1x1x50176xf32, #tpu.memory_space<hbm>>
    %dma_wait3A_140 = tpu.memref_squeeze %dma_wait3A_139 : memref<1x1x50176xf32, #tpu.memory_space<hbm>> -> memref<50176xf32, #tpu.memory_space<hbm>>
    tpu.wait_dma2 semaphore(%arg16 : memref<!tpu.dma_semaphore, #tpu.memory_space<semaphore_mem>>) src(%dma_wait3A_140 : memref<50176xf32, #tpu.memory_space<hbm>>) dst(%arg10 : memref<50176xf32, #tpu.memory_space<vmem>>)
    %scan3A_141 = arith.constant 0 : i32
    %scan3A_142 = arith.constant 256 : i32
    %scan3A_143 = arith.addi %scan3A_141, %scan3A_142 : i32
    %scan3A_144 = arith.constant 1 : i32
    %scan3A_145:2 = scf.for %scan3A_445 = %scan3A_141 to %scan3A_143 step %scan3A_144 iter_args(%scan3A_446 = %scan3A_107#0, %scan3A_447 = %scan3A_107#1) -> (vector<16xf32>, vector<16xf32>)  : i32 {
      %mul3A_448 = arith.constant 16 : i32
      %mul3A_449 = arith.muli %scan3A_445, %mul3A_448 : i32
      %get3A = arith.index_cast %mul3A_449 : i32 to index
      %get3A_450 = tpu.vector_load %arg11[%get3A] {strides = array<i32>} : memref<4096xi32, #tpu.memory_space<vmem>>, vector<16xi32>,
      %get3A_451 = arith.index_cast %mul3A_449 : i32 to index
      %get3A_452 = tpu.vector_load %arg12[%get3A_451] {strides = array<i32>} : memref<4096xi32, #tpu.memory_space<vmem>>, vector<16xi32>,
      %and3A_453 = arith.constant 65535 : i32
      %and3A_454 = vector.broadcast %and3A_453 : i32 to vector<16xi32>
      %and3A_455 = arith.andi %get3A_450, %and3A_454 : vector<16xi32>
      %and3A_456 = arith.constant 65535 : i32
      %and3A_457 = vector.broadcast %and3A_456 : i32 to vector<16xi32>
      %and3A_458 = arith.andi %get3A_452, %and3A_457 : vector<16xi32>
      %gather3A = tpu.vector_load_idx %arg9[%and3A_455] : memref<50176xf32, #tpu.memory_space<vmem>>[vector<16xi32>], vector<16xf32>,
      %gather3A_459 = tpu.vector_load_idx %arg10[%and3A_458] : memref<50176xf32, #tpu.memory_space<vmem>>[vector<16xi32>], vector<16xf32>,
      %sub3A_460 = arith.subf %gather3A, %gather3A_459 : vector<16xf32>
      %mul3A_461 = arith.mulf %sub3A_460, %sub3A_460 : vector<16xf32>
      %add3A_462 = arith.addf %scan3A_446, %mul3A_461 : vector<16xf32>
      %shift_right_logical3A = arith.constant 16 : i32
      %shift_right_logical3A_463 = vector.broadcast %shift_right_logical3A : i32 to vector<16xi32>
      %shift_right_logical3A_464 = arith.shrui %get3A_450, %shift_right_logical3A_463 : vector<16xi32>
      %shift_right_logical3A_465 = arith.constant 16 : i32
      %shift_right_logical3A_466 = vector.broadcast %shift_right_logical3A_465 : i32 to vector<16xi32>
      %shift_right_logical3A_467 = arith.shrui %get3A_452, %shift_right_logical3A_466 : vector<16xi32>
      %gather3A_468 = tpu.vector_load_idx %arg9[%shift_right_logical3A_464] : memref<50176xf32, #tpu.memory_space<vmem>>[vector<16xi32>], vector<16xf32>,
      %gather3A_469 = tpu.vector_load_idx %arg10[%shift_right_logical3A_467] : memref<50176xf32, #tpu.memory_space<vmem>>[vector<16xi32>], vector<16xf32>,
      %sub3A_470 = arith.subf %gather3A_468, %gather3A_469 : vector<16xf32>
      %mul3A_471 = arith.mulf %sub3A_470, %sub3A_470 : vector<16xf32>
      %add3A_472 = arith.addf %scan3A_447, %mul3A_471 : vector<16xf32>
      scf.yield %add3A_462, %add3A_472 : vector<16xf32>, vector<16xf32>
    }
    %scan3A_146 = arith.constant 256 : i32
    %scan3A_147 = arith.constant 0 : i32
    %scan3A_148 = arith.constant 256 : i32
    %scan3A_149 = arith.addi %scan3A_147, %scan3A_148 : i32
    %scan3A_150 = arith.constant 1 : i32
    %scan3A_151:4 = scf.for %scan3A_445 = %scan3A_147 to %scan3A_149 step %scan3A_150 iter_args(%scan3A_446 = %scan3A_113#0, %scan3A_447 = %scan3A_113#1, %scan3A_448 = %scan3A_113#2, %scan3A_449 = %scan3A_113#3) -> (vector<16xf32>, vector<16xf32>, vector<16xf32>, vector<16xf32>)  : i32 {
      %mul3A_450 = arith.constant 16 : i32
      %mul3A_451 = arith.muli %scan3A_445, %mul3A_450 : i32
      %get3A = arith.index_cast %mul3A_451 : i32 to index
      %get3A_452 = tpu.vector_load %arg13[%get3A] {strides = array<i32>} : memref<4096xi32, #tpu.memory_space<vmem>>, vector<16xi32>,
      %get3A_453 = arith.index_cast %mul3A_451 : i32 to index
      %get3A_454 = tpu.vector_load %arg14[%get3A_453] {strides = array<i32>} : memref<4096xi32, #tpu.memory_space<vmem>>, vector<16xi32>,
      %and3A_455 = arith.constant 65535 : i32
      %and3A_456 = vector.broadcast %and3A_455 : i32 to vector<16xi32>
      %and3A_457 = arith.andi %get3A_452, %and3A_456 : vector<16xi32>
      %and3A_458 = arith.constant 65535 : i32
      %and3A_459 = vector.broadcast %and3A_458 : i32 to vector<16xi32>
      %and3A_460 = arith.andi %get3A_454, %and3A_459 : vector<16xi32>
      %gather3A = tpu.vector_load_idx %arg9[%and3A_457] : memref<50176xf32, #tpu.memory_space<vmem>>[vector<16xi32>], vector<16xf32>,
      %gather3A_461 = tpu.vector_load_idx %arg10[%and3A_460] : memref<50176xf32, #tpu.memory_space<vmem>>[vector<16xi32>], vector<16xf32>,
      %sub3A_462 = arith.subf %gather3A, %gather3A_461 : vector<16xf32>
      %mul3A_463 = arith.mulf %sub3A_462, %sub3A_462 : vector<16xf32>
      %sub3A_464 = arith.constant 5.000000e-01 : f32
      %sub3A_465 = vector.broadcast %sub3A_464 : f32 to vector<16xf32>
      %sub3A_466 = arith.subf %sub3A_465, %mul3A_463 : vector<16xf32>
      %gt3A = arith.constant 0.000000e+00 : f32
      %gt3A_467 = vector.broadcast %gt3A : f32 to vector<16xf32>
      %gt3A_468 = arith.cmpf ogt, %sub3A_466, %gt3A_467 : vector<16xf32>
      %jit3A_469 = arith.constant 0.000000e+00 : f32
      %broadcast_in_dim3A_470 = vector.broadcast %jit3A_469 : f32 to vector<16xf32>
      %select_n3A_471 = arith.select %gt3A_468, %sub3A_466, %broadcast_in_dim3A_470 : vector<16xi1>, vector<16xf32>
      %add3A_472 = arith.addf %scan3A_446, %select_n3A_471 : vector<16xf32>
      %jit3A_473 = arith.constant 1.000000e+00 : f32
      %jit3A_474 = arith.constant 0.000000e+00 : f32
      %broadcast_in_dim3A_475 = vector.broadcast %jit3A_473 : f32 to vector<16xf32>
      %broadcast_in_dim3A_476 = vector.broadcast %jit3A_474 : f32 to vector<16xf32>
      %select_n3A_477 = arith.select %gt3A_468, %broadcast_in_dim3A_475, %broadcast_in_dim3A_476 : vector<16xi1>, vector<16xf32>
      %add3A_478 = arith.addf %scan3A_448, %select_n3A_477 : vector<16xf32>
      %shift_right_logical3A = arith.constant 16 : i32
      %shift_right_logical3A_479 = vector.broadcast %shift_right_logical3A : i32 to vector<16xi32>
      %shift_right_logical3A_480 = arith.shrui %get3A_452, %shift_right_logical3A_479 : vector<16xi32>
      %shift_right_logical3A_481 = arith.constant 16 : i32
      %shift_right_logical3A_482 = vector.broadcast %shift_right_logical3A_481 : i32 to vector<16xi32>
      %shift_right_logical3A_483 = arith.shrui %get3A_454, %shift_right_logical3A_482 : vector<16xi32>
      %gather3A_484 = tpu.vector_load_idx %arg9[%shift_right_logical3A_480] : memref<50176xf32, #tpu.memory_space<vmem>>[vector<16xi32>], vector<16xf32>,
      %gather3A_485 = tpu.vector_load_idx %arg10[%shift_right_logical3A_483] : memref<50176xf32, #tpu.memory_space<vmem>>[vector<16xi32>], vector<16xf32>,
      %sub3A_486 = arith.subf %gather3A_484, %gather3A_485 : vector<16xf32>
      %mul3A_487 = arith.mulf %sub3A_486, %sub3A_486 : vector<16xf32>
      %sub3A_488 = arith.constant 5.000000e-01 : f32
      %sub3A_489 = vector.broadcast %sub3A_488 : f32 to vector<16xf32>
      %sub3A_490 = arith.subf %sub3A_489, %mul3A_487 : vector<16xf32>
      %gt3A_491 = arith.constant 0.000000e+00 : f32
      %gt3A_492 = vector.broadcast %gt3A_491 : f32 to vector<16xf32>
      %gt3A_493 = arith.cmpf ogt, %sub3A_490, %gt3A_492 : vector<16xf32>
      %jit3A_494 = arith.constant 0.000000e+00 : f32
      %broadcast_in_dim3A_495 = vector.broadcast %jit3A_494 : f32 to vector<16xf32>
      %select_n3A_496 = arith.select %gt3A_493, %sub3A_490, %broadcast_in_dim3A_495 : vector<16xi1>, vector<16xf32>
      %add3A_497 = arith.addf %scan3A_447, %select_n3A_496 : vector<16xf32>
      %jit3A_498 = arith.constant 1.000000e+00 : f32
      %jit3A_499 = arith.constant 0.000000e+00 : f32
      %broadcast_in_dim3A_500 = vector.broadcast %jit3A_498 : f32 to vector<16xf32>
      %broadcast_in_dim3A_501 = vector.broadcast %jit3A_499 : f32 to vector<16xf32>
      %select_n3A_502 = arith.select %gt3A_493, %broadcast_in_dim3A_500, %broadcast_in_dim3A_501 : vector<16xi1>, vector<16xf32>
      %add3A_503 = arith.addf %scan3A_449, %select_n3A_502 : vector<16xf32>
      scf.yield %add3A_472, %add3A_497, %add3A_478, %add3A_503 : vector<16xf32>, vector<16xf32>, vector<16xf32>, vector<16xf32>
    }
    %scan3A_152 = arith.constant 256 : i32
    %add3A_153 = arith.constant 2 : i32
    %add3A_154 = arith.addi %mul3A_32, %add3A_153 : i32
    %dma_start3A_155 = arith.constant 0 : i32
    %dma_start3A_156 = tpu.memref_slice %arg2[%select_n3A, %add3A_154, %dma_start3A_155] : memref<4x64x50176xf32, #tpu.memory_space<hbm>> -> memref<1x1x50176xf32, #tpu.memory_space<hbm>>
    %dma_start3A_157 = tpu.memref_squeeze %dma_start3A_156 : memref<1x1x50176xf32, #tpu.memory_space<hbm>> -> memref<50176xf32, #tpu.memory_space<hbm>>
    %dma_start3A_158 = arith.constant 0 : i32
    %dma_start3A_159 = tpu.memref_slice %arg2[%select_n3A, %add3A_154, %dma_start3A_158] : memref<4x64x50176xf32, #tpu.memory_space<hbm>> -> memref<1x1x50176xf32, #tpu.memory_space<hbm>>
    %dma_start3A_160 = tpu.memref_squeeze %dma_start3A_159 : memref<1x1x50176xf32, #tpu.memory_space<hbm>> -> memref<50176xf32, #tpu.memory_space<hbm>>
    tpu.enqueue_dma source(%dma_start3A_160 : memref<50176xf32, #tpu.memory_space<hbm>>) target(%arg9 : memref<50176xf32, #tpu.memory_space<vmem>>) target_semaphore(%arg16 : memref<!tpu.dma_semaphore, #tpu.memory_space<semaphore_mem>>)
    %dma_start3A_161 = arith.constant 0 : i32
    %dma_start3A_162 = tpu.memref_slice %arg3[%select_n3A, %add3A_154, %dma_start3A_161] : memref<4x64x50176xf32, #tpu.memory_space<hbm>> -> memref<1x1x50176xf32, #tpu.memory_space<hbm>>
    %dma_start3A_163 = tpu.memref_squeeze %dma_start3A_162 : memref<1x1x50176xf32, #tpu.memory_space<hbm>> -> memref<50176xf32, #tpu.memory_space<hbm>>
    %dma_start3A_164 = arith.constant 0 : i32
    %dma_start3A_165 = tpu.memref_slice %arg3[%select_n3A, %add3A_154, %dma_start3A_164] : memref<4x64x50176xf32, #tpu.memory_space<hbm>> -> memref<1x1x50176xf32, #tpu.memory_space<hbm>>
    %dma_start3A_166 = tpu.memref_squeeze %dma_start3A_165 : memref<1x1x50176xf32, #tpu.memory_space<hbm>> -> memref<50176xf32, #tpu.memory_space<hbm>>
    tpu.enqueue_dma source(%dma_start3A_166 : memref<50176xf32, #tpu.memory_space<hbm>>) target(%arg10 : memref<50176xf32, #tpu.memory_space<vmem>>) target_semaphore(%arg16 : memref<!tpu.dma_semaphore, #tpu.memory_space<semaphore_mem>>)
    %dma_wait3A_167 = arith.constant 0 : i32
    %dma_wait3A_168 = tpu.memref_slice %arg2[%select_n3A, %add3A_154, %dma_wait3A_167] : memref<4x64x50176xf32, #tpu.memory_space<hbm>> -> memref<1x1x50176xf32, #tpu.memory_space<hbm>>
    %dma_wait3A_169 = tpu.memref_squeeze %dma_wait3A_168 : memref<1x1x50176xf32, #tpu.memory_space<hbm>> -> memref<50176xf32, #tpu.memory_space<hbm>>
    %dma_wait3A_170 = arith.constant 0 : i32
    %dma_wait3A_171 = tpu.memref_slice %arg2[%select_n3A, %add3A_154, %dma_wait3A_170] : memref<4x64x50176xf32, #tpu.memory_space<hbm>> -> memref<1x1x50176xf32, #tpu.memory_space<hbm>>
    %dma_wait3A_172 = tpu.memref_squeeze %dma_wait3A_171 : memref<1x1x50176xf32, #tpu.memory_space<hbm>> -> memref<50176xf32, #tpu.memory_space<hbm>>
    tpu.wait_dma2 semaphore(%arg16 : memref<!tpu.dma_semaphore, #tpu.memory_space<semaphore_mem>>) src(%dma_wait3A_172 : memref<50176xf32, #tpu.memory_space<hbm>>) dst(%arg9 : memref<50176xf32, #tpu.memory_space<vmem>>)
    %dma_wait3A_173 = arith.constant 0 : i32
    %dma_wait3A_174 = tpu.memref_slice %arg3[%select_n3A, %add3A_154, %dma_wait3A_173] : memref<4x64x50176xf32, #tpu.memory_space<hbm>> -> memref<1x1x50176xf32, #tpu.memory_space<hbm>>
    %dma_wait3A_175 = tpu.memref_squeeze %dma_wait3A_174 : memref<1x1x50176xf32, #tpu.memory_space<hbm>> -> memref<50176xf32, #tpu.memory_space<hbm>>
    %dma_wait3A_176 = arith.constant 0 : i32
    %dma_wait3A_177 = tpu.memref_slice %arg3[%select_n3A, %add3A_154, %dma_wait3A_176] : memref<4x64x50176xf32, #tpu.memory_space<hbm>> -> memref<1x1x50176xf32, #tpu.memory_space<hbm>>
    %dma_wait3A_178 = tpu.memref_squeeze %dma_wait3A_177 : memref<1x1x50176xf32, #tpu.memory_space<hbm>> -> memref<50176xf32, #tpu.memory_space<hbm>>
    tpu.wait_dma2 semaphore(%arg16 : memref<!tpu.dma_semaphore, #tpu.memory_space<semaphore_mem>>) src(%dma_wait3A_178 : memref<50176xf32, #tpu.memory_space<hbm>>) dst(%arg10 : memref<50176xf32, #tpu.memory_space<vmem>>)
    %scan3A_179 = arith.constant 0 : i32
    %scan3A_180 = arith.constant 256 : i32
    %scan3A_181 = arith.addi %scan3A_179, %scan3A_180 : i32
    %scan3A_182 = arith.constant 1 : i32
    %scan3A_183:2 = scf.for %scan3A_445 = %scan3A_179 to %scan3A_181 step %scan3A_182 iter_args(%scan3A_446 = %scan3A_145#0, %scan3A_447 = %scan3A_145#1) -> (vector<16xf32>, vector<16xf32>)  : i32 {
      %mul3A_448 = arith.constant 16 : i32
      %mul3A_449 = arith.muli %scan3A_445, %mul3A_448 : i32
      %get3A = arith.index_cast %mul3A_449 : i32 to index
      %get3A_450 = tpu.vector_load %arg11[%get3A] {strides = array<i32>} : memref<4096xi32, #tpu.memory_space<vmem>>, vector<16xi32>,
      %get3A_451 = arith.index_cast %mul3A_449 : i32 to index
      %get3A_452 = tpu.vector_load %arg12[%get3A_451] {strides = array<i32>} : memref<4096xi32, #tpu.memory_space<vmem>>, vector<16xi32>,
      %and3A_453 = arith.constant 65535 : i32
      %and3A_454 = vector.broadcast %and3A_453 : i32 to vector<16xi32>
      %and3A_455 = arith.andi %get3A_450, %and3A_454 : vector<16xi32>
      %and3A_456 = arith.constant 65535 : i32
      %and3A_457 = vector.broadcast %and3A_456 : i32 to vector<16xi32>
      %and3A_458 = arith.andi %get3A_452, %and3A_457 : vector<16xi32>
      %gather3A = tpu.vector_load_idx %arg9[%and3A_455] : memref<50176xf32, #tpu.memory_space<vmem>>[vector<16xi32>], vector<16xf32>,
      %gather3A_459 = tpu.vector_load_idx %arg10[%and3A_458] : memref<50176xf32, #tpu.memory_space<vmem>>[vector<16xi32>], vector<16xf32>,
      %sub3A_460 = arith.subf %gather3A, %gather3A_459 : vector<16xf32>
      %mul3A_461 = arith.mulf %sub3A_460, %sub3A_460 : vector<16xf32>
      %add3A_462 = arith.addf %scan3A_446, %mul3A_461 : vector<16xf32>
      %shift_right_logical3A = arith.constant 16 : i32
      %shift_right_logical3A_463 = vector.broadcast %shift_right_logical3A : i32 to vector<16xi32>
      %shift_right_logical3A_464 = arith.shrui %get3A_450, %shift_right_logical3A_463 : vector<16xi32>
      %shift_right_logical3A_465 = arith.constant 16 : i32
      %shift_right_logical3A_466 = vector.broadcast %shift_right_logical3A_465 : i32 to vector<16xi32>
      %shift_right_logical3A_467 = arith.shrui %get3A_452, %shift_right_logical3A_466 : vector<16xi32>
      %gather3A_468 = tpu.vector_load_idx %arg9[%shift_right_logical3A_464] : memref<50176xf32, #tpu.memory_space<vmem>>[vector<16xi32>], vector<16xf32>,
      %gather3A_469 = tpu.vector_load_idx %arg10[%shift_right_logical3A_467] : memref<50176xf32, #tpu.memory_space<vmem>>[vector<16xi32>], vector<16xf32>,
      %sub3A_470 = arith.subf %gather3A_468, %gather3A_469 : vector<16xf32>
      %mul3A_471 = arith.mulf %sub3A_470, %sub3A_470 : vector<16xf32>
      %add3A_472 = arith.addf %scan3A_447, %mul3A_471 : vector<16xf32>
      scf.yield %add3A_462, %add3A_472 : vector<16xf32>, vector<16xf32>
    }
    %scan3A_184 = arith.constant 256 : i32
    %scan3A_185 = arith.constant 0 : i32
    %scan3A_186 = arith.constant 256 : i32
    %scan3A_187 = arith.addi %scan3A_185, %scan3A_186 : i32
    %scan3A_188 = arith.constant 1 : i32
    %scan3A_189:4 = scf.for %scan3A_445 = %scan3A_185 to %scan3A_187 step %scan3A_188 iter_args(%scan3A_446 = %scan3A_151#0, %scan3A_447 = %scan3A_151#1, %scan3A_448 = %scan3A_151#2, %scan3A_449 = %scan3A_151#3) -> (vector<16xf32>, vector<16xf32>, vector<16xf32>, vector<16xf32>)  : i32 {
      %mul3A_450 = arith.constant 16 : i32
      %mul3A_451 = arith.muli %scan3A_445, %mul3A_450 : i32
      %get3A = arith.index_cast %mul3A_451 : i32 to index
      %get3A_452 = tpu.vector_load %arg13[%get3A] {strides = array<i32>} : memref<4096xi32, #tpu.memory_space<vmem>>, vector<16xi32>,
      %get3A_453 = arith.index_cast %mul3A_451 : i32 to index
      %get3A_454 = tpu.vector_load %arg14[%get3A_453] {strides = array<i32>} : memref<4096xi32, #tpu.memory_space<vmem>>, vector<16xi32>,
      %and3A_455 = arith.constant 65535 : i32
      %and3A_456 = vector.broadcast %and3A_455 : i32 to vector<16xi32>
      %and3A_457 = arith.andi %get3A_452, %and3A_456 : vector<16xi32>
      %and3A_458 = arith.constant 65535 : i32
      %and3A_459 = vector.broadcast %and3A_458 : i32 to vector<16xi32>
      %and3A_460 = arith.andi %get3A_454, %and3A_459 : vector<16xi32>
      %gather3A = tpu.vector_load_idx %arg9[%and3A_457] : memref<50176xf32, #tpu.memory_space<vmem>>[vector<16xi32>], vector<16xf32>,
      %gather3A_461 = tpu.vector_load_idx %arg10[%and3A_460] : memref<50176xf32, #tpu.memory_space<vmem>>[vector<16xi32>], vector<16xf32>,
      %sub3A_462 = arith.subf %gather3A, %gather3A_461 : vector<16xf32>
      %mul3A_463 = arith.mulf %sub3A_462, %sub3A_462 : vector<16xf32>
      %sub3A_464 = arith.constant 5.000000e-01 : f32
      %sub3A_465 = vector.broadcast %sub3A_464 : f32 to vector<16xf32>
      %sub3A_466 = arith.subf %sub3A_465, %mul3A_463 : vector<16xf32>
      %gt3A = arith.constant 0.000000e+00 : f32
      %gt3A_467 = vector.broadcast %gt3A : f32 to vector<16xf32>
      %gt3A_468 = arith.cmpf ogt, %sub3A_466, %gt3A_467 : vector<16xf32>
      %jit3A_469 = arith.constant 0.000000e+00 : f32
      %broadcast_in_dim3A_470 = vector.broadcast %jit3A_469 : f32 to vector<16xf32>
      %select_n3A_471 = arith.select %gt3A_468, %sub3A_466, %broadcast_in_dim3A_470 : vector<16xi1>, vector<16xf32>
      %add3A_472 = arith.addf %scan3A_446, %select_n3A_471 : vector<16xf32>
      %jit3A_473 = arith.constant 1.000000e+00 : f32
      %jit3A_474 = arith.constant 0.000000e+00 : f32
      %broadcast_in_dim3A_475 = vector.broadcast %jit3A_473 : f32 to vector<16xf32>
      %broadcast_in_dim3A_476 = vector.broadcast %jit3A_474 : f32 to vector<16xf32>
      %select_n3A_477 = arith.select %gt3A_468, %broadcast_in_dim3A_475, %broadcast_in_dim3A_476 : vector<16xi1>, vector<16xf32>
      %add3A_478 = arith.addf %scan3A_448, %select_n3A_477 : vector<16xf32>
      %shift_right_logical3A = arith.constant 16 : i32
      %shift_right_logical3A_479 = vector.broadcast %shift_right_logical3A : i32 to vector<16xi32>
      %shift_right_logical3A_480 = arith.shrui %get3A_452, %shift_right_logical3A_479 : vector<16xi32>
      %shift_right_logical3A_481 = arith.constant 16 : i32
      %shift_right_logical3A_482 = vector.broadcast %shift_right_logical3A_481 : i32 to vector<16xi32>
      %shift_right_logical3A_483 = arith.shrui %get3A_454, %shift_right_logical3A_482 : vector<16xi32>
      %gather3A_484 = tpu.vector_load_idx %arg9[%shift_right_logical3A_480] : memref<50176xf32, #tpu.memory_space<vmem>>[vector<16xi32>], vector<16xf32>,
      %gather3A_485 = tpu.vector_load_idx %arg10[%shift_right_logical3A_483] : memref<50176xf32, #tpu.memory_space<vmem>>[vector<16xi32>], vector<16xf32>,
      %sub3A_486 = arith.subf %gather3A_484, %gather3A_485 : vector<16xf32>
      %mul3A_487 = arith.mulf %sub3A_486, %sub3A_486 : vector<16xf32>
      %sub3A_488 = arith.constant 5.000000e-01 : f32
      %sub3A_489 = vector.broadcast %sub3A_488 : f32 to vector<16xf32>
      %sub3A_490 = arith.subf %sub3A_489, %mul3A_487 : vector<16xf32>
      %gt3A_491 = arith.constant 0.000000e+00 : f32
      %gt3A_492 = vector.broadcast %gt3A_491 : f32 to vector<16xf32>
      %gt3A_493 = arith.cmpf ogt, %sub3A_490, %gt3A_492 : vector<16xf32>
      %jit3A_494 = arith.constant 0.000000e+00 : f32
      %broadcast_in_dim3A_495 = vector.broadcast %jit3A_494 : f32 to vector<16xf32>
      %select_n3A_496 = arith.select %gt3A_493, %sub3A_490, %broadcast_in_dim3A_495 : vector<16xi1>, vector<16xf32>
      %add3A_497 = arith.addf %scan3A_447, %select_n3A_496 : vector<16xf32>
      %jit3A_498 = arith.constant 1.000000e+00 : f32
      %jit3A_499 = arith.constant 0.000000e+00 : f32
      %broadcast_in_dim3A_500 = vector.broadcast %jit3A_498 : f32 to vector<16xf32>
      %broadcast_in_dim3A_501 = vector.broadcast %jit3A_499 : f32 to vector<16xf32>
      %select_n3A_502 = arith.select %gt3A_493, %broadcast_in_dim3A_500, %broadcast_in_dim3A_501 : vector<16xi1>, vector<16xf32>
      %add3A_503 = arith.addf %scan3A_449, %select_n3A_502 : vector<16xf32>
      scf.yield %add3A_472, %add3A_497, %add3A_478, %add3A_503 : vector<16xf32>, vector<16xf32>, vector<16xf32>, vector<16xf32>
    }
    %scan3A_190 = arith.constant 256 : i32
    %add3A_191 = arith.constant 3 : i32
    %add3A_192 = arith.addi %mul3A_32, %add3A_191 : i32
    %dma_start3A_193 = arith.constant 0 : i32
    %dma_start3A_194 = tpu.memref_slice %arg2[%select_n3A, %add3A_192, %dma_start3A_193] : memref<4x64x50176xf32, #tpu.memory_space<hbm>> -> memref<1x1x50176xf32, #tpu.memory_space<hbm>>
    %dma_start3A_195 = tpu.memref_squeeze %dma_start3A_194 : memref<1x1x50176xf32, #tpu.memory_space<hbm>> -> memref<50176xf32, #tpu.memory_space<hbm>>
    %dma_start3A_196 = arith.constant 0 : i32
    %dma_start3A_197 = tpu.memref_slice %arg2[%select_n3A, %add3A_192, %dma_start3A_196] : memref<4x64x50176xf32, #tpu.memory_space<hbm>> -> memref<1x1x50176xf32, #tpu.memory_space<hbm>>
    %dma_start3A_198 = tpu.memref_squeeze %dma_start3A_197 : memref<1x1x50176xf32, #tpu.memory_space<hbm>> -> memref<50176xf32, #tpu.memory_space<hbm>>
    tpu.enqueue_dma source(%dma_start3A_198 : memref<50176xf32, #tpu.memory_space<hbm>>) target(%arg9 : memref<50176xf32, #tpu.memory_space<vmem>>) target_semaphore(%arg16 : memref<!tpu.dma_semaphore, #tpu.memory_space<semaphore_mem>>)
    %dma_start3A_199 = arith.constant 0 : i32
    %dma_start3A_200 = tpu.memref_slice %arg3[%select_n3A, %add3A_192, %dma_start3A_199] : memref<4x64x50176xf32, #tpu.memory_space<hbm>> -> memref<1x1x50176xf32, #tpu.memory_space<hbm>>
    %dma_start3A_201 = tpu.memref_squeeze %dma_start3A_200 : memref<1x1x50176xf32, #tpu.memory_space<hbm>> -> memref<50176xf32, #tpu.memory_space<hbm>>
    %dma_start3A_202 = arith.constant 0 : i32
    %dma_start3A_203 = tpu.memref_slice %arg3[%select_n3A, %add3A_192, %dma_start3A_202] : memref<4x64x50176xf32, #tpu.memory_space<hbm>> -> memref<1x1x50176xf32, #tpu.memory_space<hbm>>
    %dma_start3A_204 = tpu.memref_squeeze %dma_start3A_203 : memref<1x1x50176xf32, #tpu.memory_space<hbm>> -> memref<50176xf32, #tpu.memory_space<hbm>>
    tpu.enqueue_dma source(%dma_start3A_204 : memref<50176xf32, #tpu.memory_space<hbm>>) target(%arg10 : memref<50176xf32, #tpu.memory_space<vmem>>) target_semaphore(%arg16 : memref<!tpu.dma_semaphore, #tpu.memory_space<semaphore_mem>>)
    %dma_wait3A_205 = arith.constant 0 : i32
    %dma_wait3A_206 = tpu.memref_slice %arg2[%select_n3A, %add3A_192, %dma_wait3A_205] : memref<4x64x50176xf32, #tpu.memory_space<hbm>> -> memref<1x1x50176xf32, #tpu.memory_space<hbm>>
    %dma_wait3A_207 = tpu.memref_squeeze %dma_wait3A_206 : memref<1x1x50176xf32, #tpu.memory_space<hbm>> -> memref<50176xf32, #tpu.memory_space<hbm>>
    %dma_wait3A_208 = arith.constant 0 : i32
    %dma_wait3A_209 = tpu.memref_slice %arg2[%select_n3A, %add3A_192, %dma_wait3A_208] : memref<4x64x50176xf32, #tpu.memory_space<hbm>> -> memref<1x1x50176xf32, #tpu.memory_space<hbm>>
    %dma_wait3A_210 = tpu.memref_squeeze %dma_wait3A_209 : memref<1x1x50176xf32, #tpu.memory_space<hbm>> -> memref<50176xf32, #tpu.memory_space<hbm>>
    tpu.wait_dma2 semaphore(%arg16 : memref<!tpu.dma_semaphore, #tpu.memory_space<semaphore_mem>>) src(%dma_wait3A_210 : memref<50176xf32, #tpu.memory_space<hbm>>) dst(%arg9 : memref<50176xf32, #tpu.memory_space<vmem>>)
    %dma_wait3A_211 = arith.constant 0 : i32
    %dma_wait3A_212 = tpu.memref_slice %arg3[%select_n3A, %add3A_192, %dma_wait3A_211] : memref<4x64x50176xf32, #tpu.memory_space<hbm>> -> memref<1x1x50176xf32, #tpu.memory_space<hbm>>
    %dma_wait3A_213 = tpu.memref_squeeze %dma_wait3A_212 : memref<1x1x50176xf32, #tpu.memory_space<hbm>> -> memref<50176xf32, #tpu.memory_space<hbm>>
    %dma_wait3A_214 = arith.constant 0 : i32
    %dma_wait3A_215 = tpu.memref_slice %arg3[%select_n3A, %add3A_192, %dma_wait3A_214] : memref<4x64x50176xf32, #tpu.memory_space<hbm>> -> memref<1x1x50176xf32, #tpu.memory_space<hbm>>
    %dma_wait3A_216 = tpu.memref_squeeze %dma_wait3A_215 : memref<1x1x50176xf32, #tpu.memory_space<hbm>> -> memref<50176xf32, #tpu.memory_space<hbm>>
    tpu.wait_dma2 semaphore(%arg16 : memref<!tpu.dma_semaphore, #tpu.memory_space<semaphore_mem>>) src(%dma_wait3A_216 : memref<50176xf32, #tpu.memory_space<hbm>>) dst(%arg10 : memref<50176xf32, #tpu.memory_space<vmem>>)
    %scan3A_217 = arith.constant 0 : i32
    %scan3A_218 = arith.constant 256 : i32
    %scan3A_219 = arith.addi %scan3A_217, %scan3A_218 : i32
    %scan3A_220 = arith.constant 1 : i32
    %scan3A_221:2 = scf.for %scan3A_445 = %scan3A_217 to %scan3A_219 step %scan3A_220 iter_args(%scan3A_446 = %scan3A_183#0, %scan3A_447 = %scan3A_183#1) -> (vector<16xf32>, vector<16xf32>)  : i32 {
      %mul3A_448 = arith.constant 16 : i32
      %mul3A_449 = arith.muli %scan3A_445, %mul3A_448 : i32
      %get3A = arith.index_cast %mul3A_449 : i32 to index
      %get3A_450 = tpu.vector_load %arg11[%get3A] {strides = array<i32>} : memref<4096xi32, #tpu.memory_space<vmem>>, vector<16xi32>,
      %get3A_451 = arith.index_cast %mul3A_449 : i32 to index
      %get3A_452 = tpu.vector_load %arg12[%get3A_451] {strides = array<i32>} : memref<4096xi32, #tpu.memory_space<vmem>>, vector<16xi32>,
      %and3A_453 = arith.constant 65535 : i32
      %and3A_454 = vector.broadcast %and3A_453 : i32 to vector<16xi32>
      %and3A_455 = arith.andi %get3A_450, %and3A_454 : vector<16xi32>
      %and3A_456 = arith.constant 65535 : i32
      %and3A_457 = vector.broadcast %and3A_456 : i32 to vector<16xi32>
      %and3A_458 = arith.andi %get3A_452, %and3A_457 : vector<16xi32>
      %gather3A = tpu.vector_load_idx %arg9[%and3A_455] : memref<50176xf32, #tpu.memory_space<vmem>>[vector<16xi32>], vector<16xf32>,
      %gather3A_459 = tpu.vector_load_idx %arg10[%and3A_458] : memref<50176xf32, #tpu.memory_space<vmem>>[vector<16xi32>], vector<16xf32>,
      %sub3A_460 = arith.subf %gather3A, %gather3A_459 : vector<16xf32>
      %mul3A_461 = arith.mulf %sub3A_460, %sub3A_460 : vector<16xf32>
      %add3A_462 = arith.addf %scan3A_446, %mul3A_461 : vector<16xf32>
      %shift_right_logical3A = arith.constant 16 : i32
      %shift_right_logical3A_463 = vector.broadcast %shift_right_logical3A : i32 to vector<16xi32>
      %shift_right_logical3A_464 = arith.shrui %get3A_450, %shift_right_logical3A_463 : vector<16xi32>
      %shift_right_logical3A_465 = arith.constant 16 : i32
      %shift_right_logical3A_466 = vector.broadcast %shift_right_logical3A_465 : i32 to vector<16xi32>
      %shift_right_logical3A_467 = arith.shrui %get3A_452, %shift_right_logical3A_466 : vector<16xi32>
      %gather3A_468 = tpu.vector_load_idx %arg9[%shift_right_logical3A_464] : memref<50176xf32, #tpu.memory_space<vmem>>[vector<16xi32>], vector<16xf32>,
      %gather3A_469 = tpu.vector_load_idx %arg10[%shift_right_logical3A_467] : memref<50176xf32, #tpu.memory_space<vmem>>[vector<16xi32>], vector<16xf32>,
      %sub3A_470 = arith.subf %gather3A_468, %gather3A_469 : vector<16xf32>
      %mul3A_471 = arith.mulf %sub3A_470, %sub3A_470 : vector<16xf32>
      %add3A_472 = arith.addf %scan3A_447, %mul3A_471 : vector<16xf32>
      scf.yield %add3A_462, %add3A_472 : vector<16xf32>, vector<16xf32>
    }
    %scan3A_222 = arith.constant 256 : i32
    %scan3A_223 = arith.constant 0 : i32
    %scan3A_224 = arith.constant 256 : i32
    %scan3A_225 = arith.addi %scan3A_223, %scan3A_224 : i32
    %scan3A_226 = arith.constant 1 : i32
    %scan3A_227:4 = scf.for %scan3A_445 = %scan3A_223 to %scan3A_225 step %scan3A_226 iter_args(%scan3A_446 = %scan3A_189#0, %scan3A_447 = %scan3A_189#1, %scan3A_448 = %scan3A_189#2, %scan3A_449 = %scan3A_189#3) -> (vector<16xf32>, vector<16xf32>, vector<16xf32>, vector<16xf32>)  : i32 {
      %mul3A_450 = arith.constant 16 : i32
      %mul3A_451 = arith.muli %scan3A_445, %mul3A_450 : i32
      %get3A = arith.index_cast %mul3A_451 : i32 to index
      %get3A_452 = tpu.vector_load %arg13[%get3A] {strides = array<i32>} : memref<4096xi32, #tpu.memory_space<vmem>>, vector<16xi32>,
      %get3A_453 = arith.index_cast %mul3A_451 : i32 to index
      %get3A_454 = tpu.vector_load %arg14[%get3A_453] {strides = array<i32>} : memref<4096xi32, #tpu.memory_space<vmem>>, vector<16xi32>,
      %and3A_455 = arith.constant 65535 : i32
      %and3A_456 = vector.broadcast %and3A_455 : i32 to vector<16xi32>
      %and3A_457 = arith.andi %get3A_452, %and3A_456 : vector<16xi32>
      %and3A_458 = arith.constant 65535 : i32
      %and3A_459 = vector.broadcast %and3A_458 : i32 to vector<16xi32>
      %and3A_460 = arith.andi %get3A_454, %and3A_459 : vector<16xi32>
      %gather3A = tpu.vector_load_idx %arg9[%and3A_457] : memref<50176xf32, #tpu.memory_space<vmem>>[vector<16xi32>], vector<16xf32>,
      %gather3A_461 = tpu.vector_load_idx %arg10[%and3A_460] : memref<50176xf32, #tpu.memory_space<vmem>>[vector<16xi32>], vector<16xf32>,
      %sub3A_462 = arith.subf %gather3A, %gather3A_461 : vector<16xf32>
      %mul3A_463 = arith.mulf %sub3A_462, %sub3A_462 : vector<16xf32>
      %sub3A_464 = arith.constant 5.000000e-01 : f32
      %sub3A_465 = vector.broadcast %sub3A_464 : f32 to vector<16xf32>
      %sub3A_466 = arith.subf %sub3A_465, %mul3A_463 : vector<16xf32>
      %gt3A = arith.constant 0.000000e+00 : f32
      %gt3A_467 = vector.broadcast %gt3A : f32 to vector<16xf32>
      %gt3A_468 = arith.cmpf ogt, %sub3A_466, %gt3A_467 : vector<16xf32>
      %jit3A_469 = arith.constant 0.000000e+00 : f32
      %broadcast_in_dim3A_470 = vector.broadcast %jit3A_469 : f32 to vector<16xf32>
      %select_n3A_471 = arith.select %gt3A_468, %sub3A_466, %broadcast_in_dim3A_470 : vector<16xi1>, vector<16xf32>
      %add3A_472 = arith.addf %scan3A_446, %select_n3A_471 : vector<16xf32>
      %jit3A_473 = arith.constant 1.000000e+00 : f32
      %jit3A_474 = arith.constant 0.000000e+00 : f32
      %broadcast_in_dim3A_475 = vector.broadcast %jit3A_473 : f32 to vector<16xf32>
      %broadcast_in_dim3A_476 = vector.broadcast %jit3A_474 : f32 to vector<16xf32>
      %select_n3A_477 = arith.select %gt3A_468, %broadcast_in_dim3A_475, %broadcast_in_dim3A_476 : vector<16xi1>, vector<16xf32>
      %add3A_478 = arith.addf %scan3A_448, %select_n3A_477 : vector<16xf32>
      %shift_right_logical3A = arith.constant 16 : i32
      %shift_right_logical3A_479 = vector.broadcast %shift_right_logical3A : i32 to vector<16xi32>
      %shift_right_logical3A_480 = arith.shrui %get3A_452, %shift_right_logical3A_479 : vector<16xi32>
      %shift_right_logical3A_481 = arith.constant 16 : i32
      %shift_right_logical3A_482 = vector.broadcast %shift_right_logical3A_481 : i32 to vector<16xi32>
      %shift_right_logical3A_483 = arith.shrui %get3A_454, %shift_right_logical3A_482 : vector<16xi32>
      %gather3A_484 = tpu.vector_load_idx %arg9[%shift_right_logical3A_480] : memref<50176xf32, #tpu.memory_space<vmem>>[vector<16xi32>], vector<16xf32>,
      %gather3A_485 = tpu.vector_load_idx %arg10[%shift_right_logical3A_483] : memref<50176xf32, #tpu.memory_space<vmem>>[vector<16xi32>], vector<16xf32>,
      %sub3A_486 = arith.subf %gather3A_484, %gather3A_485 : vector<16xf32>
      %mul3A_487 = arith.mulf %sub3A_486, %sub3A_486 : vector<16xf32>
      %sub3A_488 = arith.constant 5.000000e-01 : f32
      %sub3A_489 = vector.broadcast %sub3A_488 : f32 to vector<16xf32>
      %sub3A_490 = arith.subf %sub3A_489, %mul3A_487 : vector<16xf32>
      %gt3A_491 = arith.constant 0.000000e+00 : f32
      %gt3A_492 = vector.broadcast %gt3A_491 : f32 to vector<16xf32>
      %gt3A_493 = arith.cmpf ogt, %sub3A_490, %gt3A_492 : vector<16xf32>
      %jit3A_494 = arith.constant 0.000000e+00 : f32
      %broadcast_in_dim3A_495 = vector.broadcast %jit3A_494 : f32 to vector<16xf32>
      %select_n3A_496 = arith.select %gt3A_493, %sub3A_490, %broadcast_in_dim3A_495 : vector<16xi1>, vector<16xf32>
      %add3A_497 = arith.addf %scan3A_447, %select_n3A_496 : vector<16xf32>
      %jit3A_498 = arith.constant 1.000000e+00 : f32
      %jit3A_499 = arith.constant 0.000000e+00 : f32
      %broadcast_in_dim3A_500 = vector.broadcast %jit3A_498 : f32 to vector<16xf32>
      %broadcast_in_dim3A_501 = vector.broadcast %jit3A_499 : f32 to vector<16xf32>
      %select_n3A_502 = arith.select %gt3A_493, %broadcast_in_dim3A_500, %broadcast_in_dim3A_501 : vector<16xi1>, vector<16xf32>
      %add3A_503 = arith.addf %scan3A_449, %select_n3A_502 : vector<16xf32>
      scf.yield %add3A_472, %add3A_497, %add3A_478, %add3A_503 : vector<16xf32>, vector<16xf32>, vector<16xf32>, vector<16xf32>
    }
    %scan3A_228 = arith.constant 256 : i32
    %add3A_229 = arith.constant 4 : i32
    %add3A_230 = arith.addi %mul3A_32, %add3A_229 : i32
    %dma_start3A_231 = arith.constant 0 : i32
    %dma_start3A_232 = tpu.memref_slice %arg2[%select_n3A, %add3A_230, %dma_start3A_231] : memref<4x64x50176xf32, #tpu.memory_space<hbm>> -> memref<1x1x50176xf32, #tpu.memory_space<hbm>>
    %dma_start3A_233 = tpu.memref_squeeze %dma_start3A_232 : memref<1x1x50176xf32, #tpu.memory_space<hbm>> -> memref<50176xf32, #tpu.memory_space<hbm>>
    %dma_start3A_234 = arith.constant 0 : i32
    %dma_start3A_235 = tpu.memref_slice %arg2[%select_n3A, %add3A_230, %dma_start3A_234] : memref<4x64x50176xf32, #tpu.memory_space<hbm>> -> memref<1x1x50176xf32, #tpu.memory_space<hbm>>
    %dma_start3A_236 = tpu.memref_squeeze %dma_start3A_235 : memref<1x1x50176xf32, #tpu.memory_space<hbm>> -> memref<50176xf32, #tpu.memory_space<hbm>>
    tpu.enqueue_dma source(%dma_start3A_236 : memref<50176xf32, #tpu.memory_space<hbm>>) target(%arg9 : memref<50176xf32, #tpu.memory_space<vmem>>) target_semaphore(%arg16 : memref<!tpu.dma_semaphore, #tpu.memory_space<semaphore_mem>>)
    %dma_start3A_237 = arith.constant 0 : i32
    %dma_start3A_238 = tpu.memref_slice %arg3[%select_n3A, %add3A_230, %dma_start3A_237] : memref<4x64x50176xf32, #tpu.memory_space<hbm>> -> memref<1x1x50176xf32, #tpu.memory_space<hbm>>
    %dma_start3A_239 = tpu.memref_squeeze %dma_start3A_238 : memref<1x1x50176xf32, #tpu.memory_space<hbm>> -> memref<50176xf32, #tpu.memory_space<hbm>>
    %dma_start3A_240 = arith.constant 0 : i32
    %dma_start3A_241 = tpu.memref_slice %arg3[%select_n3A, %add3A_230, %dma_start3A_240] : memref<4x64x50176xf32, #tpu.memory_space<hbm>> -> memref<1x1x50176xf32, #tpu.memory_space<hbm>>
    %dma_start3A_242 = tpu.memref_squeeze %dma_start3A_241 : memref<1x1x50176xf32, #tpu.memory_space<hbm>> -> memref<50176xf32, #tpu.memory_space<hbm>>
    tpu.enqueue_dma source(%dma_start3A_242 : memref<50176xf32, #tpu.memory_space<hbm>>) target(%arg10 : memref<50176xf32, #tpu.memory_space<vmem>>) target_semaphore(%arg16 : memref<!tpu.dma_semaphore, #tpu.memory_space<semaphore_mem>>)
    %dma_wait3A_243 = arith.constant 0 : i32
    %dma_wait3A_244 = tpu.memref_slice %arg2[%select_n3A, %add3A_230, %dma_wait3A_243] : memref<4x64x50176xf32, #tpu.memory_space<hbm>> -> memref<1x1x50176xf32, #tpu.memory_space<hbm>>
    %dma_wait3A_245 = tpu.memref_squeeze %dma_wait3A_244 : memref<1x1x50176xf32, #tpu.memory_space<hbm>> -> memref<50176xf32, #tpu.memory_space<hbm>>
    %dma_wait3A_246 = arith.constant 0 : i32
    %dma_wait3A_247 = tpu.memref_slice %arg2[%select_n3A, %add3A_230, %dma_wait3A_246] : memref<4x64x50176xf32, #tpu.memory_space<hbm>> -> memref<1x1x50176xf32, #tpu.memory_space<hbm>>
    %dma_wait3A_248 = tpu.memref_squeeze %dma_wait3A_247 : memref<1x1x50176xf32, #tpu.memory_space<hbm>> -> memref<50176xf32, #tpu.memory_space<hbm>>
    tpu.wait_dma2 semaphore(%arg16 : memref<!tpu.dma_semaphore, #tpu.memory_space<semaphore_mem>>) src(%dma_wait3A_248 : memref<50176xf32, #tpu.memory_space<hbm>>) dst(%arg9 : memref<50176xf32, #tpu.memory_space<vmem>>)
    %dma_wait3A_249 = arith.constant 0 : i32
    %dma_wait3A_250 = tpu.memref_slice %arg3[%select_n3A, %add3A_230, %dma_wait3A_249] : memref<4x64x50176xf32, #tpu.memory_space<hbm>> -> memref<1x1x50176xf32, #tpu.memory_space<hbm>>
    %dma_wait3A_251 = tpu.memref_squeeze %dma_wait3A_250 : memref<1x1x50176xf32, #tpu.memory_space<hbm>> -> memref<50176xf32, #tpu.memory_space<hbm>>
    %dma_wait3A_252 = arith.constant 0 : i32
    %dma_wait3A_253 = tpu.memref_slice %arg3[%select_n3A, %add3A_230, %dma_wait3A_252] : memref<4x64x50176xf32, #tpu.memory_space<hbm>> -> memref<1x1x50176xf32, #tpu.memory_space<hbm>>
    %dma_wait3A_254 = tpu.memref_squeeze %dma_wait3A_253 : memref<1x1x50176xf32, #tpu.memory_space<hbm>> -> memref<50176xf32, #tpu.memory_space<hbm>>
    tpu.wait_dma2 semaphore(%arg16 : memref<!tpu.dma_semaphore, #tpu.memory_space<semaphore_mem>>) src(%dma_wait3A_254 : memref<50176xf32, #tpu.memory_space<hbm>>) dst(%arg10 : memref<50176xf32, #tpu.memory_space<vmem>>)
    %scan3A_255 = arith.constant 0 : i32
    %scan3A_256 = arith.constant 256 : i32
    %scan3A_257 = arith.addi %scan3A_255, %scan3A_256 : i32
    %scan3A_258 = arith.constant 1 : i32
    %scan3A_259:2 = scf.for %scan3A_445 = %scan3A_255 to %scan3A_257 step %scan3A_258 iter_args(%scan3A_446 = %scan3A_221#0, %scan3A_447 = %scan3A_221#1) -> (vector<16xf32>, vector<16xf32>)  : i32 {
      %mul3A_448 = arith.constant 16 : i32
      %mul3A_449 = arith.muli %scan3A_445, %mul3A_448 : i32
      %get3A = arith.index_cast %mul3A_449 : i32 to index
      %get3A_450 = tpu.vector_load %arg11[%get3A] {strides = array<i32>} : memref<4096xi32, #tpu.memory_space<vmem>>, vector<16xi32>,
      %get3A_451 = arith.index_cast %mul3A_449 : i32 to index
      %get3A_452 = tpu.vector_load %arg12[%get3A_451] {strides = array<i32>} : memref<4096xi32, #tpu.memory_space<vmem>>, vector<16xi32>,
      %and3A_453 = arith.constant 65535 : i32
      %and3A_454 = vector.broadcast %and3A_453 : i32 to vector<16xi32>
      %and3A_455 = arith.andi %get3A_450, %and3A_454 : vector<16xi32>
      %and3A_456 = arith.constant 65535 : i32
      %and3A_457 = vector.broadcast %and3A_456 : i32 to vector<16xi32>
      %and3A_458 = arith.andi %get3A_452, %and3A_457 : vector<16xi32>
      %gather3A = tpu.vector_load_idx %arg9[%and3A_455] : memref<50176xf32, #tpu.memory_space<vmem>>[vector<16xi32>], vector<16xf32>,
      %gather3A_459 = tpu.vector_load_idx %arg10[%and3A_458] : memref<50176xf32, #tpu.memory_space<vmem>>[vector<16xi32>], vector<16xf32>,
      %sub3A_460 = arith.subf %gather3A, %gather3A_459 : vector<16xf32>
      %mul3A_461 = arith.mulf %sub3A_460, %sub3A_460 : vector<16xf32>
      %add3A_462 = arith.addf %scan3A_446, %mul3A_461 : vector<16xf32>
      %shift_right_logical3A = arith.constant 16 : i32
      %shift_right_logical3A_463 = vector.broadcast %shift_right_logical3A : i32 to vector<16xi32>
      %shift_right_logical3A_464 = arith.shrui %get3A_450, %shift_right_logical3A_463 : vector<16xi32>
      %shift_right_logical3A_465 = arith.constant 16 : i32
      %shift_right_logical3A_466 = vector.broadcast %shift_right_logical3A_465 : i32 to vector<16xi32>
      %shift_right_logical3A_467 = arith.shrui %get3A_452, %shift_right_logical3A_466 : vector<16xi32>
      %gather3A_468 = tpu.vector_load_idx %arg9[%shift_right_logical3A_464] : memref<50176xf32, #tpu.memory_space<vmem>>[vector<16xi32>], vector<16xf32>,
      %gather3A_469 = tpu.vector_load_idx %arg10[%shift_right_logical3A_467] : memref<50176xf32, #tpu.memory_space<vmem>>[vector<16xi32>], vector<16xf32>,
      %sub3A_470 = arith.subf %gather3A_468, %gather3A_469 : vector<16xf32>
      %mul3A_471 = arith.mulf %sub3A_470, %sub3A_470 : vector<16xf32>
      %add3A_472 = arith.addf %scan3A_447, %mul3A_471 : vector<16xf32>
      scf.yield %add3A_462, %add3A_472 : vector<16xf32>, vector<16xf32>
    }
    %scan3A_260 = arith.constant 256 : i32
    %scan3A_261 = arith.constant 0 : i32
    %scan3A_262 = arith.constant 256 : i32
    %scan3A_263 = arith.addi %scan3A_261, %scan3A_262 : i32
    %scan3A_264 = arith.constant 1 : i32
    %scan3A_265:4 = scf.for %scan3A_445 = %scan3A_261 to %scan3A_263 step %scan3A_264 iter_args(%scan3A_446 = %scan3A_227#0, %scan3A_447 = %scan3A_227#1, %scan3A_448 = %scan3A_227#2, %scan3A_449 = %scan3A_227#3) -> (vector<16xf32>, vector<16xf32>, vector<16xf32>, vector<16xf32>)  : i32 {
      %mul3A_450 = arith.constant 16 : i32
      %mul3A_451 = arith.muli %scan3A_445, %mul3A_450 : i32
      %get3A = arith.index_cast %mul3A_451 : i32 to index
      %get3A_452 = tpu.vector_load %arg13[%get3A] {strides = array<i32>} : memref<4096xi32, #tpu.memory_space<vmem>>, vector<16xi32>,
      %get3A_453 = arith.index_cast %mul3A_451 : i32 to index
      %get3A_454 = tpu.vector_load %arg14[%get3A_453] {strides = array<i32>} : memref<4096xi32, #tpu.memory_space<vmem>>, vector<16xi32>,
      %and3A_455 = arith.constant 65535 : i32
      %and3A_456 = vector.broadcast %and3A_455 : i32 to vector<16xi32>
      %and3A_457 = arith.andi %get3A_452, %and3A_456 : vector<16xi32>
      %and3A_458 = arith.constant 65535 : i32
      %and3A_459 = vector.broadcast %and3A_458 : i32 to vector<16xi32>
      %and3A_460 = arith.andi %get3A_454, %and3A_459 : vector<16xi32>
      %gather3A = tpu.vector_load_idx %arg9[%and3A_457] : memref<50176xf32, #tpu.memory_space<vmem>>[vector<16xi32>], vector<16xf32>,
      %gather3A_461 = tpu.vector_load_idx %arg10[%and3A_460] : memref<50176xf32, #tpu.memory_space<vmem>>[vector<16xi32>], vector<16xf32>,
      %sub3A_462 = arith.subf %gather3A, %gather3A_461 : vector<16xf32>
      %mul3A_463 = arith.mulf %sub3A_462, %sub3A_462 : vector<16xf32>
      %sub3A_464 = arith.constant 5.000000e-01 : f32
      %sub3A_465 = vector.broadcast %sub3A_464 : f32 to vector<16xf32>
      %sub3A_466 = arith.subf %sub3A_465, %mul3A_463 : vector<16xf32>
      %gt3A = arith.constant 0.000000e+00 : f32
      %gt3A_467 = vector.broadcast %gt3A : f32 to vector<16xf32>
      %gt3A_468 = arith.cmpf ogt, %sub3A_466, %gt3A_467 : vector<16xf32>
      %jit3A_469 = arith.constant 0.000000e+00 : f32
      %broadcast_in_dim3A_470 = vector.broadcast %jit3A_469 : f32 to vector<16xf32>
      %select_n3A_471 = arith.select %gt3A_468, %sub3A_466, %broadcast_in_dim3A_470 : vector<16xi1>, vector<16xf32>
      %add3A_472 = arith.addf %scan3A_446, %select_n3A_471 : vector<16xf32>
      %jit3A_473 = arith.constant 1.000000e+00 : f32
      %jit3A_474 = arith.constant 0.000000e+00 : f32
      %broadcast_in_dim3A_475 = vector.broadcast %jit3A_473 : f32 to vector<16xf32>
      %broadcast_in_dim3A_476 = vector.broadcast %jit3A_474 : f32 to vector<16xf32>
      %select_n3A_477 = arith.select %gt3A_468, %broadcast_in_dim3A_475, %broadcast_in_dim3A_476 : vector<16xi1>, vector<16xf32>
      %add3A_478 = arith.addf %scan3A_448, %select_n3A_477 : vector<16xf32>
      %shift_right_logical3A = arith.constant 16 : i32
      %shift_right_logical3A_479 = vector.broadcast %shift_right_logical3A : i32 to vector<16xi32>
      %shift_right_logical3A_480 = arith.shrui %get3A_452, %shift_right_logical3A_479 : vector<16xi32>
      %shift_right_logical3A_481 = arith.constant 16 : i32
      %shift_right_logical3A_482 = vector.broadcast %shift_right_logical3A_481 : i32 to vector<16xi32>
      %shift_right_logical3A_483 = arith.shrui %get3A_454, %shift_right_logical3A_482 : vector<16xi32>
      %gather3A_484 = tpu.vector_load_idx %arg9[%shift_right_logical3A_480] : memref<50176xf32, #tpu.memory_space<vmem>>[vector<16xi32>], vector<16xf32>,
      %gather3A_485 = tpu.vector_load_idx %arg10[%shift_right_logical3A_483] : memref<50176xf32, #tpu.memory_space<vmem>>[vector<16xi32>], vector<16xf32>,
      %sub3A_486 = arith.subf %gather3A_484, %gather3A_485 : vector<16xf32>
      %mul3A_487 = arith.mulf %sub3A_486, %sub3A_486 : vector<16xf32>
      %sub3A_488 = arith.constant 5.000000e-01 : f32
      %sub3A_489 = vector.broadcast %sub3A_488 : f32 to vector<16xf32>
      %sub3A_490 = arith.subf %sub3A_489, %mul3A_487 : vector<16xf32>
      %gt3A_491 = arith.constant 0.000000e+00 : f32
      %gt3A_492 = vector.broadcast %gt3A_491 : f32 to vector<16xf32>
      %gt3A_493 = arith.cmpf ogt, %sub3A_490, %gt3A_492 : vector<16xf32>
      %jit3A_494 = arith.constant 0.000000e+00 : f32
      %broadcast_in_dim3A_495 = vector.broadcast %jit3A_494 : f32 to vector<16xf32>
      %select_n3A_496 = arith.select %gt3A_493, %sub3A_490, %broadcast_in_dim3A_495 : vector<16xi1>, vector<16xf32>
      %add3A_497 = arith.addf %scan3A_447, %select_n3A_496 : vector<16xf32>
      %jit3A_498 = arith.constant 1.000000e+00 : f32
      %jit3A_499 = arith.constant 0.000000e+00 : f32
      %broadcast_in_dim3A_500 = vector.broadcast %jit3A_498 : f32 to vector<16xf32>
      %broadcast_in_dim3A_501 = vector.broadcast %jit3A_499 : f32 to vector<16xf32>
      %select_n3A_502 = arith.select %gt3A_493, %broadcast_in_dim3A_500, %broadcast_in_dim3A_501 : vector<16xi1>, vector<16xf32>
      %add3A_503 = arith.addf %scan3A_449, %select_n3A_502 : vector<16xf32>
      scf.yield %add3A_472, %add3A_497, %add3A_478, %add3A_503 : vector<16xf32>, vector<16xf32>, vector<16xf32>, vector<16xf32>
    }
    %scan3A_266 = arith.constant 256 : i32
    %add3A_267 = arith.constant 5 : i32
    %add3A_268 = arith.addi %mul3A_32, %add3A_267 : i32
    %dma_start3A_269 = arith.constant 0 : i32
    %dma_start3A_270 = tpu.memref_slice %arg2[%select_n3A, %add3A_268, %dma_start3A_269] : memref<4x64x50176xf32, #tpu.memory_space<hbm>> -> memref<1x1x50176xf32, #tpu.memory_space<hbm>>
    %dma_start3A_271 = tpu.memref_squeeze %dma_start3A_270 : memref<1x1x50176xf32, #tpu.memory_space<hbm>> -> memref<50176xf32, #tpu.memory_space<hbm>>
    %dma_start3A_272 = arith.constant 0 : i32
    %dma_start3A_273 = tpu.memref_slice %arg2[%select_n3A, %add3A_268, %dma_start3A_272] : memref<4x64x50176xf32, #tpu.memory_space<hbm>> -> memref<1x1x50176xf32, #tpu.memory_space<hbm>>
    %dma_start3A_274 = tpu.memref_squeeze %dma_start3A_273 : memref<1x1x50176xf32, #tpu.memory_space<hbm>> -> memref<50176xf32, #tpu.memory_space<hbm>>
    tpu.enqueue_dma source(%dma_start3A_274 : memref<50176xf32, #tpu.memory_space<hbm>>) target(%arg9 : memref<50176xf32, #tpu.memory_space<vmem>>) target_semaphore(%arg16 : memref<!tpu.dma_semaphore, #tpu.memory_space<semaphore_mem>>)
    %dma_start3A_275 = arith.constant 0 : i32
    %dma_start3A_276 = tpu.memref_slice %arg3[%select_n3A, %add3A_268, %dma_start3A_275] : memref<4x64x50176xf32, #tpu.memory_space<hbm>> -> memref<1x1x50176xf32, #tpu.memory_space<hbm>>
    %dma_start3A_277 = tpu.memref_squeeze %dma_start3A_276 : memref<1x1x50176xf32, #tpu.memory_space<hbm>> -> memref<50176xf32, #tpu.memory_space<hbm>>
    %dma_start3A_278 = arith.constant 0 : i32
    %dma_start3A_279 = tpu.memref_slice %arg3[%select_n3A, %add3A_268, %dma_start3A_278] : memref<4x64x50176xf32, #tpu.memory_space<hbm>> -> memref<1x1x50176xf32, #tpu.memory_space<hbm>>
    %dma_start3A_280 = tpu.memref_squeeze %dma_start3A_279 : memref<1x1x50176xf32, #tpu.memory_space<hbm>> -> memref<50176xf32, #tpu.memory_space<hbm>>
    tpu.enqueue_dma source(%dma_start3A_280 : memref<50176xf32, #tpu.memory_space<hbm>>) target(%arg10 : memref<50176xf32, #tpu.memory_space<vmem>>) target_semaphore(%arg16 : memref<!tpu.dma_semaphore, #tpu.memory_space<semaphore_mem>>)
    %dma_wait3A_281 = arith.constant 0 : i32
    %dma_wait3A_282 = tpu.memref_slice %arg2[%select_n3A, %add3A_268, %dma_wait3A_281] : memref<4x64x50176xf32, #tpu.memory_space<hbm>> -> memref<1x1x50176xf32, #tpu.memory_space<hbm>>
    %dma_wait3A_283 = tpu.memref_squeeze %dma_wait3A_282 : memref<1x1x50176xf32, #tpu.memory_space<hbm>> -> memref<50176xf32, #tpu.memory_space<hbm>>
    %dma_wait3A_284 = arith.constant 0 : i32
    %dma_wait3A_285 = tpu.memref_slice %arg2[%select_n3A, %add3A_268, %dma_wait3A_284] : memref<4x64x50176xf32, #tpu.memory_space<hbm>> -> memref<1x1x50176xf32, #tpu.memory_space<hbm>>
    %dma_wait3A_286 = tpu.memref_squeeze %dma_wait3A_285 : memref<1x1x50176xf32, #tpu.memory_space<hbm>> -> memref<50176xf32, #tpu.memory_space<hbm>>
    tpu.wait_dma2 semaphore(%arg16 : memref<!tpu.dma_semaphore, #tpu.memory_space<semaphore_mem>>) src(%dma_wait3A_286 : memref<50176xf32, #tpu.memory_space<hbm>>) dst(%arg9 : memref<50176xf32, #tpu.memory_space<vmem>>)
    %dma_wait3A_287 = arith.constant 0 : i32
    %dma_wait3A_288 = tpu.memref_slice %arg3[%select_n3A, %add3A_268, %dma_wait3A_287] : memref<4x64x50176xf32, #tpu.memory_space<hbm>> -> memref<1x1x50176xf32, #tpu.memory_space<hbm>>
    %dma_wait3A_289 = tpu.memref_squeeze %dma_wait3A_288 : memref<1x1x50176xf32, #tpu.memory_space<hbm>> -> memref<50176xf32, #tpu.memory_space<hbm>>
    %dma_wait3A_290 = arith.constant 0 : i32
    %dma_wait3A_291 = tpu.memref_slice %arg3[%select_n3A, %add3A_268, %dma_wait3A_290] : memref<4x64x50176xf32, #tpu.memory_space<hbm>> -> memref<1x1x50176xf32, #tpu.memory_space<hbm>>
    %dma_wait3A_292 = tpu.memref_squeeze %dma_wait3A_291 : memref<1x1x50176xf32, #tpu.memory_space<hbm>> -> memref<50176xf32, #tpu.memory_space<hbm>>
    tpu.wait_dma2 semaphore(%arg16 : memref<!tpu.dma_semaphore, #tpu.memory_space<semaphore_mem>>) src(%dma_wait3A_292 : memref<50176xf32, #tpu.memory_space<hbm>>) dst(%arg10 : memref<50176xf32, #tpu.memory_space<vmem>>)
    %scan3A_293 = arith.constant 0 : i32
    %scan3A_294 = arith.constant 256 : i32
    %scan3A_295 = arith.addi %scan3A_293, %scan3A_294 : i32
    %scan3A_296 = arith.constant 1 : i32
    %scan3A_297:2 = scf.for %scan3A_445 = %scan3A_293 to %scan3A_295 step %scan3A_296 iter_args(%scan3A_446 = %scan3A_259#0, %scan3A_447 = %scan3A_259#1) -> (vector<16xf32>, vector<16xf32>)  : i32 {
      %mul3A_448 = arith.constant 16 : i32
      %mul3A_449 = arith.muli %scan3A_445, %mul3A_448 : i32
      %get3A = arith.index_cast %mul3A_449 : i32 to index
      %get3A_450 = tpu.vector_load %arg11[%get3A] {strides = array<i32>} : memref<4096xi32, #tpu.memory_space<vmem>>, vector<16xi32>,
      %get3A_451 = arith.index_cast %mul3A_449 : i32 to index
      %get3A_452 = tpu.vector_load %arg12[%get3A_451] {strides = array<i32>} : memref<4096xi32, #tpu.memory_space<vmem>>, vector<16xi32>,
      %and3A_453 = arith.constant 65535 : i32
      %and3A_454 = vector.broadcast %and3A_453 : i32 to vector<16xi32>
      %and3A_455 = arith.andi %get3A_450, %and3A_454 : vector<16xi32>
      %and3A_456 = arith.constant 65535 : i32
      %and3A_457 = vector.broadcast %and3A_456 : i32 to vector<16xi32>
      %and3A_458 = arith.andi %get3A_452, %and3A_457 : vector<16xi32>
      %gather3A = tpu.vector_load_idx %arg9[%and3A_455] : memref<50176xf32, #tpu.memory_space<vmem>>[vector<16xi32>], vector<16xf32>,
      %gather3A_459 = tpu.vector_load_idx %arg10[%and3A_458] : memref<50176xf32, #tpu.memory_space<vmem>>[vector<16xi32>], vector<16xf32>,
      %sub3A_460 = arith.subf %gather3A, %gather3A_459 : vector<16xf32>
      %mul3A_461 = arith.mulf %sub3A_460, %sub3A_460 : vector<16xf32>
      %add3A_462 = arith.addf %scan3A_446, %mul3A_461 : vector<16xf32>
      %shift_right_logical3A = arith.constant 16 : i32
      %shift_right_logical3A_463 = vector.broadcast %shift_right_logical3A : i32 to vector<16xi32>
      %shift_right_logical3A_464 = arith.shrui %get3A_450, %shift_right_logical3A_463 : vector<16xi32>
      %shift_right_logical3A_465 = arith.constant 16 : i32
      %shift_right_logical3A_466 = vector.broadcast %shift_right_logical3A_465 : i32 to vector<16xi32>
      %shift_right_logical3A_467 = arith.shrui %get3A_452, %shift_right_logical3A_466 : vector<16xi32>
      %gather3A_468 = tpu.vector_load_idx %arg9[%shift_right_logical3A_464] : memref<50176xf32, #tpu.memory_space<vmem>>[vector<16xi32>], vector<16xf32>,
      %gather3A_469 = tpu.vector_load_idx %arg10[%shift_right_logical3A_467] : memref<50176xf32, #tpu.memory_space<vmem>>[vector<16xi32>], vector<16xf32>,
      %sub3A_470 = arith.subf %gather3A_468, %gather3A_469 : vector<16xf32>
      %mul3A_471 = arith.mulf %sub3A_470, %sub3A_470 : vector<16xf32>
      %add3A_472 = arith.addf %scan3A_447, %mul3A_471 : vector<16xf32>
      scf.yield %add3A_462, %add3A_472 : vector<16xf32>, vector<16xf32>
    }
    %scan3A_298 = arith.constant 256 : i32
    %scan3A_299 = arith.constant 0 : i32
    %scan3A_300 = arith.constant 256 : i32
    %scan3A_301 = arith.addi %scan3A_299, %scan3A_300 : i32
    %scan3A_302 = arith.constant 1 : i32
    %scan3A_303:4 = scf.for %scan3A_445 = %scan3A_299 to %scan3A_301 step %scan3A_302 iter_args(%scan3A_446 = %scan3A_265#0, %scan3A_447 = %scan3A_265#1, %scan3A_448 = %scan3A_265#2, %scan3A_449 = %scan3A_265#3) -> (vector<16xf32>, vector<16xf32>, vector<16xf32>, vector<16xf32>)  : i32 {
      %mul3A_450 = arith.constant 16 : i32
      %mul3A_451 = arith.muli %scan3A_445, %mul3A_450 : i32
      %get3A = arith.index_cast %mul3A_451 : i32 to index
      %get3A_452 = tpu.vector_load %arg13[%get3A] {strides = array<i32>} : memref<4096xi32, #tpu.memory_space<vmem>>, vector<16xi32>,
      %get3A_453 = arith.index_cast %mul3A_451 : i32 to index
      %get3A_454 = tpu.vector_load %arg14[%get3A_453] {strides = array<i32>} : memref<4096xi32, #tpu.memory_space<vmem>>, vector<16xi32>,
      %and3A_455 = arith.constant 65535 : i32
      %and3A_456 = vector.broadcast %and3A_455 : i32 to vector<16xi32>
      %and3A_457 = arith.andi %get3A_452, %and3A_456 : vector<16xi32>
      %and3A_458 = arith.constant 65535 : i32
      %and3A_459 = vector.broadcast %and3A_458 : i32 to vector<16xi32>
      %and3A_460 = arith.andi %get3A_454, %and3A_459 : vector<16xi32>
      %gather3A = tpu.vector_load_idx %arg9[%and3A_457] : memref<50176xf32, #tpu.memory_space<vmem>>[vector<16xi32>], vector<16xf32>,
      %gather3A_461 = tpu.vector_load_idx %arg10[%and3A_460] : memref<50176xf32, #tpu.memory_space<vmem>>[vector<16xi32>], vector<16xf32>,
      %sub3A_462 = arith.subf %gather3A, %gather3A_461 : vector<16xf32>
      %mul3A_463 = arith.mulf %sub3A_462, %sub3A_462 : vector<16xf32>
      %sub3A_464 = arith.constant 5.000000e-01 : f32
      %sub3A_465 = vector.broadcast %sub3A_464 : f32 to vector<16xf32>
      %sub3A_466 = arith.subf %sub3A_465, %mul3A_463 : vector<16xf32>
      %gt3A = arith.constant 0.000000e+00 : f32
      %gt3A_467 = vector.broadcast %gt3A : f32 to vector<16xf32>
      %gt3A_468 = arith.cmpf ogt, %sub3A_466, %gt3A_467 : vector<16xf32>
      %jit3A_469 = arith.constant 0.000000e+00 : f32
      %broadcast_in_dim3A_470 = vector.broadcast %jit3A_469 : f32 to vector<16xf32>
      %select_n3A_471 = arith.select %gt3A_468, %sub3A_466, %broadcast_in_dim3A_470 : vector<16xi1>, vector<16xf32>
      %add3A_472 = arith.addf %scan3A_446, %select_n3A_471 : vector<16xf32>
      %jit3A_473 = arith.constant 1.000000e+00 : f32
      %jit3A_474 = arith.constant 0.000000e+00 : f32
      %broadcast_in_dim3A_475 = vector.broadcast %jit3A_473 : f32 to vector<16xf32>
      %broadcast_in_dim3A_476 = vector.broadcast %jit3A_474 : f32 to vector<16xf32>
      %select_n3A_477 = arith.select %gt3A_468, %broadcast_in_dim3A_475, %broadcast_in_dim3A_476 : vector<16xi1>, vector<16xf32>
      %add3A_478 = arith.addf %scan3A_448, %select_n3A_477 : vector<16xf32>
      %shift_right_logical3A = arith.constant 16 : i32
      %shift_right_logical3A_479 = vector.broadcast %shift_right_logical3A : i32 to vector<16xi32>
      %shift_right_logical3A_480 = arith.shrui %get3A_452, %shift_right_logical3A_479 : vector<16xi32>
      %shift_right_logical3A_481 = arith.constant 16 : i32
      %shift_right_logical3A_482 = vector.broadcast %shift_right_logical3A_481 : i32 to vector<16xi32>
      %shift_right_logical3A_483 = arith.shrui %get3A_454, %shift_right_logical3A_482 : vector<16xi32>
      %gather3A_484 = tpu.vector_load_idx %arg9[%shift_right_logical3A_480] : memref<50176xf32, #tpu.memory_space<vmem>>[vector<16xi32>], vector<16xf32>,
      %gather3A_485 = tpu.vector_load_idx %arg10[%shift_right_logical3A_483] : memref<50176xf32, #tpu.memory_space<vmem>>[vector<16xi32>], vector<16xf32>,
      %sub3A_486 = arith.subf %gather3A_484, %gather3A_485 : vector<16xf32>
      %mul3A_487 = arith.mulf %sub3A_486, %sub3A_486 : vector<16xf32>
      %sub3A_488 = arith.constant 5.000000e-01 : f32
      %sub3A_489 = vector.broadcast %sub3A_488 : f32 to vector<16xf32>
      %sub3A_490 = arith.subf %sub3A_489, %mul3A_487 : vector<16xf32>
      %gt3A_491 = arith.constant 0.000000e+00 : f32
      %gt3A_492 = vector.broadcast %gt3A_491 : f32 to vector<16xf32>
      %gt3A_493 = arith.cmpf ogt, %sub3A_490, %gt3A_492 : vector<16xf32>
      %jit3A_494 = arith.constant 0.000000e+00 : f32
      %broadcast_in_dim3A_495 = vector.broadcast %jit3A_494 : f32 to vector<16xf32>
      %select_n3A_496 = arith.select %gt3A_493, %sub3A_490, %broadcast_in_dim3A_495 : vector<16xi1>, vector<16xf32>
      %add3A_497 = arith.addf %scan3A_447, %select_n3A_496 : vector<16xf32>
      %jit3A_498 = arith.constant 1.000000e+00 : f32
      %jit3A_499 = arith.constant 0.000000e+00 : f32
      %broadcast_in_dim3A_500 = vector.broadcast %jit3A_498 : f32 to vector<16xf32>
      %broadcast_in_dim3A_501 = vector.broadcast %jit3A_499 : f32 to vector<16xf32>
      %select_n3A_502 = arith.select %gt3A_493, %broadcast_in_dim3A_500, %broadcast_in_dim3A_501 : vector<16xi1>, vector<16xf32>
      %add3A_503 = arith.addf %scan3A_449, %select_n3A_502 : vector<16xf32>
      scf.yield %add3A_472, %add3A_497, %add3A_478, %add3A_503 : vector<16xf32>, vector<16xf32>, vector<16xf32>, vector<16xf32>
    }
    %scan3A_304 = arith.constant 256 : i32
    %add3A_305 = arith.constant 6 : i32
    %add3A_306 = arith.addi %mul3A_32, %add3A_305 : i32
    %dma_start3A_307 = arith.constant 0 : i32
    %dma_start3A_308 = tpu.memref_slice %arg2[%select_n3A, %add3A_306, %dma_start3A_307] : memref<4x64x50176xf32, #tpu.memory_space<hbm>> -> memref<1x1x50176xf32, #tpu.memory_space<hbm>>
    %dma_start3A_309 = tpu.memref_squeeze %dma_start3A_308 : memref<1x1x50176xf32, #tpu.memory_space<hbm>> -> memref<50176xf32, #tpu.memory_space<hbm>>
    %dma_start3A_310 = arith.constant 0 : i32
    %dma_start3A_311 = tpu.memref_slice %arg2[%select_n3A, %add3A_306, %dma_start3A_310] : memref<4x64x50176xf32, #tpu.memory_space<hbm>> -> memref<1x1x50176xf32, #tpu.memory_space<hbm>>
    %dma_start3A_312 = tpu.memref_squeeze %dma_start3A_311 : memref<1x1x50176xf32, #tpu.memory_space<hbm>> -> memref<50176xf32, #tpu.memory_space<hbm>>
    tpu.enqueue_dma source(%dma_start3A_312 : memref<50176xf32, #tpu.memory_space<hbm>>) target(%arg9 : memref<50176xf32, #tpu.memory_space<vmem>>) target_semaphore(%arg16 : memref<!tpu.dma_semaphore, #tpu.memory_space<semaphore_mem>>)
    %dma_start3A_313 = arith.constant 0 : i32
    %dma_start3A_314 = tpu.memref_slice %arg3[%select_n3A, %add3A_306, %dma_start3A_313] : memref<4x64x50176xf32, #tpu.memory_space<hbm>> -> memref<1x1x50176xf32, #tpu.memory_space<hbm>>
    %dma_start3A_315 = tpu.memref_squeeze %dma_start3A_314 : memref<1x1x50176xf32, #tpu.memory_space<hbm>> -> memref<50176xf32, #tpu.memory_space<hbm>>
    %dma_start3A_316 = arith.constant 0 : i32
    %dma_start3A_317 = tpu.memref_slice %arg3[%select_n3A, %add3A_306, %dma_start3A_316] : memref<4x64x50176xf32, #tpu.memory_space<hbm>> -> memref<1x1x50176xf32, #tpu.memory_space<hbm>>
    %dma_start3A_318 = tpu.memref_squeeze %dma_start3A_317 : memref<1x1x50176xf32, #tpu.memory_space<hbm>> -> memref<50176xf32, #tpu.memory_space<hbm>>
    tpu.enqueue_dma source(%dma_start3A_318 : memref<50176xf32, #tpu.memory_space<hbm>>) target(%arg10 : memref<50176xf32, #tpu.memory_space<vmem>>) target_semaphore(%arg16 : memref<!tpu.dma_semaphore, #tpu.memory_space<semaphore_mem>>)
    %dma_wait3A_319 = arith.constant 0 : i32
    %dma_wait3A_320 = tpu.memref_slice %arg2[%select_n3A, %add3A_306, %dma_wait3A_319] : memref<4x64x50176xf32, #tpu.memory_space<hbm>> -> memref<1x1x50176xf32, #tpu.memory_space<hbm>>
    %dma_wait3A_321 = tpu.memref_squeeze %dma_wait3A_320 : memref<1x1x50176xf32, #tpu.memory_space<hbm>> -> memref<50176xf32, #tpu.memory_space<hbm>>
    %dma_wait3A_322 = arith.constant 0 : i32
    %dma_wait3A_323 = tpu.memref_slice %arg2[%select_n3A, %add3A_306, %dma_wait3A_322] : memref<4x64x50176xf32, #tpu.memory_space<hbm>> -> memref<1x1x50176xf32, #tpu.memory_space<hbm>>
    %dma_wait3A_324 = tpu.memref_squeeze %dma_wait3A_323 : memref<1x1x50176xf32, #tpu.memory_space<hbm>> -> memref<50176xf32, #tpu.memory_space<hbm>>
    tpu.wait_dma2 semaphore(%arg16 : memref<!tpu.dma_semaphore, #tpu.memory_space<semaphore_mem>>) src(%dma_wait3A_324 : memref<50176xf32, #tpu.memory_space<hbm>>) dst(%arg9 : memref<50176xf32, #tpu.memory_space<vmem>>)
    %dma_wait3A_325 = arith.constant 0 : i32
    %dma_wait3A_326 = tpu.memref_slice %arg3[%select_n3A, %add3A_306, %dma_wait3A_325] : memref<4x64x50176xf32, #tpu.memory_space<hbm>> -> memref<1x1x50176xf32, #tpu.memory_space<hbm>>
    %dma_wait3A_327 = tpu.memref_squeeze %dma_wait3A_326 : memref<1x1x50176xf32, #tpu.memory_space<hbm>> -> memref<50176xf32, #tpu.memory_space<hbm>>
    %dma_wait3A_328 = arith.constant 0 : i32
    %dma_wait3A_329 = tpu.memref_slice %arg3[%select_n3A, %add3A_306, %dma_wait3A_328] : memref<4x64x50176xf32, #tpu.memory_space<hbm>> -> memref<1x1x50176xf32, #tpu.memory_space<hbm>>
    %dma_wait3A_330 = tpu.memref_squeeze %dma_wait3A_329 : memref<1x1x50176xf32, #tpu.memory_space<hbm>> -> memref<50176xf32, #tpu.memory_space<hbm>>
    tpu.wait_dma2 semaphore(%arg16 : memref<!tpu.dma_semaphore, #tpu.memory_space<semaphore_mem>>) src(%dma_wait3A_330 : memref<50176xf32, #tpu.memory_space<hbm>>) dst(%arg10 : memref<50176xf32, #tpu.memory_space<vmem>>)
    %scan3A_331 = arith.constant 0 : i32
    %scan3A_332 = arith.constant 256 : i32
    %scan3A_333 = arith.addi %scan3A_331, %scan3A_332 : i32
    %scan3A_334 = arith.constant 1 : i32
    %scan3A_335:2 = scf.for %scan3A_445 = %scan3A_331 to %scan3A_333 step %scan3A_334 iter_args(%scan3A_446 = %scan3A_297#0, %scan3A_447 = %scan3A_297#1) -> (vector<16xf32>, vector<16xf32>)  : i32 {
      %mul3A_448 = arith.constant 16 : i32
      %mul3A_449 = arith.muli %scan3A_445, %mul3A_448 : i32
      %get3A = arith.index_cast %mul3A_449 : i32 to index
      %get3A_450 = tpu.vector_load %arg11[%get3A] {strides = array<i32>} : memref<4096xi32, #tpu.memory_space<vmem>>, vector<16xi32>,
      %get3A_451 = arith.index_cast %mul3A_449 : i32 to index
      %get3A_452 = tpu.vector_load %arg12[%get3A_451] {strides = array<i32>} : memref<4096xi32, #tpu.memory_space<vmem>>, vector<16xi32>,
      %and3A_453 = arith.constant 65535 : i32
      %and3A_454 = vector.broadcast %and3A_453 : i32 to vector<16xi32>
      %and3A_455 = arith.andi %get3A_450, %and3A_454 : vector<16xi32>
      %and3A_456 = arith.constant 65535 : i32
      %and3A_457 = vector.broadcast %and3A_456 : i32 to vector<16xi32>
      %and3A_458 = arith.andi %get3A_452, %and3A_457 : vector<16xi32>
      %gather3A = tpu.vector_load_idx %arg9[%and3A_455] : memref<50176xf32, #tpu.memory_space<vmem>>[vector<16xi32>], vector<16xf32>,
      %gather3A_459 = tpu.vector_load_idx %arg10[%and3A_458] : memref<50176xf32, #tpu.memory_space<vmem>>[vector<16xi32>], vector<16xf32>,
      %sub3A_460 = arith.subf %gather3A, %gather3A_459 : vector<16xf32>
      %mul3A_461 = arith.mulf %sub3A_460, %sub3A_460 : vector<16xf32>
      %add3A_462 = arith.addf %scan3A_446, %mul3A_461 : vector<16xf32>
      %shift_right_logical3A = arith.constant 16 : i32
      %shift_right_logical3A_463 = vector.broadcast %shift_right_logical3A : i32 to vector<16xi32>
      %shift_right_logical3A_464 = arith.shrui %get3A_450, %shift_right_logical3A_463 : vector<16xi32>
      %shift_right_logical3A_465 = arith.constant 16 : i32
      %shift_right_logical3A_466 = vector.broadcast %shift_right_logical3A_465 : i32 to vector<16xi32>
      %shift_right_logical3A_467 = arith.shrui %get3A_452, %shift_right_logical3A_466 : vector<16xi32>
      %gather3A_468 = tpu.vector_load_idx %arg9[%shift_right_logical3A_464] : memref<50176xf32, #tpu.memory_space<vmem>>[vector<16xi32>], vector<16xf32>,
      %gather3A_469 = tpu.vector_load_idx %arg10[%shift_right_logical3A_467] : memref<50176xf32, #tpu.memory_space<vmem>>[vector<16xi32>], vector<16xf32>,
      %sub3A_470 = arith.subf %gather3A_468, %gather3A_469 : vector<16xf32>
      %mul3A_471 = arith.mulf %sub3A_470, %sub3A_470 : vector<16xf32>
      %add3A_472 = arith.addf %scan3A_447, %mul3A_471 : vector<16xf32>
      scf.yield %add3A_462, %add3A_472 : vector<16xf32>, vector<16xf32>
    }
    %scan3A_336 = arith.constant 256 : i32
    %scan3A_337 = arith.constant 0 : i32
    %scan3A_338 = arith.constant 256 : i32
    %scan3A_339 = arith.addi %scan3A_337, %scan3A_338 : i32
    %scan3A_340 = arith.constant 1 : i32
    %scan3A_341:4 = scf.for %scan3A_445 = %scan3A_337 to %scan3A_339 step %scan3A_340 iter_args(%scan3A_446 = %scan3A_303#0, %scan3A_447 = %scan3A_303#1, %scan3A_448 = %scan3A_303#2, %scan3A_449 = %scan3A_303#3) -> (vector<16xf32>, vector<16xf32>, vector<16xf32>, vector<16xf32>)  : i32 {
      %mul3A_450 = arith.constant 16 : i32
      %mul3A_451 = arith.muli %scan3A_445, %mul3A_450 : i32
      %get3A = arith.index_cast %mul3A_451 : i32 to index
      %get3A_452 = tpu.vector_load %arg13[%get3A] {strides = array<i32>} : memref<4096xi32, #tpu.memory_space<vmem>>, vector<16xi32>,
      %get3A_453 = arith.index_cast %mul3A_451 : i32 to index
      %get3A_454 = tpu.vector_load %arg14[%get3A_453] {strides = array<i32>} : memref<4096xi32, #tpu.memory_space<vmem>>, vector<16xi32>,
      %and3A_455 = arith.constant 65535 : i32
      %and3A_456 = vector.broadcast %and3A_455 : i32 to vector<16xi32>
      %and3A_457 = arith.andi %get3A_452, %and3A_456 : vector<16xi32>
      %and3A_458 = arith.constant 65535 : i32
      %and3A_459 = vector.broadcast %and3A_458 : i32 to vector<16xi32>
      %and3A_460 = arith.andi %get3A_454, %and3A_459 : vector<16xi32>
      %gather3A = tpu.vector_load_idx %arg9[%and3A_457] : memref<50176xf32, #tpu.memory_space<vmem>>[vector<16xi32>], vector<16xf32>,
      %gather3A_461 = tpu.vector_load_idx %arg10[%and3A_460] : memref<50176xf32, #tpu.memory_space<vmem>>[vector<16xi32>], vector<16xf32>,
      %sub3A_462 = arith.subf %gather3A, %gather3A_461 : vector<16xf32>
      %mul3A_463 = arith.mulf %sub3A_462, %sub3A_462 : vector<16xf32>
      %sub3A_464 = arith.constant 5.000000e-01 : f32
      %sub3A_465 = vector.broadcast %sub3A_464 : f32 to vector<16xf32>
      %sub3A_466 = arith.subf %sub3A_465, %mul3A_463 : vector<16xf32>
      %gt3A = arith.constant 0.000000e+00 : f32
      %gt3A_467 = vector.broadcast %gt3A : f32 to vector<16xf32>
      %gt3A_468 = arith.cmpf ogt, %sub3A_466, %gt3A_467 : vector<16xf32>
      %jit3A_469 = arith.constant 0.000000e+00 : f32
      %broadcast_in_dim3A_470 = vector.broadcast %jit3A_469 : f32 to vector<16xf32>
      %select_n3A_471 = arith.select %gt3A_468, %sub3A_466, %broadcast_in_dim3A_470 : vector<16xi1>, vector<16xf32>
      %add3A_472 = arith.addf %scan3A_446, %select_n3A_471 : vector<16xf32>
      %jit3A_473 = arith.constant 1.000000e+00 : f32
      %jit3A_474 = arith.constant 0.000000e+00 : f32
      %broadcast_in_dim3A_475 = vector.broadcast %jit3A_473 : f32 to vector<16xf32>
      %broadcast_in_dim3A_476 = vector.broadcast %jit3A_474 : f32 to vector<16xf32>
      %select_n3A_477 = arith.select %gt3A_468, %broadcast_in_dim3A_475, %broadcast_in_dim3A_476 : vector<16xi1>, vector<16xf32>
      %add3A_478 = arith.addf %scan3A_448, %select_n3A_477 : vector<16xf32>
      %shift_right_logical3A = arith.constant 16 : i32
      %shift_right_logical3A_479 = vector.broadcast %shift_right_logical3A : i32 to vector<16xi32>
      %shift_right_logical3A_480 = arith.shrui %get3A_452, %shift_right_logical3A_479 : vector<16xi32>
      %shift_right_logical3A_481 = arith.constant 16 : i32
      %shift_right_logical3A_482 = vector.broadcast %shift_right_logical3A_481 : i32 to vector<16xi32>
      %shift_right_logical3A_483 = arith.shrui %get3A_454, %shift_right_logical3A_482 : vector<16xi32>
      %gather3A_484 = tpu.vector_load_idx %arg9[%shift_right_logical3A_480] : memref<50176xf32, #tpu.memory_space<vmem>>[vector<16xi32>], vector<16xf32>,
      %gather3A_485 = tpu.vector_load_idx %arg10[%shift_right_logical3A_483] : memref<50176xf32, #tpu.memory_space<vmem>>[vector<16xi32>], vector<16xf32>,
      %sub3A_486 = arith.subf %gather3A_484, %gather3A_485 : vector<16xf32>
      %mul3A_487 = arith.mulf %sub3A_486, %sub3A_486 : vector<16xf32>
      %sub3A_488 = arith.constant 5.000000e-01 : f32
      %sub3A_489 = vector.broadcast %sub3A_488 : f32 to vector<16xf32>
      %sub3A_490 = arith.subf %sub3A_489, %mul3A_487 : vector<16xf32>
      %gt3A_491 = arith.constant 0.000000e+00 : f32
      %gt3A_492 = vector.broadcast %gt3A_491 : f32 to vector<16xf32>
      %gt3A_493 = arith.cmpf ogt, %sub3A_490, %gt3A_492 : vector<16xf32>
      %jit3A_494 = arith.constant 0.000000e+00 : f32
      %broadcast_in_dim3A_495 = vector.broadcast %jit3A_494 : f32 to vector<16xf32>
      %select_n3A_496 = arith.select %gt3A_493, %sub3A_490, %broadcast_in_dim3A_495 : vector<16xi1>, vector<16xf32>
      %add3A_497 = arith.addf %scan3A_447, %select_n3A_496 : vector<16xf32>
      %jit3A_498 = arith.constant 1.000000e+00 : f32
      %jit3A_499 = arith.constant 0.000000e+00 : f32
      %broadcast_in_dim3A_500 = vector.broadcast %jit3A_498 : f32 to vector<16xf32>
      %broadcast_in_dim3A_501 = vector.broadcast %jit3A_499 : f32 to vector<16xf32>
      %select_n3A_502 = arith.select %gt3A_493, %broadcast_in_dim3A_500, %broadcast_in_dim3A_501 : vector<16xi1>, vector<16xf32>
      %add3A_503 = arith.addf %scan3A_449, %select_n3A_502 : vector<16xf32>
      scf.yield %add3A_472, %add3A_497, %add3A_478, %add3A_503 : vector<16xf32>, vector<16xf32>, vector<16xf32>, vector<16xf32>
    }
    %scan3A_342 = arith.constant 256 : i32
    %add3A_343 = arith.constant 7 : i32
    %add3A_344 = arith.addi %mul3A_32, %add3A_343 : i32
    %dma_start3A_345 = arith.constant 0 : i32
    %dma_start3A_346 = tpu.memref_slice %arg2[%select_n3A, %add3A_344, %dma_start3A_345] : memref<4x64x50176xf32, #tpu.memory_space<hbm>> -> memref<1x1x50176xf32, #tpu.memory_space<hbm>>
    %dma_start3A_347 = tpu.memref_squeeze %dma_start3A_346 : memref<1x1x50176xf32, #tpu.memory_space<hbm>> -> memref<50176xf32, #tpu.memory_space<hbm>>
    %dma_start3A_348 = arith.constant 0 : i32
    %dma_start3A_349 = tpu.memref_slice %arg2[%select_n3A, %add3A_344, %dma_start3A_348] : memref<4x64x50176xf32, #tpu.memory_space<hbm>> -> memref<1x1x50176xf32, #tpu.memory_space<hbm>>
    %dma_start3A_350 = tpu.memref_squeeze %dma_start3A_349 : memref<1x1x50176xf32, #tpu.memory_space<hbm>> -> memref<50176xf32, #tpu.memory_space<hbm>>
    tpu.enqueue_dma source(%dma_start3A_350 : memref<50176xf32, #tpu.memory_space<hbm>>) target(%arg9 : memref<50176xf32, #tpu.memory_space<vmem>>) target_semaphore(%arg16 : memref<!tpu.dma_semaphore, #tpu.memory_space<semaphore_mem>>)
    %dma_start3A_351 = arith.constant 0 : i32
    %dma_start3A_352 = tpu.memref_slice %arg3[%select_n3A, %add3A_344, %dma_start3A_351] : memref<4x64x50176xf32, #tpu.memory_space<hbm>> -> memref<1x1x50176xf32, #tpu.memory_space<hbm>>
    %dma_start3A_353 = tpu.memref_squeeze %dma_start3A_352 : memref<1x1x50176xf32, #tpu.memory_space<hbm>> -> memref<50176xf32, #tpu.memory_space<hbm>>
    %dma_start3A_354 = arith.constant 0 : i32
    %dma_start3A_355 = tpu.memref_slice %arg3[%select_n3A, %add3A_344, %dma_start3A_354] : memref<4x64x50176xf32, #tpu.memory_space<hbm>> -> memref<1x1x50176xf32, #tpu.memory_space<hbm>>
    %dma_start3A_356 = tpu.memref_squeeze %dma_start3A_355 : memref<1x1x50176xf32, #tpu.memory_space<hbm>> -> memref<50176xf32, #tpu.memory_space<hbm>>
    tpu.enqueue_dma source(%dma_start3A_356 : memref<50176xf32, #tpu.memory_space<hbm>>) target(%arg10 : memref<50176xf32, #tpu.memory_space<vmem>>) target_semaphore(%arg16 : memref<!tpu.dma_semaphore, #tpu.memory_space<semaphore_mem>>)
    %dma_wait3A_357 = arith.constant 0 : i32
    %dma_wait3A_358 = tpu.memref_slice %arg2[%select_n3A, %add3A_344, %dma_wait3A_357] : memref<4x64x50176xf32, #tpu.memory_space<hbm>> -> memref<1x1x50176xf32, #tpu.memory_space<hbm>>
    %dma_wait3A_359 = tpu.memref_squeeze %dma_wait3A_358 : memref<1x1x50176xf32, #tpu.memory_space<hbm>> -> memref<50176xf32, #tpu.memory_space<hbm>>
    %dma_wait3A_360 = arith.constant 0 : i32
    %dma_wait3A_361 = tpu.memref_slice %arg2[%select_n3A, %add3A_344, %dma_wait3A_360] : memref<4x64x50176xf32, #tpu.memory_space<hbm>> -> memref<1x1x50176xf32, #tpu.memory_space<hbm>>
    %dma_wait3A_362 = tpu.memref_squeeze %dma_wait3A_361 : memref<1x1x50176xf32, #tpu.memory_space<hbm>> -> memref<50176xf32, #tpu.memory_space<hbm>>
    tpu.wait_dma2 semaphore(%arg16 : memref<!tpu.dma_semaphore, #tpu.memory_space<semaphore_mem>>) src(%dma_wait3A_362 : memref<50176xf32, #tpu.memory_space<hbm>>) dst(%arg9 : memref<50176xf32, #tpu.memory_space<vmem>>)
    %dma_wait3A_363 = arith.constant 0 : i32
    %dma_wait3A_364 = tpu.memref_slice %arg3[%select_n3A, %add3A_344, %dma_wait3A_363] : memref<4x64x50176xf32, #tpu.memory_space<hbm>> -> memref<1x1x50176xf32, #tpu.memory_space<hbm>>
    %dma_wait3A_365 = tpu.memref_squeeze %dma_wait3A_364 : memref<1x1x50176xf32, #tpu.memory_space<hbm>> -> memref<50176xf32, #tpu.memory_space<hbm>>
    %dma_wait3A_366 = arith.constant 0 : i32
    %dma_wait3A_367 = tpu.memref_slice %arg3[%select_n3A, %add3A_344, %dma_wait3A_366] : memref<4x64x50176xf32, #tpu.memory_space<hbm>> -> memref<1x1x50176xf32, #tpu.memory_space<hbm>>
    %dma_wait3A_368 = tpu.memref_squeeze %dma_wait3A_367 : memref<1x1x50176xf32, #tpu.memory_space<hbm>> -> memref<50176xf32, #tpu.memory_space<hbm>>
    tpu.wait_dma2 semaphore(%arg16 : memref<!tpu.dma_semaphore, #tpu.memory_space<semaphore_mem>>) src(%dma_wait3A_368 : memref<50176xf32, #tpu.memory_space<hbm>>) dst(%arg10 : memref<50176xf32, #tpu.memory_space<vmem>>)
    %scan3A_369 = arith.constant 0 : i32
    %scan3A_370 = arith.constant 256 : i32
    %scan3A_371 = arith.addi %scan3A_369, %scan3A_370 : i32
    %scan3A_372 = arith.constant 1 : i32
    %scan3A_373:2 = scf.for %scan3A_445 = %scan3A_369 to %scan3A_371 step %scan3A_372 iter_args(%scan3A_446 = %scan3A_335#0, %scan3A_447 = %scan3A_335#1) -> (vector<16xf32>, vector<16xf32>)  : i32 {
      %mul3A_448 = arith.constant 16 : i32
      %mul3A_449 = arith.muli %scan3A_445, %mul3A_448 : i32
      %get3A = arith.index_cast %mul3A_449 : i32 to index
      %get3A_450 = tpu.vector_load %arg11[%get3A] {strides = array<i32>} : memref<4096xi32, #tpu.memory_space<vmem>>, vector<16xi32>,
      %get3A_451 = arith.index_cast %mul3A_449 : i32 to index
      %get3A_452 = tpu.vector_load %arg12[%get3A_451] {strides = array<i32>} : memref<4096xi32, #tpu.memory_space<vmem>>, vector<16xi32>,
      %and3A_453 = arith.constant 65535 : i32
      %and3A_454 = vector.broadcast %and3A_453 : i32 to vector<16xi32>
      %and3A_455 = arith.andi %get3A_450, %and3A_454 : vector<16xi32>
      %and3A_456 = arith.constant 65535 : i32
      %and3A_457 = vector.broadcast %and3A_456 : i32 to vector<16xi32>
      %and3A_458 = arith.andi %get3A_452, %and3A_457 : vector<16xi32>
      %gather3A = tpu.vector_load_idx %arg9[%and3A_455] : memref<50176xf32, #tpu.memory_space<vmem>>[vector<16xi32>], vector<16xf32>,
      %gather3A_459 = tpu.vector_load_idx %arg10[%and3A_458] : memref<50176xf32, #tpu.memory_space<vmem>>[vector<16xi32>], vector<16xf32>,
      %sub3A_460 = arith.subf %gather3A, %gather3A_459 : vector<16xf32>
      %mul3A_461 = arith.mulf %sub3A_460, %sub3A_460 : vector<16xf32>
      %add3A_462 = arith.addf %scan3A_446, %mul3A_461 : vector<16xf32>
      %shift_right_logical3A = arith.constant 16 : i32
      %shift_right_logical3A_463 = vector.broadcast %shift_right_logical3A : i32 to vector<16xi32>
      %shift_right_logical3A_464 = arith.shrui %get3A_450, %shift_right_logical3A_463 : vector<16xi32>
      %shift_right_logical3A_465 = arith.constant 16 : i32
      %shift_right_logical3A_466 = vector.broadcast %shift_right_logical3A_465 : i32 to vector<16xi32>
      %shift_right_logical3A_467 = arith.shrui %get3A_452, %shift_right_logical3A_466 : vector<16xi32>
      %gather3A_468 = tpu.vector_load_idx %arg9[%shift_right_logical3A_464] : memref<50176xf32, #tpu.memory_space<vmem>>[vector<16xi32>], vector<16xf32>,
      %gather3A_469 = tpu.vector_load_idx %arg10[%shift_right_logical3A_467] : memref<50176xf32, #tpu.memory_space<vmem>>[vector<16xi32>], vector<16xf32>,
      %sub3A_470 = arith.subf %gather3A_468, %gather3A_469 : vector<16xf32>
      %mul3A_471 = arith.mulf %sub3A_470, %sub3A_470 : vector<16xf32>
      %add3A_472 = arith.addf %scan3A_447, %mul3A_471 : vector<16xf32>
      scf.yield %add3A_462, %add3A_472 : vector<16xf32>, vector<16xf32>
    }
    %scan3A_374 = arith.constant 256 : i32
    %scan3A_375 = arith.constant 0 : i32
    %scan3A_376 = arith.constant 256 : i32
    %scan3A_377 = arith.addi %scan3A_375, %scan3A_376 : i32
    %scan3A_378 = arith.constant 1 : i32
    %scan3A_379:4 = scf.for %scan3A_445 = %scan3A_375 to %scan3A_377 step %scan3A_378 iter_args(%scan3A_446 = %scan3A_341#0, %scan3A_447 = %scan3A_341#1, %scan3A_448 = %scan3A_341#2, %scan3A_449 = %scan3A_341#3) -> (vector<16xf32>, vector<16xf32>, vector<16xf32>, vector<16xf32>)  : i32 {
      %mul3A_450 = arith.constant 16 : i32
      %mul3A_451 = arith.muli %scan3A_445, %mul3A_450 : i32
      %get3A = arith.index_cast %mul3A_451 : i32 to index
      %get3A_452 = tpu.vector_load %arg13[%get3A] {strides = array<i32>} : memref<4096xi32, #tpu.memory_space<vmem>>, vector<16xi32>,
      %get3A_453 = arith.index_cast %mul3A_451 : i32 to index
      %get3A_454 = tpu.vector_load %arg14[%get3A_453] {strides = array<i32>} : memref<4096xi32, #tpu.memory_space<vmem>>, vector<16xi32>,
      %and3A_455 = arith.constant 65535 : i32
      %and3A_456 = vector.broadcast %and3A_455 : i32 to vector<16xi32>
      %and3A_457 = arith.andi %get3A_452, %and3A_456 : vector<16xi32>
      %and3A_458 = arith.constant 65535 : i32
      %and3A_459 = vector.broadcast %and3A_458 : i32 to vector<16xi32>
      %and3A_460 = arith.andi %get3A_454, %and3A_459 : vector<16xi32>
      %gather3A = tpu.vector_load_idx %arg9[%and3A_457] : memref<50176xf32, #tpu.memory_space<vmem>>[vector<16xi32>], vector<16xf32>,
      %gather3A_461 = tpu.vector_load_idx %arg10[%and3A_460] : memref<50176xf32, #tpu.memory_space<vmem>>[vector<16xi32>], vector<16xf32>,
      %sub3A_462 = arith.subf %gather3A, %gather3A_461 : vector<16xf32>
      %mul3A_463 = arith.mulf %sub3A_462, %sub3A_462 : vector<16xf32>
      %sub3A_464 = arith.constant 5.000000e-01 : f32
      %sub3A_465 = vector.broadcast %sub3A_464 : f32 to vector<16xf32>
      %sub3A_466 = arith.subf %sub3A_465, %mul3A_463 : vector<16xf32>
      %gt3A = arith.constant 0.000000e+00 : f32
      %gt3A_467 = vector.broadcast %gt3A : f32 to vector<16xf32>
      %gt3A_468 = arith.cmpf ogt, %sub3A_466, %gt3A_467 : vector<16xf32>
      %jit3A_469 = arith.constant 0.000000e+00 : f32
      %broadcast_in_dim3A_470 = vector.broadcast %jit3A_469 : f32 to vector<16xf32>
      %select_n3A_471 = arith.select %gt3A_468, %sub3A_466, %broadcast_in_dim3A_470 : vector<16xi1>, vector<16xf32>
      %add3A_472 = arith.addf %scan3A_446, %select_n3A_471 : vector<16xf32>
      %jit3A_473 = arith.constant 1.000000e+00 : f32
      %jit3A_474 = arith.constant 0.000000e+00 : f32
      %broadcast_in_dim3A_475 = vector.broadcast %jit3A_473 : f32 to vector<16xf32>
      %broadcast_in_dim3A_476 = vector.broadcast %jit3A_474 : f32 to vector<16xf32>
      %select_n3A_477 = arith.select %gt3A_468, %broadcast_in_dim3A_475, %broadcast_in_dim3A_476 : vector<16xi1>, vector<16xf32>
      %add3A_478 = arith.addf %scan3A_448, %select_n3A_477 : vector<16xf32>
      %shift_right_logical3A = arith.constant 16 : i32
      %shift_right_logical3A_479 = vector.broadcast %shift_right_logical3A : i32 to vector<16xi32>
      %shift_right_logical3A_480 = arith.shrui %get3A_452, %shift_right_logical3A_479 : vector<16xi32>
      %shift_right_logical3A_481 = arith.constant 16 : i32
      %shift_right_logical3A_482 = vector.broadcast %shift_right_logical3A_481 : i32 to vector<16xi32>
      %shift_right_logical3A_483 = arith.shrui %get3A_454, %shift_right_logical3A_482 : vector<16xi32>
      %gather3A_484 = tpu.vector_load_idx %arg9[%shift_right_logical3A_480] : memref<50176xf32, #tpu.memory_space<vmem>>[vector<16xi32>], vector<16xf32>,
      %gather3A_485 = tpu.vector_load_idx %arg10[%shift_right_logical3A_483] : memref<50176xf32, #tpu.memory_space<vmem>>[vector<16xi32>], vector<16xf32>,
      %sub3A_486 = arith.subf %gather3A_484, %gather3A_485 : vector<16xf32>
      %mul3A_487 = arith.mulf %sub3A_486, %sub3A_486 : vector<16xf32>
      %sub3A_488 = arith.constant 5.000000e-01 : f32
      %sub3A_489 = vector.broadcast %sub3A_488 : f32 to vector<16xf32>
      %sub3A_490 = arith.subf %sub3A_489, %mul3A_487 : vector<16xf32>
      %gt3A_491 = arith.constant 0.000000e+00 : f32
      %gt3A_492 = vector.broadcast %gt3A_491 : f32 to vector<16xf32>
      %gt3A_493 = arith.cmpf ogt, %sub3A_490, %gt3A_492 : vector<16xf32>
      %jit3A_494 = arith.constant 0.000000e+00 : f32
      %broadcast_in_dim3A_495 = vector.broadcast %jit3A_494 : f32 to vector<16xf32>
      %select_n3A_496 = arith.select %gt3A_493, %sub3A_490, %broadcast_in_dim3A_495 : vector<16xi1>, vector<16xf32>
      %add3A_497 = arith.addf %scan3A_447, %select_n3A_496 : vector<16xf32>
      %jit3A_498 = arith.constant 1.000000e+00 : f32
      %jit3A_499 = arith.constant 0.000000e+00 : f32
      %broadcast_in_dim3A_500 = vector.broadcast %jit3A_498 : f32 to vector<16xf32>
      %broadcast_in_dim3A_501 = vector.broadcast %jit3A_499 : f32 to vector<16xf32>
      %select_n3A_502 = arith.select %gt3A_493, %broadcast_in_dim3A_500, %broadcast_in_dim3A_501 : vector<16xi1>, vector<16xf32>
      %add3A_503 = arith.addf %scan3A_449, %select_n3A_502 : vector<16xf32>
      scf.yield %add3A_472, %add3A_497, %add3A_478, %add3A_503 : vector<16xf32>, vector<16xf32>, vector<16xf32>, vector<16xf32>
    }
    %scan3A_380 = arith.constant 256 : i32
    %broadcast_in_dim3A_381 = arith.constant 0.000000e+00 : f32
    %broadcast_in_dim3A_382 = vector.broadcast %broadcast_in_dim3A_381 : f32 to vector<16xf32>
    %swap3A = arith.constant 0 : index
    %swap3A_383 = tpu.vector_load %arg15[%swap3A] {strides = array<i32>} : memref<256xf32, #tpu.memory_space<vmem>>, vector<16xf32>,
    tpu.vector_store %arg15[%swap3A], %broadcast_in_dim3A_382 {strides = array<i32>} : memref<256xf32, #tpu.memory_space<vmem>>, vector<16xf32>,
    %swap3A_384 = arith.constant 16 : index
    %swap3A_385 = tpu.vector_load %arg15[%swap3A_384] {strides = array<i32>} : memref<256xf32, #tpu.memory_space<vmem>>, vector<16xf32>,
    tpu.vector_store %arg15[%swap3A_384], %broadcast_in_dim3A_382 {strides = array<i32>} : memref<256xf32, #tpu.memory_space<vmem>>, vector<16xf32>,
    %swap3A_386 = arith.constant 32 : index
    %swap3A_387 = tpu.vector_load %arg15[%swap3A_386] {strides = array<i32>} : memref<256xf32, #tpu.memory_space<vmem>>, vector<16xf32>,
    tpu.vector_store %arg15[%swap3A_386], %broadcast_in_dim3A_382 {strides = array<i32>} : memref<256xf32, #tpu.memory_space<vmem>>, vector<16xf32>,
    %swap3A_388 = arith.constant 48 : index
    %swap3A_389 = tpu.vector_load %arg15[%swap3A_388] {strides = array<i32>} : memref<256xf32, #tpu.memory_space<vmem>>, vector<16xf32>,
    tpu.vector_store %arg15[%swap3A_388], %broadcast_in_dim3A_382 {strides = array<i32>} : memref<256xf32, #tpu.memory_space<vmem>>, vector<16xf32>,
    %swap3A_390 = arith.constant 64 : index
    %swap3A_391 = tpu.vector_load %arg15[%swap3A_390] {strides = array<i32>} : memref<256xf32, #tpu.memory_space<vmem>>, vector<16xf32>,
    tpu.vector_store %arg15[%swap3A_390], %broadcast_in_dim3A_382 {strides = array<i32>} : memref<256xf32, #tpu.memory_space<vmem>>, vector<16xf32>,
    %swap3A_392 = arith.constant 80 : index
    %swap3A_393 = tpu.vector_load %arg15[%swap3A_392] {strides = array<i32>} : memref<256xf32, #tpu.memory_space<vmem>>, vector<16xf32>,
    tpu.vector_store %arg15[%swap3A_392], %broadcast_in_dim3A_382 {strides = array<i32>} : memref<256xf32, #tpu.memory_space<vmem>>, vector<16xf32>,
    %swap3A_394 = arith.constant 96 : index
    %swap3A_395 = tpu.vector_load %arg15[%swap3A_394] {strides = array<i32>} : memref<256xf32, #tpu.memory_space<vmem>>, vector<16xf32>,
    tpu.vector_store %arg15[%swap3A_394], %broadcast_in_dim3A_382 {strides = array<i32>} : memref<256xf32, #tpu.memory_space<vmem>>, vector<16xf32>,
    %swap3A_396 = arith.constant 112 : index
    %swap3A_397 = tpu.vector_load %arg15[%swap3A_396] {strides = array<i32>} : memref<256xf32, #tpu.memory_space<vmem>>, vector<16xf32>,
    tpu.vector_store %arg15[%swap3A_396], %broadcast_in_dim3A_382 {strides = array<i32>} : memref<256xf32, #tpu.memory_space<vmem>>, vector<16xf32>,
    %swap3A_398 = arith.constant 128 : index
    %swap3A_399 = tpu.vector_load %arg15[%swap3A_398] {strides = array<i32>} : memref<256xf32, #tpu.memory_space<vmem>>, vector<16xf32>,
    tpu.vector_store %arg15[%swap3A_398], %broadcast_in_dim3A_382 {strides = array<i32>} : memref<256xf32, #tpu.memory_space<vmem>>, vector<16xf32>,
    %swap3A_400 = arith.constant 144 : index
    %swap3A_401 = tpu.vector_load %arg15[%swap3A_400] {strides = array<i32>} : memref<256xf32, #tpu.memory_space<vmem>>, vector<16xf32>,
    tpu.vector_store %arg15[%swap3A_400], %broadcast_in_dim3A_382 {strides = array<i32>} : memref<256xf32, #tpu.memory_space<vmem>>, vector<16xf32>,
    %swap3A_402 = arith.constant 160 : index
    %swap3A_403 = tpu.vector_load %arg15[%swap3A_402] {strides = array<i32>} : memref<256xf32, #tpu.memory_space<vmem>>, vector<16xf32>,
    tpu.vector_store %arg15[%swap3A_402], %broadcast_in_dim3A_382 {strides = array<i32>} : memref<256xf32, #tpu.memory_space<vmem>>, vector<16xf32>,
    %swap3A_404 = arith.constant 176 : index
    %swap3A_405 = tpu.vector_load %arg15[%swap3A_404] {strides = array<i32>} : memref<256xf32, #tpu.memory_space<vmem>>, vector<16xf32>,
    tpu.vector_store %arg15[%swap3A_404], %broadcast_in_dim3A_382 {strides = array<i32>} : memref<256xf32, #tpu.memory_space<vmem>>, vector<16xf32>,
    %swap3A_406 = arith.constant 192 : index
    %swap3A_407 = tpu.vector_load %arg15[%swap3A_406] {strides = array<i32>} : memref<256xf32, #tpu.memory_space<vmem>>, vector<16xf32>,
    tpu.vector_store %arg15[%swap3A_406], %broadcast_in_dim3A_382 {strides = array<i32>} : memref<256xf32, #tpu.memory_space<vmem>>, vector<16xf32>,
    %swap3A_408 = arith.constant 208 : index
    %swap3A_409 = tpu.vector_load %arg15[%swap3A_408] {strides = array<i32>} : memref<256xf32, #tpu.memory_space<vmem>>, vector<16xf32>,
    tpu.vector_store %arg15[%swap3A_408], %broadcast_in_dim3A_382 {strides = array<i32>} : memref<256xf32, #tpu.memory_space<vmem>>, vector<16xf32>,
    %swap3A_410 = arith.constant 224 : index
    %swap3A_411 = tpu.vector_load %arg15[%swap3A_410] {strides = array<i32>} : memref<256xf32, #tpu.memory_space<vmem>>, vector<16xf32>,
    tpu.vector_store %arg15[%swap3A_410], %broadcast_in_dim3A_382 {strides = array<i32>} : memref<256xf32, #tpu.memory_space<vmem>>, vector<16xf32>,
    %swap3A_412 = arith.constant 240 : index
    %swap3A_413 = tpu.vector_load %arg15[%swap3A_412] {strides = array<i32>} : memref<256xf32, #tpu.memory_space<vmem>>, vector<16xf32>,
    tpu.vector_store %arg15[%swap3A_412], %broadcast_in_dim3A_382 {strides = array<i32>} : memref<256xf32, #tpu.memory_space<vmem>>, vector<16xf32>,
    %add3A_414 = arith.addf %scan3A_373#0, %broadcast_in_dim3A_57 : vector<16xf32>
    %add3A_415 = arith.addf %scan3A_373#1, %broadcast_in_dim3A_61 : vector<16xf32>
    %add3A_416 = arith.addf %add3A_414, %add3A_415 : vector<16xf32>
    %mul3A_417 = arith.constant 64 : i32
    %mul3A_418 = arith.muli %select_n3A, %mul3A_417 : i32
    %swap3A_419 = arith.index_cast %mul3A_418 : i32 to index
    %swap3A_420 = tpu.vector_load %arg15[%swap3A_419] {strides = array<i32>} : memref<256xf32, #tpu.memory_space<vmem>>, vector<16xf32>,
    tpu.vector_store %arg15[%swap3A_419], %add3A_416 {strides = array<i32>} : memref<256xf32, #tpu.memory_space<vmem>>, vector<16xf32>,
    %add3A_421 = arith.addf %scan3A_379#0, %broadcast_in_dim3A_65 : vector<16xf32>
    %add3A_422 = arith.addf %scan3A_379#1, %broadcast_in_dim3A_69 : vector<16xf32>
    %add3A_423 = arith.addf %add3A_421, %add3A_422 : vector<16xf32>
    %mul3A_424 = arith.constant 64 : i32
    %mul3A_425 = arith.muli %select_n3A, %mul3A_424 : i32
    %add3A_426 = arith.constant 16 : i32
    %add3A_427 = arith.addi %mul3A_425, %add3A_426 : i32
    %swap3A_428 = arith.index_cast %add3A_427 : i32 to index
    %swap3A_429 = tpu.vector_load %arg15[%swap3A_428] {strides = array<i32>} : memref<256xf32, #tpu.memory_space<vmem>>, vector<16xf32>,
    tpu.vector_store %arg15[%swap3A_428], %add3A_423 {strides = array<i32>} : memref<256xf32, #tpu.memory_space<vmem>>, vector<16xf32>,
    %add3A_430 = arith.addf %scan3A_379#2, %broadcast_in_dim3A_73 : vector<16xf32>
    %add3A_431 = arith.addf %scan3A_379#3, %broadcast_in_dim3A_77 : vector<16xf32>
    %add3A_432 = arith.addf %add3A_430, %add3A_431 : vector<16xf32>
    %mul3A_433 = arith.constant 64 : i32
    %mul3A_434 = arith.muli %select_n3A, %mul3A_433 : i32
    %add3A_435 = arith.constant 32 : i32
    %add3A_436 = arith.addi %mul3A_434, %add3A_435 : i32
    %swap3A_437 = arith.index_cast %add3A_436 : i32 to index
    %swap3A_438 = tpu.vector_load %arg15[%swap3A_437] {strides = array<i32>} : memref<256xf32, #tpu.memory_space<vmem>>, vector<16xf32>,
    tpu.vector_store %arg15[%swap3A_437], %add3A_432 {strides = array<i32>} : memref<256xf32, #tpu.memory_space<vmem>>, vector<16xf32>,
    %mul3A_439 = arith.constant 4 : i32
    %mul3A_440 = arith.muli %add3A, %mul3A_439 : i32
    %mul3A_441 = arith.constant 4 : i32
    %mul3A_442 = arith.muli %mul3A_440, %mul3A_441 : i32
    %mul3A_443 = arith.constant 16 : i32
    %mul3A_444 = arith.muli %mul3A_442, %mul3A_443 : i32
    "tpu.region"() ({
      %run_scoped3A = tpu.sem_alloc : memref<!tpu.dma_semaphore, #tpu.memory_space<semaphore_mem>>
      %dma_start3A_445 = tpu.memref_slice %arg8[%mul3A_444] : memref<8192xf32, #tpu.memory_space<hbm>> -> memref<256xf32, #tpu.memory_space<hbm>>
      %dma_start3A_446 = tpu.memref_slice %arg8[%mul3A_444] : memref<8192xf32, #tpu.memory_space<hbm>> -> memref<256xf32, #tpu.memory_space<hbm>>
      tpu.enqueue_dma source(%arg15 : memref<256xf32, #tpu.memory_space<vmem>>) target(%dma_start3A_446 : memref<256xf32, #tpu.memory_space<hbm>>) target_semaphore(%run_scoped3A : memref<!tpu.dma_semaphore, #tpu.memory_space<semaphore_mem>>)
      %dma_wait3A_447 = tpu.memref_slice %arg8[%mul3A_444] : memref<8192xf32, #tpu.memory_space<hbm>> -> memref<256xf32, #tpu.memory_space<hbm>>
      %dma_wait3A_448 = tpu.memref_slice %arg8[%mul3A_444] : memref<8192xf32, #tpu.memory_space<hbm>> -> memref<256xf32, #tpu.memory_space<hbm>>
      tpu.wait_dma2 semaphore(%run_scoped3A : memref<!tpu.dma_semaphore, #tpu.memory_space<semaphore_mem>>) src(%arg15 : memref<256xf32, #tpu.memory_space<vmem>>) dst(%dma_wait3A_448 : memref<256xf32, #tpu.memory_space<hbm>>)
      tpu.yield
    }) : () -> ()
    return
  }
}

</mosaic_0001>

<sc_bundles>
// kernel: _partials.3.cloned.1.call-start
scs
__scs_entry_jumppad:
0x0: {  	(pc) =	sbr.rel $0x88, $3  }
0x1: {  	(tag) =	ssettag $0x0;
	lr =	simm.s32 $0x1  }
0x2: {  	[smem:$0x3F9B] =	sst lr;
	_ =	strace $0xD0000000  }
0x3: {  	_ = 	snop  }
0x4: {  	_ = 	snop  }
0x5: {  	_ = 	snop  }
0x6: {  	_ = 	snop  }
0x7: {  	_ = 	snop  }
__scs_overlays_trampoline_lowered:
0x8: {  	[smem:$0x3FAA] =	sst s0  }
0x9: {  	[smem:$0x3FAB] =	sst s1  }
0xa: {  	[smem:$0x3FAC] =	sst s2  }
0xb: {  	[smem:$0x3FAD] =	sst s3  }
0xc: {  	[smem:$0x3FAE] =	sst s4  }
0xd: {  	[smem:$0x3FAF] =	sst s5  }
0xe: {  	[smem:$0x3FB0] =	sst s6  }
0xf: {  	[smem:$0x3FB1] =	sst s7  }
0x10: {  	[smem:$0x3FB2] =	sst s8  }
0x11: {  	[smem:$0x3FB3] =	sst s9;
	s0 =	simm.s32 @!p0 $0x0  }
0x12: {  	s1 =	sld [smem:$0x3F99];
	s0 =	simm.s32 @p0 $0x1  }
0x13: {  	[smem:$0x3FB4] =	sst s0;
	s0 =	simm.s32 @!p1 $0x0  }
0x14: {  	s2 =	sld [smem:$0x3F98];
	s0 =	simm.s32 @p1 $0x1  }
0x15: {  	[smem:$0x3FB5] =	sst s0;
	s0 =	simm.s32 @!p2 $0x0  }
0x16: {  	s3 =	sld [smem:$0x3FDB];
	s0 =	simm.s32 @p2 $0x1  }
0x17: {  	s4 =	simm.s32 $0x1BF5;
	[smem:$0x3FB7] =	sst s0  }
0x18: {  	s0 =	sld [smem:$0x3F9A];
	_ =	swait.ge [sflag:s4], $0x0  }
0x19: {  	s7 =	sld [smem:$0x3F9B]  }
0x1a: {  	s8 =	sadd.s32 $0xFFFFE003, lr  }
0x1b: {  	s9 =	sadd.s32 $0xFFFFFEF7, lr;
	s5 =	simm.s32 $0xFFFFFFFF;
	p2 =	slt.u32 s8, $0xFFFFF086  }
0x1c: {  	p1 =	slt.u32 s9, $0xF7A;
	s5 =	simm.s32 @!p2 $0x0  }
0x1d: {  	s5 =	simm.s32 @p1 $0x1;
	p0 =	seq.s32 s7, s2  }
0x1e: {  	s7 =	smul.u32 @!p0 $0xF7A, s2;
	p2 =	seq.s32 @!p0 s5, $0x0  }
0x1f: {  	s9 =	smul.u32 $0xF7A, s1;
	s8 =	simm.s32 @!p0 $0x1BF5;
	p2 =	por !p2, p0  }
0x20: {  	[sflag:s8] =	ssyncset.s32 @!p0 $0xFFFFF086;
	s6 =	sadd.s32 @!p0 s3, s7;
	s7 =	simm.s32 @!p0 $0x108  }
0x21: {  	s3 =	sadd.s32 s3, s9;
	s6 =	sadd.s32 @!p0 $0x88, s6;
	s7 =	simm.s32 @p2 $0x1082  }
0x22: {  	[simem:s7], [sflag:s8] =	dma.local @!p0 [hbm:s6], $0xF7A  }
0x23: {  	s9 =	sor.u32 $0xD0000000, s2;
	s6 =	simm.s32 $0x108;
	_ =	swait.ge @!p0 [sflag:s8], $0x0  }
0x24: {  	s3 =	sadd.s32 $0x88, s3;
	s6 =	simm.s32 @!p1 $0x1082;
	[sflag:s4] =	ssyncset.s32 $0xFFFFF086  }
0x25: {  	[simem:s6], [sflag:s4] =	dma.local [hbm:s3], $0xF7A  }
0x26: {  	[smem:$0x3F9B] =	sst s1;
	(tag) =	ssettag s2;
	_ =	strace s9  }
0x27: {  	s1 =	sld [smem:$0x3FAB]  }
0x28: {  	s2 =	sld [smem:$0x3FAC]  }
0x29: {  	s4 =	sld [smem:$0x3FAE]  }
0x2a: {  	p0 =	seq.s32 s5, $0x0;
	s5 =	sld [smem:$0x3FAF]  }
0x2b: {  	s6 =	sld [smem:$0x3FB0]  }
0x2c: {  	s7 =	sld [smem:$0x3FB1]  }
0x2d: {  	s3 =	simm.s32 $0x108;
	s8 =	sld [smem:$0x3FB2]  }
0x2e: {  	s3 =	simm.s32 @!p0 $0x1082;
	s9 =	sld [smem:$0x3FB3]  }
0x2f: {  	lr =	sadd.s32 s0, s3;
	s0 =	sld [smem:$0x3FAA]  }
0x30: {  	s3 =	sld [smem:$0x3FAD]  }
0x31: {  	[smem:$0x3FB6] =	sst s10  }
0x32: {  	s10 =	sld [smem:$0x3FB4];
	_ =	sdelay $0x3  }
0x33: {  	p0 =	seq.s32 s10, $0x1;
	s10 =	sld [smem:$0x3FB6];
	_ =	sdelay $0x3  }
0x34: {  	[smem:$0x3FB6] =	sst s10  }
0x35: {  	s10 =	sld [smem:$0x3FB5];
	_ =	sdelay $0x3  }
0x36: {  	p1 =	seq.s32 s10, $0x1;
	s10 =	sld [smem:$0x3FB6];
	_ =	sdelay $0x3  }
0x37: {  	[smem:$0x3FB6] =	sst s10  }
0x38: {  	s10 =	sld [smem:$0x3FB7]  }
0x39: {  	_ = 	snop;
	(pc) =	sbr.ind lr, $3  }
0x3a: {  	_ = 	snop  }
0x3b: {  	_ = 	snop  }
0x3c: {  	p2 =	seq.s32 s10, $0x1;
	s10 =	sld [smem:$0x3FB6]  }
0x3d: {  	_ =	shalt  }
0x3e: {  	_ =	shalt  }
0x3f: {  	_ =	shalt  }
0x40: {  	_ =	shalt  }
0x41: {  	_ =	shalt  }
0x42: {  	_ =	shalt  }
0x43: {  	_ =	shalt  }
0x44: {  	_ =	shalt  }
0x45: {  	_ =	shalt  }
0x46: {  	_ =	shalt  }
0x47: {  	_ =	shalt  }
0x48: {  	_ =	shalt  }
0x49: {  	_ =	shalt  }
0x4a: {  	_ =	shalt  }
0x4b: {  	_ =	shalt  }
0x4c: {  	_ =	shalt  }
0x4d: {  	_ =	shalt  }
0x4e: {  	_ =	shalt  }
0x4f: {  	_ =	shalt  }
0x50: {  	_ =	shalt  }
0x51: {  	_ =	shalt  }
0x52: {  	_ =	shalt  }
0x53: {  	_ =	shalt  }
0x54: {  	_ =	shalt  }
0x55: {  	_ =	shalt  }
0x56: {  	_ =	shalt  }
0x57: {  	_ =	shalt  }
0x58: {  	_ =	shalt  }
0x59: {  	_ =	shalt  }
0x5a: {  	_ =	shalt  }
0x5b: {  	_ =	shalt  }
0x5c: {  	_ =	shalt  }
0x5d: {  	_ =	shalt  }
0x5e: {  	_ =	shalt  }
0x5f: {  	_ =	shalt  }
0x60: {  	_ =	shalt  }
0x61: {  	_ =	shalt  }
0x62: {  	_ =	shalt  }
0x63: {  	_ =	shalt  }
0x64: {  	_ =	shalt  }
0x65: {  	_ =	shalt  }
0x66: {  	_ =	shalt  }
0x67: {  	_ =	shalt  }
0x68: {  	_ =	shalt  }
0x69: {  	_ =	shalt  }
0x6a: {  	_ =	shalt  }
0x6b: {  	_ =	shalt  }
0x6c: {  	_ =	shalt  }
0x6d: {  	_ =	shalt  }
0x6e: {  	_ =	shalt  }
0x6f: {  	_ =	shalt  }
0x70: {  	_ =	shalt  }
0x71: {  	_ =	shalt  }
0x72: {  	_ =	shalt  }
0x73: {  	_ =	shalt  }
0x74: {  	_ =	shalt  }
0x75: {  	_ =	shalt  }
0x76: {  	_ =	shalt  }
0x77: {  	_ =	shalt  }
0x78: {  	_ =	shalt  }
0x79: {  	_ =	shalt  }
0x7a: {  	_ =	shalt  }
0x7b: {  	_ =	shalt  }
0x7c: {  	_ =	shalt  }
0x7d: {  	_ =	shalt  }
0x7e: {  	_ =	shalt  }
0x7f: {  	_ =	shalt  }
0x80: {  	_ =	shalt  }
0x81: {  	_ =	shalt  }
0x82: {  	_ =	shalt  }
0x83: {  	_ =	shalt  }
0x84: {  	_ =	shalt  }
0x85: {  	_ =	shalt  }
0x86: {  	_ =	shalt  }
0x87: {  	_ =	shalt  }
.Lfunc_end0:
.L_simem_size_0:
called_computation_lowered:
.L_overlay_start_0:
0x88: {  	s2 =	sld [smem:$0x3FD9]  }
0x89: {  	s3 =	sld [smem:$0x3FFE];
	_ =	sdelay $0x1  }
0x8a: {  	s1 =	srdreg.scid  }
0x8b: {  	s0 =	sand.u32 $0x1, s1  }
0x8c: {  	s18 =	sshll.u32 s0, $0xA;
	s2 =	sadd.s32 s3, s2  }
0x8d: {  	s2 =	sadd.s32 s2, s18  }
0x8e: {  	[smem:$0x3FC2] =	sst s2  }
0x8f: {  	_ = 	snop  }
0x90: {  	s2 =	sld [smem:$0x3FC9]  }
0x91: {  	s19 =	sld [smem:$0x3FC8]  }
0x92: {  	s4 =	sld [smem:$0x3FC7]  }
0x93: {  	s5 =	sld [smem:$0x3FC6]  }
0x94: {  	s6 =	sld [smem:$0x3FC5]  }
0x95: {  	s7 =	sld [smem:$0x3FC4]  }
0x96: {  	s8 =	sld [smem:$0x3FD0];
	(tm) =	ssettm $0x1  }
0x97: {  	s9 =	sld [smem:$0x3FFB];
	_ =	sdelay $0x3  }
0x98: {  	_ =	strace s9  }
0x99: {  	s9 =	sld [smem:$0x3FFC];
	_ =	sdelay $0x3  }
0x9a: {  	_ =	strace s9  }
0x9b: {  	s9 =	sld [smem:$0x3FFD];
	_ =	sdelay $0x3  }
0x9c: {  	_ =	strace s9  }
0x9d: {  	_ =	strace $0x8FFFFFFF  }
0x9e: {  	s20 =	sld [smem:$0x3FDB];
	_ =	sdelay $0x1  }
0x9f: {  	s10 =	simm.s32 $_scs_section_size  }
0xa0: {  	s11 =	simm.s32 $_size__tile_overlayer_lowered;
	s12 =	simm.s32 $_tile_overlayer_lowered  }
0xa1: {  	s23 =	simm.s32 $0x1BFF;
	s22 =	sshll.u32 s12, $0x1;
	s9 =	sadd.s32 s10, s20  }
0xa2: {  	s13 =	simm.s32 $0x0;
	s21 =	sshll.u32 s11, $0x1;
	s11 =	sadd.s32 s22, s9  }
0xa3: {  	[timem:s13], [sflag:s23] =	dma.local [hbm:s11], s21  }
0xa4: {  	_ =	swait.ge [sflag:s23], s21  }
0xa5: {  	s10 =	ssub.s32 $0x0, s21;
	[sflag:s23] =	ssyncset.done $0x0  }
0xa6: {  	[sflag:s23] =	ssyncadd.s32 s10;
	_ =	sdelay $0x1  }
0xa7: {  	s24 =	simm.s32 $0x1B8B  }
0xa8: {  	_ =	swait.ge [sflag:s24], $0x1  }
0xa9: {  	[sflag:s24] =	ssyncset.done $0x0  }
0xaa: {  	s25 =	simm.s32 $0x1B8E;
	[sflag:s24] =	ssyncadd.s32 $0xFFFFFFFF  }
0xab: {  	s26 =	simm.s32 $execute0_lowered;
	[smem:$0x3FD2] =	sst s25  }
0xac: {  	s10 =	sshll.u32 s26, $0x1;
	_ =	strace $0x80000046;
	[dreg:$0x1] =	wrdreg $0xFFFFFFFF  }
0xad: {  	s28 =	simm.s32 $_size_execute0_lowered;
	s9 =	sadd.s32 s9, s10;
	[dreg:$0x0] =	wrdreg $0x0  }
0xae: {  	s10 =	sshll.u32 s28, $0x1;
	[dreg:$0x2] =	wrdreg s9  }
0xaf: {  	[dreg:$0x3] =	wrdreg s10  }
0xb0: {  	[dreg:$0x4] =	wrdreg $0xC0  }
0xb1: {  	_ =	task [dreg:s13], $0x5FFFF  }
0xb2: {  	[dreg:$0x1] =	wrdreg $0xFFFFFFFF  }
0xb3: {  	[dreg:$0x0] =	wrdreg $0x60  }
0xb4: {  	[dreg:$0x2] =	wrdreg s2  }
0xb5: {  	[dreg:$0x3] =	wrdreg s19  }
0xb6: {  	[dreg:$0x4] =	wrdreg s4  }
0xb7: {  	[dreg:$0x5] =	wrdreg s5  }
0xb8: {  	[dreg:$0x6] =	wrdreg s6  }
0xb9: {  	[dreg:$0x7] =	wrdreg s7  }
0xba: {  	[dreg:$0x8] =	wrdreg s8  }
0xbb: {  	[dreg:$0x9] =	wrdreg $0x9  }
0xbc: {  	_ =	task.clear_ibuf [dreg:s13], $0xAFFFF;
	_ =	strace $0x90000046  }
0xbd: {  	s29 =	simm.s32 $0x9;
	_ =	strace $0x80000048  }
0xbe: {  	_ =	swait.ge [sflag:s29], $0x1  }
0xbf: {  	[sflag:s29] =	ssyncadd.s32 $0xFFFFFFFF  }
0xc0: {  	_ =	strace $0x90000048  }
0xc1: {  	_ =	sfence  }
0xc2: {  	s30 =	sld [smem:$0x0];
	_ =	sdelay $0x2  }
0xc3: {  	s31 =	sshll.u32 s1, $0xD;
	s1 =	sshrl.u32 s1, $0x2  }
0xc4: {  	s3 =	sand.u32 $0x4000, s31;
	s1 =	sadd.s32 s1, s30  }
0xc5: {  	s0 =	sor.u32 s3, s0;
	s1 =	sshll.u32 s1, $0x11  }
0xc6: {  	s0 =	sor.u32 s1, s0  }
0xc7: {  	s0 =	sadd.s32 $0x8F2B, s0  }
0xc8: {  	[sflag:s0] =	ssyncadd.remote.s32 $0x1  }
0xc9: {  	_ =	sfence.sel $0xFFFF  }
0xca: {  	[dreg:$0x0] =	wrdreg $0xFFFFFFFF;
	(pc) =	sbr.abs _section_cstart, $3  }
0xcb: {  	[dreg:$0x1] =	wrdreg $0xFFFFFFFF  }
0xcc: {  	_ =	task.clear_ibuf [dreg:s13], $0x2FFFF;
	_ =	strace $0x9FFFFFFF  }
0xcd: {  	(tm) =	ssettm $0x7FFFFFFF  }
tec
execute0_lowered:
.L_overlay_start_1:
0x0: {  	(tag) =	ssettag $0x1  }
0x1: {  	s0 =	rddreg [dreg:$0x0]  }
0x2: {  	s1 =	rddreg [dreg:$0x1]  }
0x3: {  	s3 =	rddreg [dreg:$0x2]  }
0x4: {  	s5 =	rddreg [dreg:$0x3]  }
0x5: {  	s7 =	rddreg [dreg:$0x4]  }
0x6: {  	s2 =	srdreg.scid;
	s10 =	rddreg [dreg:$0x5]  }
0x7: {  	s6 =	stileid.u32;
	s17 =	rddreg [dreg:$0x6];
	s31 =	simm.s32 $0x2  }
0x8: {  	s28 =	simm.s32 $0x1;
	s30 =	simm.s32 $0x3;
	s29 =	simm.s32 $0x0  }
0x9: {  	s2 =	sand.u32 $0x1, s2;
	s4 =	sshll.u32 s6, $0x1;
	s6 =	sshrl.u32 s6, $0x2  }
0xa: {  	s4 =	sor.u32 s2, s4;
	s9 =	smul.u32 $0x310000, s6;
	s24 =	sshll.u32 s6, $0x9  }
0xb: {  	s2 =	ssub.s32 $0x2, s2;
	s8 =	sand.u32 $0x7, s4;
	s3 =	sadd.s32 s3, s24  }
0xc: {  	s25 =	sadd.s32 s5, s24;
	s8 =	smul.u32 $0x62000, s8;
	[dreg:$0x8] =	wrdreg s3  }
0xd: {  	s11 =	sshrl.u32 s2, $0x1;
	s16 =	sadd.s32 s7, s24;
	[dreg:$0x9] =	wrdreg s25  }
0xe: {  	s18 =	sadd.s32 s10, s24;
	[dreg:$0xa] =	wrdreg s16;
	s8 =	sadd.s32 s9, s8  }
0xf: {  	s2 =	ssub.s32 s2, s11;
	[dreg:$0xb] =	wrdreg s18;
	s26 =	sshrl.u32 s8, $0x3  }
0x10: {  	s19 =	sor.u32 $0x10, s26;
	s20 =	sadd.s32 s0, s26;
	s21 =	sadd.s32 s1, s26  }
0x11: {  	s23 =	sor.u32 $0x20, s26;
	s12 =	sor.u32 $0x30, s26;
	s24 =	sor.u32 $0x40, s26  }
0x12: {  	s16 =	sor.u32 $0x50, s26;
	s25 =	sor.u32 $0x60, s26;
	[dreg:$0xc] =	wrdreg s20  }
0x13: {  	s3 =	sor.u32 $0x70, s26;
	s26 =	sshll.u32 s4, $0x5;
	[dreg:$0xd] =	wrdreg s21  }
0x14: {  	s22 =	sadd.s32 s0, s19;
	s8 =	sadd.s32 s1, s19;
	s9 =	sadd.s32 s0, s23  }
0x15: {  	s10 =	sadd.s32 s1, s23;
	s11 =	sadd.s32 s0, s12;
	s12 =	sadd.s32 s1, s12  }
0x16: {  	s13 =	sadd.s32 s0, s24;
	s14 =	sadd.s32 s1, s24;
	s15 =	sadd.s32 s0, s16  }
0x17: {  	s16 =	sadd.s32 s1, s16;
	s18 =	sadd.s32 s0, s25;
	s19 =	sadd.s32 s1, s25  }
0x18: {  	s20 =	sadd.s32 s0, s3;
	s21 =	simm.s32 $0x0;
	s23 =	sadd.s32 s17, s26  }
0x19: {  	s24 =	sshll.u32 s6, $0x6;
	s25 =	smax.u32 s2, $0x1;
	[dreg:$0xe] =	wrdreg s22  }
0x1a: {  	s17 =	simm.s32 $0x80;
	s0 =	simm.s32 $0x400;
	[smem:$0x7FF] =	sst s21  }
0x1b: {  	v0 =	vimm.f32 $0.0e+00;
	s26 =	simm.s32 $0xC400;
	s22 =	sadd.s32 s1, s3;
	_ =	strace $0x80000047  }
.LBB2_1:
0x1c: {  	s1 =	rddreg [dreg:$0x8];
	s2 =	simm.s32 $0x18800  }
0x1d: {  	[tilespmem:s2], [sflag:$0x2] =	stream.linear.gather [hbm4b:s1+s21], $0x1000, $0x38;
	[tilespmem:$0x1C900] =	vst v63  }
0x1e: {  	s3 =	simm.s32 $0x19800;
	s2 =	rddreg [dreg:$0x9]  }
0x1f: {  	[tilespmem:s3], [sflag:$0x2] =	stream.linear.gather [hbm4b:s2+s21], $0x1000, $0x38;
	[tilespmem:$0x1C900] =	vst v63  }
0x20: {  	s4 =	rddreg [dreg:$0xa];
	s5 =	simm.s32 $0x1A800  }
0x21: {  	[tilespmem:s5], [sflag:$0x2] =	stream.linear.gather [hbm4b:s4+s21], $0x1000, $0x38;
	[tilespmem:$0x1C900] =	vst v63  }
0x22: {  	s6 =	rddreg [dreg:$0xb];
	s7 =	simm.s32 $0x1B800  }
0x23: {  	[tilespmem:s7], [sflag:$0x2] =	stream.linear.gather [hbm4b:s6+s21], $0x1000, $0x38;
	[tilespmem:$0x1C900] =	vst v63  }
0x24: {  	_ =	swait.ge [sflag:s31], $0x1000  }
0x25: {  	[sflag:s31] =	ssyncset.done $0x0  }
0x26: {  	[sflag:s31] =	ssyncadd.s32 $0xFFFFF000  }
0x27: {  	_ =	swait.ge [sflag:s31], $0x1000  }
0x28: {  	[sflag:s31] =	ssyncset.done $0x0  }
0x29: {  	[sflag:s31] =	ssyncadd.s32 $0xFFFFF000  }
0x2a: {  	_ =	swait.ge [sflag:s31], $0x1000  }
0x2b: {  	[sflag:s31] =	ssyncset.done $0x0  }
0x2c: {  	[sflag:s31] =	ssyncadd.s32 $0xFFFFF000  }
0x2d: {  	_ =	swait.ge [sflag:s31], $0x1000  }
0x2e: {  	[sflag:s31] =	ssyncset.done $0x0  }
0x2f: {  	s2 =	rddreg [dreg:$0xc];
	[sflag:s31] =	ssyncadd.s32 $0xFFFFF000  }
0x30: {  	[tilespmem:s21], [sflag:$0x1] =	stream.strided.gather [hbm4b:s2+s17], $0xC400, s0, s17, $0x38;
	[tilespmem:$0x1C900] =	vst v63  }
0x31: {  	s3 =	rddreg [dreg:$0xd]  }
0x32: {  	[tilespmem:s26], [sflag:$0x1] =	stream.strided.gather [hbm4b:s3+s17], $0xC400, s0, s17, $0x38;
	[tilespmem:$0x1C900] =	vst v63  }
0x33: {  	_ =	swait.ge [sflag:s28], $0xC400  }
0x34: {  	[sflag:s28] =	ssyncset.done $0x0  }
0x35: {  	[sflag:s28] =	ssyncadd.s32 $0xFFFF3C00  }
0x36: {  	_ =	swait.ge [sflag:s28], $0xC400  }
0x37: {  	[sflag:s28] =	ssyncset.done $0x0  }
0x38: {  	s4 =	simm.s32 $0x0;
	[sflag:s28] =	ssyncadd.s32 $0xFFFF3C00  }
0x39: {  	v1 =	vld [tilespmem:s4+$0x18800]  }
0x3a: {  	v2 =	vld [tilespmem:s4+$0x19800];
	_ =	sdelay $0x2  }
0x3b: {  	s5 =	simm.s32 $0x10  }
0x3c: {  	v4 =	vld [tilespmem:s5+$0x18800];
	v3 =	vshrl.u32 v1, $0x10  }
0x3d: {  	v6 =	vld [tilespmem:s5+$0x19800];
	v5 =	vshrl.u32 v2, $0x10  }
0x3e: {  	s6 =	simm.s32 $0x20  }
0x3f: {  	v9 =	vld [tilespmem:s6+$0x18800];
	v1 =	vand.u32 $0xFFFF, v1  }
0x40: {  	v11 =	vld [tilespmem:s6+$0x19800];
	v2 =	vand.u32 $0xFFFF, v2  }
0x41: {  	v7 =	vshrl.u32 v4, $0x10;
	v3 =	vld.idx.msk [tilespmem:v3+s21+$0x0], $0xffff  }
0x42: {  	s7 =	simm.s32 $0x30;
	v8 =	vshrl.u32 v6, $0x10;
	v5 =	vld.idx.msk [tilespmem:v5+s26+$0x0], $0xffff  }
0x43: {  	v10 =	vld [tilespmem:s7+$0x18800]  }
0x44: {  	v4 =	vand.u32 $0xFFFF, v4;
	v12 =	vld.idx.msk [tilespmem:v1+s21+$0x0], $0xffff  }
0x45: {  	v6 =	vand.u32 $0xFFFF, v6;
	v2 =	vld.idx.msk [tilespmem:v2+s26+$0x0], $0xffff  }
0x46: {  	v14 =	vshrl.u32 v9, $0x10;
	v13 =	vld.idx.msk [tilespmem:v7+s21+$0x0], $0xffff;
	v7 =	vand.u32 $0xFFFF, v9  }
0x47: {  	v1 =	vld.idx.msk [tilespmem:v8+s26+$0x0], $0xffff;
	v9 =	vand.u32 $0xFFFF, v11;
	v11 =	vshrl.u32 v11, $0x10;
	v3 =	vsub.f32 v3, v5  }
0x48: {  	v8 =	vld [tilespmem:s7+$0x19800]  }
0x49: {  	v5 =	vmul.f32 v3, v3;
	v3 =	vld.idx.msk [tilespmem:v4+s21+$0x0], $0xffff  }
0x4a: {  	v4 =	vld.idx.msk [tilespmem:v6+s26+$0x0], $0xffff  }
0x4b: {  	s1 =	simm.s32 $0x0;
	s2 =	simm.s32 $0x100;
	v12 =	vsub.f32 v12, v2;
	v6 =	vimm.f32 $0.0e+00;
	v2 =	vadd.f32 v5, v0;
	v5 =	vld.idx.msk [tilespmem:v14+s21+$0x0], $0xffff  }
.LBB2_2:
0x4c: {  	s3 =	sshra.s32 s2, $0x2;
	v14 =	vand.u32 $0xFFFF, v10;
	v15 =	vshrl.u32 v10, $0x10;
	v13 =	vsub.f32 v13, v1;
	v1 =	vld.idx.msk [tilespmem:v11+s26+$0x0], $0xffff;
	p0 =	sne.s32 s2, $0x3FC0  }
.Ltmp0:
0x4d: {  	s2 =	sadd.s32 $0x40, s2;
	v17 =	vmul.f32 v12, v12;
	v10 =	vld [tilespmem:s3+$0x18800];
	v16 =	vand.u32 $0xFFFF, v8;
	v11 =	vshrl.u32 v8, $0x10;
	(pc) =	sbr.rel @p0 .LBB2_2-.Ltmp0, $4  }
0x4e: {  	v8 =	vld [tilespmem:s3+$0x19800];
	v18 =	vmul.f32 v13, v13  }
0x4f: {  	v6 =	vadd.f32 v17, v6;
	v12 =	vmov v3;
	v3 =	vld.idx.msk [tilespmem:v7+s1+$0x0], $0xffff;
	v7 =	vmov v14  }
0x50: {  	s1 =	simm.s32 $0x0;
	v12 =	vsub.f32 v12, v4;
	v4 =	vld.idx.msk [tilespmem:v9+s26+$0x0], $0xffff;
	v2 =	vadd.f32 v18, v2;
	v9 =	vmov v16  }
0x51: {  	v13 =	vmov v5;
	v5 =	vld.idx.msk [tilespmem:v15+s1+$0x0], $0xffff  }
0x52: {  	_ =	sdelay $0x1  }
0x53: {  	v14 =	vshrl.u32 v10, $0x10  }
0x54: {  	v62 =	vand.u32 $0xFFFF, v10  }
0x55: {  	v11 =	vld.idx.msk [tilespmem:v11+s26+$0x0], $0xffff;
	v15 =	vshrl.u32 v8, $0x10  }
0x56: {  	v7 =	vld.idx.msk [tilespmem:v7+s1+$0x0], $0xffff;
	v63 =	vand.u32 $0xFFFF, v8  }
0x57: {  	v9 =	vld.idx.msk [tilespmem:v9+s26+$0x0], $0xffff  }
0x58: {  	v14 =	vld.idx.msk [tilespmem:v14+s1+$0x0], $0xffff  }
0x59: {  	v10 =	vld.idx.msk [tilespmem:v62+s1+$0x0], $0xffff  }
0x5a: {  	v1 =	vsub.f32 v13, v1;
	v15 =	vld.idx.msk [tilespmem:v15+s26+$0x0], $0xffff  }
0x5b: {  	v12 =	vmul.f32 v12, v12;
	v3 =	vsub.f32 v3, v4;
	v4 =	vld.idx.msk [tilespmem:v63+s26+$0x0], $0xffff  }
0x5c: {  	v1 =	vmul.f32 v1, v1  }
0x5d: {  	v6 =	vadd.f32 v12, v6;
	v5 =	vsub.f32 v5, v11;
	v3 =	vmul.f32 v3, v3  }
0x5e: {  	v7 =	vsub.f32 v7, v9  }
0x5f: {  	p4 =	por $0x1, $0x1;
	v1 =	vadd.f32 v1, v2;
	v2 =	vmul.f32 v5, v5;
	v3 =	vadd.f32 v3, v6  }
.Ltmp1:
0x60: {  	v6 =	vmul.f32 v7, v7;
	v5 =	vsub.f32 v14, v15;
	v4 =	vsub.f32 v10, v4;
	(pc) =	sbr.rel @!p4 .LBB2_4-.Ltmp1, $4  }
0x61: {  	v1 =	vadd.f32 v2, v1  }
0x62: {  	v3 =	vadd.f32 v6, v3;
	v2 =	vmul.f32 v5, v5;
	v4 =	vmul.f32 v4, v4  }
0x63: {  	p0 =	por $0x0, $0x0;
	s1 =	simm.s32 $0x0  }
0x64: {  	p1 =	por $0x0, $0x0;
	p2 =	por $0x0, $0x0;
	p3 =	por $0x0, $0x0;
	v2 =	vadd.f32 v2, v1;
	v1 =	vadd.f32 v4, v3;
	v3 =	vimm.f32 $0.0e+00;
	v4 =	vld [tilespmem:s1+$0x1A800]  }
0x65: {  	v5 =	vld [tilespmem:s1+$0x1B800];
	p4 =	por $0x1, $0x1  }
.Ltmp2:
0x66: {  	_ = 	snop;
	(pc) =	sbr.rel @!p4 .LBB2_6-.Ltmp2, $3  }
0x67: {  	_ =	sdelay $0x1  }
0x68: {  	s1 =	simm.s32 $0x10;
	v25 =	vand.u32 $0xFFFF, v4  }
0x69: {  	p0 =	por $0x1, $0x1;
	v6 =	vshrl.u32 v4, $0x10;
	v4 =	vld [tilespmem:s1+$0x1A800];
	v24 =	vand.u32 $0xFFFF, v5;
	v9 =	vshrl.u32 v5, $0x10  }
0x6a: {  	_ =	sdelay $0x2  }
0x6b: {  	v5 =	vld [tilespmem:s1+$0x1B800];
	p4 =	por $0x1, $0x1  }
.Ltmp3:
0x6c: {  	v10 =	vld.idx.msk [tilespmem:v6+s21+$0x0], $0xffff;
	(pc) =	sbr.rel @!p4 .LBB2_8-.Ltmp3, $4  }
0x6d: {  	v16 =	vld.idx.msk [tilespmem:v9+s26+$0x0], $0xffff  }
0x6e: {  	v12 =	vld.idx.msk [tilespmem:v25+s21+$0x0], $0xffff  }
0x6f: {  	s1 =	simm.s32 $0x20;
	v15 =	vld.idx.msk [tilespmem:v24+s26+$0x0], $0xffff;
	v25 =	vand.u32 $0xFFFF, v4  }
0x70: {  	p1 =	por $0x1, $0x1;
	v6 =	vshrl.u32 v4, $0x10;
	v4 =	vld [tilespmem:s1+$0x1A800];
	v11 =	vand.u32 $0xFFFF, v5;
	v9 =	vshrl.u32 v5, $0x10  }
0x71: {  	_ =	sdelay $0x2  }
0x72: {  	v14 =	vld [tilespmem:s1+$0x1B800];
	p4 =	por $0x1, $0x1  }
.Ltmp4:
0x73: {  	v5 =	vld.idx.msk [tilespmem:v6+s21+$0x0], $0xffff;
	v6 =	vsub.f32 v10, v16;
	(pc) =	sbr.rel @!p4 .LBB2_10-.Ltmp4, $4  }
0x74: {  	v7 =	vld.idx.msk [tilespmem:v9+s26+$0x0], $0xffff  }
0x75: {  	v8 =	vld.idx.msk [tilespmem:v25+s21+$0x0], $0xffff;
	v10 =	vmul.f32 v6, v6  }
0x76: {  	s1 =	simm.s32 $0x30;
	v13 =	vld.idx.msk [tilespmem:v11+s26+$0x0], $0xffff;
	v11 =	vsub.f32 v12, v15;
	v25 =	vand.u32 $0xFFFF, v4;
	v6 =	vshrl.u32 v4, $0x10  }
0x77: {  	p2 =	por $0x1, $0x1;
	v4 =	vld [tilespmem:s1+$0x1A800];
	v24 =	vand.u32 $0xFFFF, v14;
	v9 =	vshrl.u32 v14, $0x10;
	v14 =	vsub.f32 $5.000000000e-01, v10  }
0x78: {  	_ =	sdelay $0x1  }
0x79: {  	v15 =	vld [tilespmem:s1+$0x1B800];
	v12 =	vmul.f32 v11, v11  }
0x7a: {  	p4 =	por $0x1, $0x1;
	vm0 =	vgt.f32 v14, $0.0e+00;
	v18 =	vsub.f32 v5, v7  }
.Ltmp5:
0x7b: {  	v10 =	vld.idx.msk [tilespmem:v6+s21+$0x0], $0xffff;
	v19 =	vsub.f32 $5.000000000e-01, v12;
	v6 =	vsel vm0, $0x3F800000, v0;
	v21 =	vnsel vm0, $0x0, v14;
	(pc) =	sbr.rel @!p4 .LBB2_12-.Ltmp5, $4  }
0x7c: {  	v16 =	vld.idx.msk [tilespmem:v9+s26+$0x0], $0xffff;
	v17 =	vadd.f32 v6, v3;
	v18 =	vmul.f32 v18, v18;
	v22 =	vsub.f32 v8, v13  }
0x7d: {  	s1 =	simm.s32 $0x40;
	v12 =	vld.idx.msk [tilespmem:v25+s21+$0x0], $0xffff;
	v23 =	vadd.f32 v21, v3;
	v21 =	vimm.f32 $0.0e+00;
	v6 =	vshrl.u32 v4, $0x10  }
0x7e: {  	v26 =	vand.u32 $0xFFFF, v4;
	vm0 =	vgt.f32 v19, $0.0e+00;
	v4 =	vld [tilespmem:s1+$0x1A800];
	v9 =	vshrl.u32 v15, $0x10  }
0x7f: {  	s2 =	simm.s32 $0x140;
	p3 =	por $0x1, $0x1;
	v27 =	vand.u32 $0xFFFF, v15;
	v15 =	vld.idx.msk [tilespmem:v24+s26+$0x0], $0xffff;
	v20 =	vsub.f32 $5.000000000e-01, v18;
	v18 =	vimm.f32 $0.0e+00  }
.LBB2_13:
0x80: {  	p4 =	sne.s32 s2, $0x3FC0;
	v24 =	vld [tilespmem:s1+$0x1B800];
	v22 =	vmul.f32 v22, v22;
	v19 =	vnsel vm0, $0x0, v19;
	v25 =	vsel vm0, $0x3F800000, v0  }
0x81: {  	vm0 =	vgt.f32 v20, $0.0e+00;
	v18 =	vadd.f32 v19, v18;
	v21 =	vadd.f32 v25, v21  }
.Ltmp6:
0x82: {  	v25 =	vsub.f32 v10, v16;
	v10 =	vld.idx.msk [tilespmem:v6+s21+$0x0], $0xffff;
	v19 =	vsub.f32 $5.000000000e-01, v22;
	v6 =	vsel vm0, $0x3F800000, v0;
	(pc) =	sbr.rel @p4 .LBB2_13-.Ltmp6, $4  }
0x83: {  	v28 =	vnsel vm0, $0x0, v20;
	v20 =	vmov v12;
	v16 =	vld.idx.msk [tilespmem:v9+s26+$0x0], $0xffff;
	v17 =	vadd.f32 v6, v17  }
0x84: {  	v25 =	vmul.f32 v25, v25;
	v6 =	vshrl.u32 v4, $0x10;
	v12 =	vld.idx.msk [tilespmem:v26+s21+$0x0], $0xffff;
	v26 =	vand.u32 $0xFFFF, v4  }
0x85: {  	s1 =	sshra.s32 s2, $0x2;
	v22 =	vsub.f32 v20, v15;
	v9 =	vshrl.u32 v24, $0x10;
	v15 =	vld.idx.msk [tilespmem:v27+s26+$0x0], $0xffff;
	v27 =	vand.u32 $0xFFFF, v24  }
0x86: {  	s2 =	sadd.s32 $0x40, s2;
	v23 =	vadd.f32 v28, v23;
	vm0 =	vgt.f32 v19, $0.0e+00;
	v20 =	vsub.f32 $5.000000000e-01, v25;
	v4 =	vld [tilespmem:s1+$0x1A800]  }
0x87: {  	v25 =	vmov v26;
	v24 =	vmov v27  }
.LBB2_15:
0x88: {  	v26 =	vld [tilespmem:s1+$0x1B800];
	_ =	sdelay $0x2  }
0x89: {  	v27 =	vshrl.u32 v4, $0x10  }
0x8a: {  	v6 =	vld.idx.msk @p0 [tilespmem:v6+s21+$0x0], $0xffff;
	v4 =	vand.u32 $0xFFFF, v4  }
0x8b: {  	v9 =	vld.idx.msk @p0 [tilespmem:v9+s26+$0x0], $0xffff;
	v10 =	vsub.f32 @p1 v10, v16;
	v28 =	vshrl.u32 v26, $0x10  }
0x8c: {  	v25 =	vld.idx.msk @p0 [tilespmem:v25+s21+$0x0], $0xffff;
	v16 =	vmul.f32 @p2 v22, v22;
	v19 =	vnsel @p3 vm0, $0x0, v19;
	v26 =	vand.u32 $0xFFFF, v26  }
0x8d: {  	v24 =	vld.idx.msk @p0 [tilespmem:v24+s26+$0x0], $0xffff;
	v18 =	vadd.f32 @p3 v19, v18;
	v19 =	vsel @p3 vm0, $0x3F800000, v0;
	vm0 =	vgt.f32 @p2 v20, $0.0e+00  }
0x8e: {  	v19 =	vadd.f32 @p3 v19, v21;
	v16 =	vsub.f32 @p2 $5.000000000e-01, v16;
	v10 =	vmul.f32 @p1 v10, v10;
	v57 =	vld.idx.msk [tilespmem:v27+s21+$0x0], $0xffff  }
0x8f: {  	v21 =	vsel @p2 vm0, $0x3F800000, v0;
	v20 =	vnsel @p2 vm0, $0x0, v20;
	v12 =	vsub.f32 @p1 v12, v15;
	v4 =	vld.idx.msk [tilespmem:v4+s21+$0x0], $0xffff  }
0x90: {  	s1 =	simm.s32 $0x0;
	s2 =	rddreg [dreg:$0xe];
	v17 =	vadd.f32 @p2 v21, v17;
	v20 =	vadd.f32 @p2 v20, v23;
	v58 =	vld.idx.msk [tilespmem:v28+s26+$0x0], $0xffff  }
0x91: {  	v10 =	vsub.f32 @p1 $5.000000000e-01, v10;
	vm0 =	vgt.f32 @p2 v16, $0.0e+00;
	v11 =	vpsel p1, v12, v11;
	v15 =	vld.idx.msk [tilespmem:v26+s26+$0x0], $0xffff;
	[tilespmem:s1], [sflag:$0x1] =	stream.strided.gather [hbm4b:s2+s17], $0xC400, s0, s17, $0x38  }
0x92: {  	v12 =	vpsel p2, v16, v0;
	v16 =	vpsel p3, v19, v3;
	vm0 =	vmmov @p2 vm0  }
0x93: {  	v5 =	vpsel p0, v6, v5;
	v6 =	vpsel p0, v9, v7;
	v7 =	vpsel p2, v17, v3;
	[tilespmem:s26], [sflag:$0x1] =	stream.strided.gather [hbm4b:s8+s17], $0xC400, s0, s17, $0x38;
	[tilespmem:$0x1C900] =	vst v63  }
0x94: {  	v8 =	vpsel p0, v25, v8;
	v9 =	vpsel p0, v24, v13;
	v13 =	vpsel p2, v20, v3;
	_ =	swait.ge [sflag:s28], $0xC400  }
0x95: {  	v11 =	vmul.f32 @p1 v11, v11;
	v10 =	vpsel p1, v10, v14;
	v14 =	vpsel p3, v18, v3;
	[sflag:s28] =	ssyncset.done $0x0  }
0x96: {  	v5 =	vsub.f32 @p0 v5, v6;
	v6 =	vnsel @p2 vm0, $0x0, v12;
	v12 =	vsel @p2 vm0, $0x3F800000, v0;
	[sflag:s28] =	ssyncadd.s32 $0xFFFF3C00  }
0x97: {  	v8 =	vsub.f32 @p0 v8, v9;
	vm0 =	vgt.f32 @p1 v10, $0.0e+00;
	v6 =	vadd.f32 @p2 v6, v14;
	_ =	swait.ge [sflag:s28], $0xC400  }
0x98: {  	v12 =	vadd.f32 @p2 v12, v16;
	v11 =	vsub.f32 @p1 $5.000000000e-01, v11;
	v5 =	vmul.f32 @p0 v5, v5;
	[sflag:s28] =	ssyncset.done $0x0  }
0x99: {  	v14 =	vsel @p1 vm0, $0x3F800000, v0;
	v9 =	vnsel @p1 vm0, $0x0, v10;
	v8 =	vpsel p0, v8, v0;
	s2 =	simm.s32 $0x0;
	[sflag:s28] =	ssyncadd.s32 $0xFFFF3C00  }
0x9a: {  	v7 =	vadd.f32 @p1 v14, v7;
	vm0 =	vgt.f32 @p1 v11, $0.0e+00;
	v9 =	vadd.f32 @p1 v9, v13;
	v10 =	vld [tilespmem:s2+$0x18800]  }
0x9b: {  	v11 =	vpsel p1, v11, v0;
	v6 =	vpsel p2, v6, v3;
	v12 =	vpsel p2, v12, v3;
	v13 =	vld [tilespmem:s2+$0x19800]  }
0x9c: {  	v8 =	vmul.f32 @p0 v8, v8;
	v5 =	vsub.f32 @p0 $5.000000000e-01, v5;
	vm0 =	vmmov @p1 vm0  }
0x9d: {  	v7 =	vpsel p1, v7, v3;
	v9 =	vpsel p1, v9, v3;
	v11 =	vnsel @p1 vm0, $0x0, v11  }
0x9e: {  	v14 =	vsel @p1 vm0, $0x3F800000, v0;
	v8 =	vsub.f32 @p0 $5.000000000e-01, v8;
	v5 =	vpsel p0, v5, v0  }
0x9f: {  	v6 =	vadd.f32 @p1 v11, v6;
	vm0 =	vgt.f32 @p0 v5, $0.0e+00;
	v17 =	vshrl.u32 v10, $0x10  }
0xa0: {  	s3 =	simm.s32 $0x10;
	v12 =	vadd.f32 @p1 v14, v12;
	v14 =	vsel @p0 vm0, $0x3F800000, v0;
	v18 =	vshrl.u32 v13, $0x10  }
0xa1: {  	v5 =	vnsel @p0 vm0, $0x0, v5;
	vm0 =	vgt.f32 @p0 v8, $0.0e+00;
	v16 =	vsub.f32 v57, v58;
	v11 =	vld [tilespmem:s3+$0x18800]  }
0xa2: {  	v8 =	vpsel p0, v8, v0;
	v6 =	vpsel p1, v6, v3;
	v12 =	vpsel p1, v12, v3;
	v19 =	vld [tilespmem:s3+$0x19800]  }
0xa3: {  	v7 =	vadd.f32 @p0 v14, v7;
	v4 =	vsub.f32 v4, v15;
	v16 =	vmul.f32 v16, v16  }
0xa4: {  	v5 =	vadd.f32 @p0 v5, v9;
	v10 =	vand.u32 $0xFFFF, v10;
	v9 =	vand.u32 $0xFFFF, v13;
	v13 =	vld.idx.msk [tilespmem:v17+s1+$0x0], $0xffff  }
0xa5: {  	s5 =	simm.s32 $0x20;
	vm0 =	vmmov @p0 vm0;
	v7 =	vpsel p0, v7, v3;
	v14 =	vsub.f32 $5.000000000e-01, v16;
	v16 =	vld.idx.msk [tilespmem:v18+s26+$0x0], $0xffff  }
0xa6: {  	v59 =	vpsel p0, v5, v3;
	v4 =	vmul.f32 v4, v4;
	v15 =	vshrl.u32 v11, $0x10;
	v17 =	vld [tilespmem:s5+$0x18800]  }
0xa7: {  	s4 =	simm.s32 $0x30;
	v5 =	vnsel @p0 vm0, $0x0, v8;
	v8 =	vsel @p0 vm0, $0x3F800000, v0;
	v60 =	vld [tilespmem:s5+$0x19800];
	v18 =	vshrl.u32 v19, $0x10  }
0xa8: {  	v8 =	vadd.f32 @p0 v8, v12;
	v4 =	vsub.f32 $5.000000000e-01, v4;
	v12 =	vld [tilespmem:s4+$0x18800];
	vm14 =	vgt.f32 v14, $0.0e+00  }
0xa9: {  	v62 =	vand.u32 $0xFFFF, v11;
	v61 =	vld.idx.msk [tilespmem:v10+s1+$0x0], $0xffff;
	v10 =	vadd.f32 @p0 v5, v6;
	v5 =	vsel vm14, $0x3F800000, v0  }
0xaa: {  	v9 =	vld.idx.msk [tilespmem:v9+s26+$0x0], $0xffff;
	v19 =	vand.u32 $0xFFFF, v19;
	v6 =	vnsel vm14, $0x0, v14;
	v14 =	vsub.f32 v13, v16  }
0xab: {  	vm15 =	vgt.f32 v4, $0.0e+00;
	v11 =	vld.idx.msk [tilespmem:v15+s1+$0x0], $0xffff;
	v7 =	vadd.f32 v5, v7;
	v63 =	vshrl.u32 v17, $0x10  }
0xac: {  	v5 =	vld.idx.msk [tilespmem:v18+s26+$0x0], $0xffff;
	v18 =	vmul.f32 v14, v14;
	v14 =	vand.u32 $0xFFFF, v17;
	v17 =	vshrl.u32 v60, $0x10  }
0xad: {  	v4 =	vnsel vm15, $0x0, v4;
	v15 =	vsel vm15, $0x3F800000, v0;
	v13 =	vld [tilespmem:s4+$0x19800]  }
0xae: {  	v6 =	vadd.f32 v6, v59;
	v10 =	vpsel p0, v10, v3;
	v3 =	vpsel p0, v8, v3;
	v8 =	vld.idx.msk [tilespmem:v62+s1+$0x0], $0xffff  }
0xaf: {  	v4 =	vadd.f32 v4, v10;
	v3 =	vadd.f32 v15, v3;
	v10 =	vld.idx.msk [tilespmem:v19+s26+$0x0], $0xffff  }
0xb0: {  	s6 =	simm.s32 $0x100;
	v15 =	vand.u32 $0xFFFF, v60;
	v16 =	vsub.f32 v61, v9;
	v2 =	vadd.f32 v18, v2;
	v9 =	vld.idx.msk [tilespmem:v63+s1+$0x0], $0xffff  }
.LBB2_16:
0xb1: {  	s7 =	sshra.s32 s6, $0x2;
	v18 =	vand.u32 $0xFFFF, v12;
	v19 =	vshrl.u32 v12, $0x10;
	v11 =	vsub.f32 v11, v5;
	v5 =	vld.idx.msk [tilespmem:v17+s26+$0x0], $0xffff;
	p0 =	sne.s32 s6, $0x3FC0  }
.Ltmp7:
0xb2: {  	s6 =	sadd.s32 $0x40, s6;
	v21 =	vmul.f32 v16, v16;
	v12 =	vld [tilespmem:s7+$0x18800];
	v20 =	vand.u32 $0xFFFF, v13;
	v17 =	vshrl.u32 v13, $0x10;
	(pc) =	sbr.rel @p0 .LBB2_16-.Ltmp7, $4  }
0xb3: {  	v13 =	vld [tilespmem:s7+$0x19800];
	v22 =	vmul.f32 v11, v11  }
0xb4: {  	v1 =	vadd.f32 v21, v1;
	v16 =	vmov v8;
	v8 =	vld.idx.msk [tilespmem:v14+s1+$0x0], $0xffff;
	v14 =	vmov v18  }
0xb5: {  	v16 =	vsub.f32 v16, v10;
	v10 =	vld.idx.msk [tilespmem:v15+s26+$0x0], $0xffff;
	v2 =	vadd.f32 v22, v2;
	v15 =	vmov v20  }
0xb6: {  	v11 =	vmov v9;
	v9 =	vld.idx.msk [tilespmem:v19+s1+$0x0], $0xffff  }
0xb7: {  	_ =	sdelay $0x3  }
0xb8: {  	v17 =	vld.idx.msk [tilespmem:v17+s26+$0x0], $0xffff  }
0xb9: {  	v20 =	vld [tilespmem:s2+$0x1A800]  }
0xba: {  	v21 =	vld [tilespmem:s2+$0x1B800]  }
0xbb: {  	v14 =	vld.idx.msk [tilespmem:v14+s1+$0x0], $0xffff  }
0xbc: {  	v18 =	vshrl.u32 v12, $0x10;
	v15 =	vld.idx.msk [tilespmem:v15+s26+$0x0], $0xffff  }
0xbd: {  	v12 =	vand.u32 $0xFFFF, v12;
	v24 =	vld [tilespmem:s3+$0x1A800]  }
0xbe: {  	v25 =	vld [tilespmem:s3+$0x1B800];
	v19 =	vshrl.u32 v13, $0x10  }
0xbf: {  	v59 =	vld [tilespmem:s5+$0x1A800];
	v13 =	vand.u32 $0xFFFF, v13  }
0xc0: {  	v61 =	vld [tilespmem:s5+$0x1B800];
	v22 =	vshrl.u32 v20, $0x10  }
0xc1: {  	v18 =	vld.idx.msk [tilespmem:v18+s1+$0x0], $0xffff;
	v23 =	vshrl.u32 v21, $0x10  }
0xc2: {  	v20 =	vand.u32 $0xFFFF, v20;
	v12 =	vld.idx.msk [tilespmem:v12+s1+$0x0], $0xffff  }
0xc3: {  	v5 =	vsub.f32 v11, v5;
	v11 =	vmul.f32 v16, v16;
	v16 =	vand.u32 $0xFFFF, v21;
	v19 =	vld.idx.msk [tilespmem:v19+s26+$0x0], $0xffff  }
0xc4: {  	v8 =	vsub.f32 v8, v10;
	v58 =	vshrl.u32 v24, $0x10;
	v13 =	vld.idx.msk [tilespmem:v13+s26+$0x0], $0xffff  }
0xc5: {  	v5 =	vmul.f32 v5, v5;
	v9 =	vsub.f32 v9, v17;
	v17 =	vand.u32 $0xFFFF, v24;
	v57 =	vld.idx.msk [tilespmem:v22+s21+$0x0], $0xffff  }
0xc6: {  	v1 =	vadd.f32 v11, v1;
	v8 =	vmul.f32 v8, v8;
	v60 =	vand.u32 $0xFFFF, v25;
	v10 =	vld.idx.msk [tilespmem:v23+s26+$0x0], $0xffff  }
0xc7: {  	v2 =	vadd.f32 v5, v2;
	v11 =	vld.idx.msk [tilespmem:v20+s21+$0x0], $0xffff;
	v20 =	vshrl.u32 v25, $0x10  }
0xc8: {  	v1 =	vadd.f32 v8, v1;
	v5 =	vmul.f32 v9, v9;
	v9 =	vsub.f32 v14, v15;
	v8 =	vld.idx.msk [tilespmem:v16+s26+$0x0], $0xffff  }
0xc9: {  	v14 =	vld.idx.msk [tilespmem:v58+s21+$0x0], $0xffff  }
0xca: {  	v2 =	vadd.f32 v5, v2;
	v9 =	vmul.f32 v9, v9;
	v5 =	vsub.f32 v18, v19;
	v18 =	vld.idx.msk [tilespmem:v17+s21+$0x0], $0xffff  }
0xcb: {  	v16 =	vshrl.u32 v59, $0x10;
	v12 =	vsub.f32 v12, v13;
	v19 =	vld.idx.msk [tilespmem:v60+s26+$0x0], $0xffff  }
0xcc: {  	v13 =	vshrl.u32 v61, $0x10;
	v1 =	vadd.f32 v9, v1;
	v10 =	vsub.f32 v57, v10;
	v15 =	vld.idx.msk [tilespmem:v20+s26+$0x0], $0xffff  }
0xcd: {  	v5 =	vmul.f32 v5, v5;
	v9 =	vmul.f32 v12, v12;
	v8 =	vsub.f32 v11, v8;
	v20 =	vld [tilespmem:s4+$0x1A800]  }
0xce: {  	v17 =	vand.u32 $0xFFFF, v59;
	v10 =	vmul.f32 v10, v10  }
0xcf: {  	v63 =	vld [tilespmem:s4+$0x1B800];
	v5 =	vadd.f32 v5, v2;
	v1 =	vadd.f32 v9, v1;
	v2 =	vmul.f32 v8, v8  }
0xd0: {  	v12 =	vand.u32 $0xFFFF, v61;
	v8 =	vld.idx.msk [tilespmem:v16+s21+$0x0], $0xffff;
	v16 =	vsub.f32 v18, v19;
	v62 =	vsub.f32 $5.000000000e-01, v10  }
0xd1: {  	v11 =	vsub.f32 $5.000000000e-01, v2;
	v9 =	vsub.f32 v14, v15  }
0xd2: {  	s2 =	simm.s32 $0x40;
	v10 =	vld.idx.msk [tilespmem:v13+s26+$0x0], $0xffff;
	v13 =	vand.u32 $0xFFFF, v20;
	v15 =	vshrl.u32 v20, $0x10;
	vm0 =	vgt.f32 v62, $0.0e+00  }
0xd3: {  	v18 =	vld [tilespmem:s2+$0x1A800];
	v14 =	vsel vm0, $0x3F800000, v0;
	v21 =	vnsel vm0, $0x0, v62;
	v20 =	vmul.f32 v9, v9  }
0xd4: {  	vm0 =	vgt.f32 v11, $0.0e+00;
	v2 =	vadd.f32 v14, v7;
	v7 =	vld.idx.msk [tilespmem:v17+s21+$0x0], $0xffff;
	v17 =	vshrl.u32 v63, $0x10  }
0xd5: {  	s1 =	simm.s32 $0x140;
	v9 =	vld.idx.msk [tilespmem:v12+s26+$0x0], $0xffff;
	v14 =	vand.u32 $0xFFFF, v63;
	v6 =	vadd.f32 v21, v6;
	v12 =	vsub.f32 $5.000000000e-01, v20  }
.LBB2_18:
0xd6: {  	p0 =	sne.s32 s1, $0x3FC0;
	v19 =	vld [tilespmem:s2+$0x1B800];
	v16 =	vmul.f32 v16, v16;
	v11 =	vnsel vm0, $0x0, v11;
	v20 =	vsel vm0, $0x3F800000, v0  }
0xd7: {  	vm0 =	vgt.f32 v12, $0.0e+00;
	v4 =	vadd.f32 v11, v4;
	v3 =	vadd.f32 v20, v3  }
.Ltmp8:
0xd8: {  	v20 =	vsub.f32 v8, v10;
	v8 =	vld.idx.msk [tilespmem:v15+s21+$0x0], $0xffff;
	v11 =	vsub.f32 $5.000000000e-01, v16;
	v15 =	vsel vm0, $0x3F800000, v0;
	(pc) =	sbr.rel @p0 .LBB2_18-.Ltmp8, $4  }
0xd9: {  	v21 =	vnsel vm0, $0x0, v12;
	v12 =	vmov v7;
	v10 =	vld.idx.msk [tilespmem:v17+s26+$0x0], $0xffff;
	v2 =	vadd.f32 v15, v2  }
0xda: {  	v20 =	vmul.f32 v20, v20;
	v15 =	vshrl.u32 v18, $0x10;
	v7 =	vld.idx.msk [tilespmem:v13+s21+$0x0], $0xffff;
	v13 =	vand.u32 $0xFFFF, v18  }
0xdb: {  	s2 =	sshra.s32 s1, $0x2;
	v16 =	vsub.f32 v12, v9;
	v17 =	vshrl.u32 v19, $0x10;
	v9 =	vld.idx.msk [tilespmem:v14+s26+$0x0], $0xffff;
	v14 =	vand.u32 $0xFFFF, v19  }
0xdc: {  	s1 =	sadd.s32 $0x40, s1;
	v6 =	vadd.f32 v21, v6;
	vm0 =	vgt.f32 v11, $0.0e+00;
	v12 =	vsub.f32 $5.000000000e-01, v20;
	v18 =	vld [tilespmem:s2+$0x1A800]  }
0xdd: {  	_ = 	snop  }
0xde: {  	v19 =	vld [tilespmem:s2+$0x1B800];
	_ =	sdelay $0x2  }
0xdf: {  	v20 =	vshrl.u32 v18, $0x10  }
0xe0: {  	v15 =	vld.idx.msk [tilespmem:v15+s21+$0x0], $0xffff;
	v18 =	vand.u32 $0xFFFF, v18  }
0xe1: {  	v17 =	vld.idx.msk [tilespmem:v17+s26+$0x0], $0xffff;
	v21 =	vshrl.u32 v19, $0x10  }
0xe2: {  	v13 =	vld.idx.msk [tilespmem:v13+s21+$0x0], $0xffff;
	v19 =	vand.u32 $0xFFFF, v19  }
0xe3: {  	v14 =	vld.idx.msk [tilespmem:v14+s26+$0x0], $0xffff  }
0xe4: {  	v20 =	vld.idx.msk [tilespmem:v20+s21+$0x0], $0xffff  }
0xe5: {  	v18 =	vld.idx.msk [tilespmem:v18+s21+$0x0], $0xffff  }
0xe6: {  	s1 =	simm.s32 $0x0;
	v21 =	vld.idx.msk [tilespmem:v21+s26+$0x0], $0xffff  }
0xe7: {  	v8 =	vsub.f32 v8, v10;
	v10 =	vnsel vm0, $0x0, v11;
	v19 =	vld.idx.msk [tilespmem:v19+s26+$0x0], $0xffff;
	[tilespmem:s1], [sflag:$0x1] =	stream.strided.gather [hbm4b:s9+s17], $0xC400, s0, s17, $0x38  }
0xe8: {  	v11 =	vmul.f32 v16, v16;
	v4 =	vadd.f32 v10, v4;
	v10 =	vsel vm0, $0x3F800000, v0  }
0xe9: {  	vm8 =	vgt.f32 v12, $0.0e+00;
	v3 =	vadd.f32 v10, v3;
	[tilespmem:s26], [sflag:$0x1] =	stream.strided.gather [hbm4b:s10+s17], $0xC400, s0, s17, $0x38;
	[tilespmem:$0x1C900] =	vst v63  }
0xea: {  	v8 =	vmul.f32 v8, v8;
	v10 =	vsub.f32 $5.000000000e-01, v11;
	v11 =	vsel vm8, $0x3F800000, v0;
	_ =	swait.ge [sflag:s28], $0xC400  }
0xeb: {  	v7 =	vsub.f32 v7, v9;
	v9 =	vnsel vm8, $0x0, v12;
	v2 =	vadd.f32 v11, v2;
	[sflag:s28] =	ssyncset.done $0x0  }
0xec: {  	v6 =	vadd.f32 v9, v6;
	v8 =	vsub.f32 $5.000000000e-01, v8;
	vm9 =	vgt.f32 v10, $0.0e+00;
	[sflag:s28] =	ssyncadd.s32 $0xFFFF3C00  }
0xed: {  	v7 =	vmul.f32 v7, v7;
	v15 =	vsub.f32 v15, v17;
	v13 =	vsub.f32 v13, v14;
	_ =	swait.ge [sflag:s28], $0xC400  }
0xee: {  	v10 =	vnsel vm9, $0x0, v10;
	v12 =	vsel vm9, $0x3F800000, v0;
	vm10 =	vgt.f32 v8, $0.0e+00;
	[sflag:s28] =	ssyncset.done $0x0  }
0xef: {  	s2 =	simm.s32 $0x0;
	v3 =	vadd.f32 v12, v3;
	v7 =	vsub.f32 $5.000000000e-01, v7;
	v12 =	vmul.f32 v15, v15;
	[sflag:s28] =	ssyncadd.s32 $0xFFFF3C00  }
0xf0: {  	v4 =	vadd.f32 v10, v4;
	v10 =	vsel vm10, $0x3F800000, v0;
	v8 =	vnsel vm10, $0x0, v8;
	v11 =	vld [tilespmem:s2+$0x18800]  }
0xf1: {  	v2 =	vadd.f32 v10, v2;
	v10 =	vsub.f32 $5.000000000e-01, v12;
	vm11 =	vgt.f32 v7, $0.0e+00;
	v9 =	vld [tilespmem:s2+$0x19800]  }
0xf2: {  	s3 =	simm.s32 $0x10;
	v6 =	vadd.f32 v8, v6;
	v8 =	vmul.f32 v13, v13;
	v7 =	vnsel vm11, $0x0, v7  }
0xf3: {  	v16 =	vsel vm11, $0x3F800000, v0;
	v4 =	vadd.f32 v7, v4;
	v12 =	vld [tilespmem:s3+$0x18800]  }
0xf4: {  	vm12 =	vgt.f32 v10, $0.0e+00;
	v3 =	vadd.f32 v16, v3;
	v8 =	vsub.f32 $5.000000000e-01, v8  }
0xf5: {  	v16 =	vsel vm12, $0x3F800000, v0;
	v10 =	vnsel vm12, $0x0, v10;
	v14 =	vshrl.u32 v11, $0x10  }
0xf6: {  	v7 =	vsub.f32 v20, v21;
	v18 =	vsub.f32 v18, v19;
	v13 =	vld [tilespmem:s3+$0x19800];
	v15 =	vshrl.u32 v9, $0x10  }
0xf7: {  	s5 =	simm.s32 $0x20;
	vm13 =	vgt.f32 v8, $0.0e+00;
	v6 =	vadd.f32 v10, v6;
	v11 =	vand.u32 $0xFFFF, v11  }
0xf8: {  	v7 =	vmul.f32 v7, v7;
	v10 =	vmul.f32 v18, v18;
	v19 =	vld [tilespmem:s5+$0x18800];
	v17 =	vshrl.u32 v12, $0x10  }
0xf9: {  	v2 =	vadd.f32 v16, v2;
	v8 =	vnsel vm13, $0x0, v8;
	v16 =	vld [tilespmem:s5+$0x19800]  }
0xfa: {  	v7 =	vsub.f32 $5.000000000e-01, v7;
	v10 =	vsub.f32 $5.000000000e-01, v10;
	v9 =	vand.u32 $0xFFFF, v9;
	v14 =	vld.idx.msk [tilespmem:v14+s1+$0x0], $0xffff  }
0xfb: {  	v61 =	vsel vm13, $0x3F800000, v0;
	v8 =	vadd.f32 v8, v4;
	v60 =	vshrl.u32 v13, $0x10;
	v15 =	vld.idx.msk [tilespmem:v15+s26+$0x0], $0xffff  }
0xfc: {  	vm14 =	vgt.f32 v7, $0.0e+00;
	vm15 =	vgt.f32 v10, $0.0e+00;
	v22 =	vand.u32 $0xFFFF, v12;
	v18 =	vld.idx.msk [tilespmem:v11+s1+$0x0], $0xffff  }
0xfd: {  	s4 =	simm.s32 $0x30;
	v23 =	vand.u32 $0xFFFF, v13;
	v11 =	vld.idx.msk [tilespmem:v17+s1+$0x0], $0xffff;
	v17 =	vadd.f32 v61, v3;
	v3 =	vsel vm14, $0x3F800000, v0  }
0xfe: {  	v13 =	vnsel vm14, $0x0, v7;
	v12 =	vld [tilespmem:s4+$0x18800];
	v7 =	vadd.f32 v3, v2;
	v2 =	vnsel vm15, $0x0, v10  }
0xff: {  	v62 =	vshrl.u32 v19, $0x10;
	v9 =	vld.idx.msk [tilespmem:v9+s26+$0x0], $0xffff;
	v10 =	vsel vm15, $0x3F800000, v0;
	v3 =	vadd.f32 v2, v8  }
0x100: {  	v4 =	vld.idx.msk [tilespmem:v60+s26+$0x0], $0xffff;
	v2 =	vadd.f32 v10, v17;
	v17 =	vshrl.u32 v16, $0x10;
	v14 =	vsub.f32 v14, v15  }
0x101: {  	v6 =	vadd.f32 v13, v6;
	v13 =	vld [tilespmem:s4+$0x19800]  }
0x102: {  	v8 =	vld.idx.msk [tilespmem:v22+s1+$0x0], $0xffff;
	v63 =	vmul.f32 v14, v14  }
0x103: {  	v10 =	vld.idx.msk [tilespmem:v23+s26+$0x0], $0xffff;
	v14 =	vand.u32 $0xFFFF, v19  }
0x104: {  	s6 =	simm.s32 $0x100;
	v15 =	vand.u32 $0xFFFF, v16;
	v16 =	vsub.f32 v18, v9;
	v9 =	vld.idx.msk [tilespmem:v62+s1+$0x0], $0xffff;
	v5 =	vadd.f32 v63, v5  }
.LBB2_20:
0x105: {  	s7 =	sshra.s32 s6, $0x2;
	v18 =	vand.u32 $0xFFFF, v12;
	v19 =	vshrl.u32 v12, $0x10;
	v11 =	vsub.f32 v11, v4;
	v4 =	vld.idx.msk [tilespmem:v17+s26+$0x0], $0xffff;
	p0 =	sne.s32 s6, $0x3FC0  }
.Ltmp9:
0x106: {  	s6 =	sadd.s32 $0x40, s6;
	v21 =	vmul.f32 v16, v16;
	v12 =	vld [tilespmem:s7+$0x18800];
	v20 =	vand.u32 $0xFFFF, v13;
	v17 =	vshrl.u32 v13, $0x10;
	(pc) =	sbr.rel @p0 .LBB2_20-.Ltmp9, $4  }
0x107: {  	v13 =	vld [tilespmem:s7+$0x19800];
	v22 =	vmul.f32 v11, v11  }
0x108: {  	v1 =	vadd.f32 v21, v1;
	v16 =	vmov v8;
	v8 =	vld.idx.msk [tilespmem:v14+s1+$0x0], $0xffff;
	v14 =	vmov v18  }
0x109: {  	v16 =	vsub.f32 v16, v10;
	v10 =	vld.idx.msk [tilespmem:v15+s26+$0x0], $0xffff;
	v5 =	vadd.f32 v22, v5;
	v15 =	vmov v20  }
0x10a: {  	v11 =	vmov v9;
	v9 =	vld.idx.msk [tilespmem:v19+s1+$0x0], $0xffff  }
0x10b: {  	_ =	sdelay $0x3  }
0x10c: {  	v17 =	vld.idx.msk [tilespmem:v17+s26+$0x0], $0xffff  }
0x10d: {  	v20 =	vld [tilespmem:s2+$0x1A800]  }
0x10e: {  	v21 =	vld [tilespmem:s2+$0x1B800]  }
0x10f: {  	v14 =	vld.idx.msk [tilespmem:v14+s1+$0x0], $0xffff  }
0x110: {  	v18 =	vshrl.u32 v12, $0x10;
	v15 =	vld.idx.msk [tilespmem:v15+s26+$0x0], $0xffff  }
0x111: {  	v12 =	vand.u32 $0xFFFF, v12;
	v24 =	vld [tilespmem:s3+$0x1A800]  }
0x112: {  	v25 =	vld [tilespmem:s3+$0x1B800];
	v19 =	vshrl.u32 v13, $0x10  }
0x113: {  	v59 =	vld [tilespmem:s5+$0x1A800];
	v13 =	vand.u32 $0xFFFF, v13  }
0x114: {  	v61 =	vld [tilespmem:s5+$0x1B800];
	v22 =	vshrl.u32 v20, $0x10  }
0x115: {  	v18 =	vld.idx.msk [tilespmem:v18+s1+$0x0], $0xffff;
	v23 =	vshrl.u32 v21, $0x10  }
0x116: {  	v20 =	vand.u32 $0xFFFF, v20;
	v12 =	vld.idx.msk [tilespmem:v12+s1+$0x0], $0xffff  }
0x117: {  	v4 =	vsub.f32 v11, v4;
	v11 =	vmul.f32 v16, v16;
	v16 =	vand.u32 $0xFFFF, v21;
	v19 =	vld.idx.msk [tilespmem:v19+s26+$0x0], $0xffff  }
0x118: {  	v8 =	vsub.f32 v8, v10;
	v58 =	vshrl.u32 v24, $0x10;
	v13 =	vld.idx.msk [tilespmem:v13+s26+$0x0], $0xffff  }
0x119: {  	v4 =	vmul.f32 v4, v4;
	v9 =	vsub.f32 v9, v17;
	v17 =	vand.u32 $0xFFFF, v24;
	v57 =	vld.idx.msk [tilespmem:v22+s21+$0x0], $0xffff  }
0x11a: {  	v1 =	vadd.f32 v11, v1;
	v8 =	vmul.f32 v8, v8;
	v60 =	vand.u32 $0xFFFF, v25;
	v10 =	vld.idx.msk [tilespmem:v23+s26+$0x0], $0xffff  }
0x11b: {  	v4 =	vadd.f32 v4, v5;
	v11 =	vld.idx.msk [tilespmem:v20+s21+$0x0], $0xffff;
	v20 =	vshrl.u32 v25, $0x10  }
0x11c: {  	v1 =	vadd.f32 v8, v1;
	v5 =	vmul.f32 v9, v9;
	v9 =	vsub.f32 v14, v15;
	v8 =	vld.idx.msk [tilespmem:v16+s26+$0x0], $0xffff  }
0x11d: {  	v14 =	vld.idx.msk [tilespmem:v58+s21+$0x0], $0xffff  }
0x11e: {  	v4 =	vadd.f32 v5, v4;
	v9 =	vmul.f32 v9, v9;
	v5 =	vsub.f32 v18, v19;
	v18 =	vld.idx.msk [tilespmem:v17+s21+$0x0], $0xffff  }
0x11f: {  	v16 =	vshrl.u32 v59, $0x10;
	v12 =	vsub.f32 v12, v13;
	v19 =	vld.idx.msk [tilespmem:v60+s26+$0x0], $0xffff  }
0x120: {  	v13 =	vshrl.u32 v61, $0x10;
	v1 =	vadd.f32 v9, v1;
	v10 =	vsub.f32 v57, v10;
	v15 =	vld.idx.msk [tilespmem:v20+s26+$0x0], $0xffff  }
0x121: {  	v5 =	vmul.f32 v5, v5;
	v9 =	vmul.f32 v12, v12;
	v8 =	vsub.f32 v11, v8;
	v20 =	vld [tilespmem:s4+$0x1A800]  }
0x122: {  	v17 =	vand.u32 $0xFFFF, v59;
	v10 =	vmul.f32 v10, v10  }
0x123: {  	v63 =	vld [tilespmem:s4+$0x1B800];
	v4 =	vadd.f32 v5, v4;
	v1 =	vadd.f32 v9, v1;
	v5 =	vmul.f32 v8, v8  }
0x124: {  	v12 =	vand.u32 $0xFFFF, v61;
	v8 =	vld.idx.msk [tilespmem:v16+s21+$0x0], $0xffff;
	v16 =	vsub.f32 v18, v19;
	v62 =	vsub.f32 $5.000000000e-01, v10  }
0x125: {  	v11 =	vsub.f32 $5.000000000e-01, v5;
	v9 =	vsub.f32 v14, v15  }
0x126: {  	s2 =	simm.s32 $0x40;
	v10 =	vld.idx.msk [tilespmem:v13+s26+$0x0], $0xffff;
	v13 =	vand.u32 $0xFFFF, v20;
	v15 =	vshrl.u32 v20, $0x10;
	vm0 =	vgt.f32 v62, $0.0e+00  }
0x127: {  	v18 =	vld [tilespmem:s2+$0x1A800];
	v14 =	vsel vm0, $0x3F800000, v0;
	v21 =	vnsel vm0, $0x0, v62;
	v20 =	vmul.f32 v9, v9  }
0x128: {  	vm0 =	vgt.f32 v11, $0.0e+00;
	v5 =	vadd.f32 v14, v7;
	v7 =	vld.idx.msk [tilespmem:v17+s21+$0x0], $0xffff;
	v17 =	vshrl.u32 v63, $0x10  }
0x129: {  	s1 =	simm.s32 $0x140;
	v9 =	vld.idx.msk [tilespmem:v12+s26+$0x0], $0xffff;
	v14 =	vand.u32 $0xFFFF, v63;
	v6 =	vadd.f32 v21, v6;
	v12 =	vsub.f32 $5.000000000e-01, v20  }
.LBB2_22:
0x12a: {  	p0 =	sne.s32 s1, $0x3FC0;
	v19 =	vld [tilespmem:s2+$0x1B800];
	v16 =	vmul.f32 v16, v16;
	v11 =	vnsel vm0, $0x0, v11;
	v20 =	vsel vm0, $0x3F800000, v0  }
0x12b: {  	vm0 =	vgt.f32 v12, $0.0e+00;
	v3 =	vadd.f32 v11, v3;
	v2 =	vadd.f32 v20, v2  }
.Ltmp10:
0x12c: {  	v20 =	vsub.f32 v8, v10;
	v8 =	vld.idx.msk [tilespmem:v15+s21+$0x0], $0xffff;
	v11 =	vsub.f32 $5.000000000e-01, v16;
	v15 =	vsel vm0, $0x3F800000, v0;
	(pc) =	sbr.rel @p0 .LBB2_22-.Ltmp10, $4  }
0x12d: {  	v21 =	vnsel vm0, $0x0, v12;
	v12 =	vmov v7;
	v10 =	vld.idx.msk [tilespmem:v17+s26+$0x0], $0xffff;
	v5 =	vadd.f32 v15, v5  }
0x12e: {  	v20 =	vmul.f32 v20, v20;
	v15 =	vshrl.u32 v18, $0x10;
	v7 =	vld.idx.msk [tilespmem:v13+s21+$0x0], $0xffff;
	v13 =	vand.u32 $0xFFFF, v18  }
0x12f: {  	s2 =	sshra.s32 s1, $0x2;
	v16 =	vsub.f32 v12, v9;
	v17 =	vshrl.u32 v19, $0x10;
	v9 =	vld.idx.msk [tilespmem:v14+s26+$0x0], $0xffff;
	v14 =	vand.u32 $0xFFFF, v19  }
0x130: {  	s1 =	sadd.s32 $0x40, s1;
	v6 =	vadd.f32 v21, v6;
	vm0 =	vgt.f32 v11, $0.0e+00;
	v12 =	vsub.f32 $5.000000000e-01, v20;
	v18 =	vld [tilespmem:s2+$0x1A800]  }
0x131: {  	_ = 	snop  }
0x132: {  	v19 =	vld [tilespmem:s2+$0x1B800];
	_ =	sdelay $0x2  }
0x133: {  	v20 =	vshrl.u32 v18, $0x10  }
0x134: {  	v15 =	vld.idx.msk [tilespmem:v15+s21+$0x0], $0xffff;
	v18 =	vand.u32 $0xFFFF, v18  }
0x135: {  	v17 =	vld.idx.msk [tilespmem:v17+s26+$0x0], $0xffff;
	v21 =	vshrl.u32 v19, $0x10  }
0x136: {  	v13 =	vld.idx.msk [tilespmem:v13+s21+$0x0], $0xffff;
	v19 =	vand.u32 $0xFFFF, v19  }
0x137: {  	v14 =	vld.idx.msk [tilespmem:v14+s26+$0x0], $0xffff  }
0x138: {  	v20 =	vld.idx.msk [tilespmem:v20+s21+$0x0], $0xffff  }
0x139: {  	v18 =	vld.idx.msk [tilespmem:v18+s21+$0x0], $0xffff  }
0x13a: {  	s1 =	simm.s32 $0x0;
	v21 =	vld.idx.msk [tilespmem:v21+s26+$0x0], $0xffff  }
0x13b: {  	v19 =	vld.idx.msk [tilespmem:v19+s26+$0x0], $0xffff;
	[tilespmem:s1], [sflag:$0x1] =	stream.strided.gather [hbm4b:s11+s17], $0xC400, s0, s17, $0x38  }
0x13c: {  	_ = 	snop  }
0x13d: {  	v8 =	vsub.f32 v8, v10;
	v10 =	vnsel vm0, $0x0, v11;
	[tilespmem:s26], [sflag:$0x1] =	stream.strided.gather [hbm4b:s12+s17], $0xC400, s0, s17, $0x38;
	[tilespmem:$0x1C900] =	vst v63  }
0x13e: {  	v11 =	vmul.f32 v16, v16;
	v3 =	vadd.f32 v10, v3;
	v10 =	vsel vm0, $0x3F800000, v0;
	_ =	swait.ge [sflag:s28], $0xC400  }
0x13f: {  	vm8 =	vgt.f32 v12, $0.0e+00;
	v2 =	vadd.f32 v10, v2;
	[sflag:s28] =	ssyncset.done $0x0  }
0x140: {  	v8 =	vmul.f32 v8, v8;
	v10 =	vsub.f32 $5.000000000e-01, v11;
	v11 =	vsel vm8, $0x3F800000, v0;
	[sflag:s28] =	ssyncadd.s32 $0xFFFF3C00  }
0x141: {  	v7 =	vsub.f32 v7, v9;
	v9 =	vnsel vm8, $0x0, v12;
	v5 =	vadd.f32 v11, v5;
	_ =	swait.ge [sflag:s28], $0xC400  }
0x142: {  	v6 =	vadd.f32 v9, v6;
	v8 =	vsub.f32 $5.000000000e-01, v8;
	[sflag:s28] =	ssyncset.done $0x0  }
0x143: {  	s2 =	simm.s32 $0x0;
	vm9 =	vgt.f32 v10, $0.0e+00;
	v7 =	vmul.f32 v7, v7;
	v15 =	vsub.f32 v15, v17;
	[sflag:s28] =	ssyncadd.s32 $0xFFFF3C00  }
0x144: {  	v13 =	vsub.f32 v13, v14;
	v10 =	vnsel vm9, $0x0, v10;
	v12 =	vsel vm9, $0x3F800000, v0;
	v11 =	vld [tilespmem:s2+$0x18800]  }
0x145: {  	vm10 =	vgt.f32 v8, $0.0e+00;
	v2 =	vadd.f32 v12, v2;
	v12 =	vmul.f32 v15, v15;
	v9 =	vld [tilespmem:s2+$0x19800]  }
0x146: {  	v3 =	vadd.f32 v10, v3;
	v7 =	vsub.f32 $5.000000000e-01, v7;
	v10 =	vsel vm10, $0x3F800000, v0  }
0x147: {  	v8 =	vnsel vm10, $0x0, v8;
	v5 =	vadd.f32 v10, v5;
	v10 =	vsub.f32 $5.000000000e-01, v12  }
0x148: {  	s3 =	simm.s32 $0x10;
	vm11 =	vgt.f32 v7, $0.0e+00;
	v6 =	vadd.f32 v8, v6;
	v8 =	vmul.f32 v13, v13  }
0x149: {  	v7 =	vnsel vm11, $0x0, v7;
	v16 =	vsel vm11, $0x3F800000, v0;
	v12 =	vld [tilespmem:s3+$0x18800];
	v14 =	vshrl.u32 v11, $0x10  }
0x14a: {  	vm12 =	vgt.f32 v10, $0.0e+00;
	v3 =	vadd.f32 v7, v3;
	v13 =	vld [tilespmem:s3+$0x19800];
	v15 =	vshrl.u32 v9, $0x10  }
0x14b: {  	s5 =	simm.s32 $0x20;
	v2 =	vadd.f32 v16, v2;
	v8 =	vsub.f32 $5.000000000e-01, v8;
	v16 =	vsel vm12, $0x3F800000, v0  }
0x14c: {  	v7 =	vsub.f32 v20, v21;
	v18 =	vsub.f32 v18, v19;
	v19 =	vld [tilespmem:s5+$0x18800];
	v11 =	vand.u32 $0xFFFF, v11  }
0x14d: {  	v10 =	vnsel vm12, $0x0, v10;
	v5 =	vadd.f32 v16, v5;
	v62 =	vld [tilespmem:s5+$0x19800];
	v9 =	vand.u32 $0xFFFF, v9  }
0x14e: {  	vm13 =	vgt.f32 v8, $0.0e+00;
	v7 =	vmul.f32 v7, v7;
	v17 =	vshrl.u32 v12, $0x10;
	v14 =	vld.idx.msk [tilespmem:v14+s1+$0x0], $0xffff  }
0x14f: {  	s4 =	simm.s32 $0x30;
	v10 =	vadd.f32 v10, v6;
	v6 =	vmul.f32 v18, v18;
	v61 =	vshrl.u32 v13, $0x10;
	v15 =	vld.idx.msk [tilespmem:v15+s26+$0x0], $0xffff  }
0x150: {  	v16 =	vsub.f32 $5.000000000e-01, v7;
	v7 =	vnsel vm13, $0x0, v8;
	v22 =	vand.u32 $0xFFFF, v12;
	v12 =	vld [tilespmem:s4+$0x18800]  }
0x151: {  	v8 =	vsel vm13, $0x3F800000, v0;
	v23 =	vsub.f32 $5.000000000e-01, v6;
	v3 =	vadd.f32 v7, v3;
	v18 =	vld.idx.msk [tilespmem:v11+s1+$0x0], $0xffff  }
0x152: {  	v2 =	vadd.f32 v8, v2;
	vm14 =	vgt.f32 v16, $0.0e+00;
	v24 =	vand.u32 $0xFFFF, v13;
	v9 =	vld.idx.msk [tilespmem:v9+s26+$0x0], $0xffff  }
0x153: {  	vm15 =	vgt.f32 v23, $0.0e+00;
	v6 =	vsel vm14, $0x3F800000, v0;
	v25 =	vshrl.u32 v19, $0x10;
	v11 =	vld.idx.msk [tilespmem:v17+s1+$0x0], $0xffff  }
0x154: {  	v8 =	vnsel vm14, $0x0, v16;
	v7 =	vld.idx.msk [tilespmem:v61+s26+$0x0], $0xffff;
	v17 =	vshrl.u32 v62, $0x10;
	v14 =	vsub.f32 v14, v15  }
0x155: {  	v6 =	vadd.f32 v6, v5;
	v5 =	vadd.f32 v8, v10;
	v8 =	vnsel vm15, $0x0, v23;
	v13 =	vld [tilespmem:s4+$0x19800]  }
0x156: {  	v10 =	vsel vm15, $0x3F800000, v0;
	v3 =	vadd.f32 v8, v3;
	v8 =	vld.idx.msk [tilespmem:v22+s1+$0x0], $0xffff;
	v63 =	vmul.f32 v14, v14  }
0x157: {  	v2 =	vadd.f32 v10, v2;
	v10 =	vld.idx.msk [tilespmem:v24+s26+$0x0], $0xffff;
	v14 =	vand.u32 $0xFFFF, v19  }
0x158: {  	s6 =	simm.s32 $0x100;
	v15 =	vand.u32 $0xFFFF, v62;
	v16 =	vsub.f32 v18, v9;
	v9 =	vld.idx.msk [tilespmem:v25+s1+$0x0], $0xffff;
	v4 =	vadd.f32 v63, v4  }
.LBB2_24:
0x159: {  	s7 =	sshra.s32 s6, $0x2;
	v18 =	vand.u32 $0xFFFF, v12;
	v19 =	vshrl.u32 v12, $0x10;
	v11 =	vsub.f32 v11, v7;
	v7 =	vld.idx.msk [tilespmem:v17+s26+$0x0], $0xffff;
	p0 =	sne.s32 s6, $0x3FC0  }
.Ltmp11:
0x15a: {  	s6 =	sadd.s32 $0x40, s6;
	v21 =	vmul.f32 v16, v16;
	v12 =	vld [tilespmem:s7+$0x18800];
	v20 =	vand.u32 $0xFFFF, v13;
	v17 =	vshrl.u32 v13, $0x10;
	(pc) =	sbr.rel @p0 .LBB2_24-.Ltmp11, $4  }
0x15b: {  	v13 =	vld [tilespmem:s7+$0x19800];
	v22 =	vmul.f32 v11, v11  }
0x15c: {  	v1 =	vadd.f32 v21, v1;
	v16 =	vmov v8;
	v8 =	vld.idx.msk [tilespmem:v14+s1+$0x0], $0xffff;
	v14 =	vmov v18  }
0x15d: {  	v16 =	vsub.f32 v16, v10;
	v10 =	vld.idx.msk [tilespmem:v15+s26+$0x0], $0xffff;
	v4 =	vadd.f32 v22, v4;
	v15 =	vmov v20  }
0x15e: {  	v11 =	vmov v9;
	v9 =	vld.idx.msk [tilespmem:v19+s1+$0x0], $0xffff  }
0x15f: {  	_ =	sdelay $0x3  }
0x160: {  	v17 =	vld.idx.msk [tilespmem:v17+s26+$0x0], $0xffff  }
0x161: {  	v20 =	vld [tilespmem:s2+$0x1A800]  }
0x162: {  	v21 =	vld [tilespmem:s2+$0x1B800]  }
0x163: {  	v14 =	vld.idx.msk [tilespmem:v14+s1+$0x0], $0xffff  }
0x164: {  	v15 =	vld.idx.msk [tilespmem:v15+s26+$0x0], $0xffff  }
0x165: {  	v18 =	vshrl.u32 v12, $0x10;
	v24 =	vld [tilespmem:s3+$0x1A800]  }
0x166: {  	v12 =	vand.u32 $0xFFFF, v12;
	v25 =	vld [tilespmem:s3+$0x1B800]  }
0x167: {  	v59 =	vld [tilespmem:s5+$0x1A800];
	v19 =	vshrl.u32 v13, $0x10  }
0x168: {  	v61 =	vld [tilespmem:s5+$0x1B800];
	v13 =	vand.u32 $0xFFFF, v13  }
0x169: {  	v63 =	vld [tilespmem:s4+$0x1B800];
	v22 =	vshrl.u32 v20, $0x10  }
0x16a: {  	v18 =	vld.idx.msk [tilespmem:v18+s1+$0x0], $0xffff;
	v23 =	vshrl.u32 v21, $0x10  }
0x16b: {  	v20 =	vand.u32 $0xFFFF, v20;
	v12 =	vld.idx.msk [tilespmem:v12+s1+$0x0], $0xffff  }
0x16c: {  	v7 =	vsub.f32 v11, v7;
	v11 =	vmul.f32 v16, v16;
	v16 =	vand.u32 $0xFFFF, v21;
	v19 =	vld.idx.msk [tilespmem:v19+s26+$0x0], $0xffff  }
0x16d: {  	v8 =	vsub.f32 v8, v10;
	v58 =	vshrl.u32 v24, $0x10;
	v13 =	vld.idx.msk [tilespmem:v13+s26+$0x0], $0xffff  }
0x16e: {  	v7 =	vmul.f32 v7, v7;
	v9 =	vsub.f32 v9, v17;
	v17 =	vand.u32 $0xFFFF, v24;
	v57 =	vld.idx.msk [tilespmem:v22+s21+$0x0], $0xffff  }
0x16f: {  	v1 =	vadd.f32 v11, v1;
	v8 =	vmul.f32 v8, v8;
	v60 =	vand.u32 $0xFFFF, v25;
	v10 =	vld.idx.msk [tilespmem:v23+s26+$0x0], $0xffff  }
0x170: {  	v4 =	vadd.f32 v7, v4;
	v11 =	vld.idx.msk [tilespmem:v20+s21+$0x0], $0xffff;
	v20 =	vshrl.u32 v25, $0x10  }
0x171: {  	v1 =	vadd.f32 v8, v1;
	v7 =	vmul.f32 v9, v9;
	v9 =	vsub.f32 v14, v15;
	v8 =	vld.idx.msk [tilespmem:v16+s26+$0x0], $0xffff  }
0x172: {  	v14 =	vld.idx.msk [tilespmem:v58+s21+$0x0], $0xffff  }
0x173: {  	v4 =	vadd.f32 v7, v4;
	v9 =	vmul.f32 v9, v9;
	v7 =	vsub.f32 v18, v19;
	v18 =	vld.idx.msk [tilespmem:v17+s21+$0x0], $0xffff  }
0x174: {  	v16 =	vshrl.u32 v59, $0x10;
	v12 =	vsub.f32 v12, v13;
	v13 =	vshrl.u32 v61, $0x10;
	v19 =	vld.idx.msk [tilespmem:v60+s26+$0x0], $0xffff  }
0x175: {  	v17 =	vand.u32 $0xFFFF, v59;
	v1 =	vadd.f32 v9, v1;
	v10 =	vsub.f32 v57, v10;
	v15 =	vld.idx.msk [tilespmem:v20+s26+$0x0], $0xffff  }
0x176: {  	v7 =	vmul.f32 v7, v7;
	v9 =	vmul.f32 v12, v12;
	v8 =	vsub.f32 v11, v8;
	v20 =	vld [tilespmem:s4+$0x1A800]  }
0x177: {  	v10 =	vmul.f32 v10, v10  }
0x178: {  	v4 =	vadd.f32 v7, v4;
	v1 =	vadd.f32 v9, v1;
	v7 =	vmul.f32 v8, v8  }
0x179: {  	v12 =	vand.u32 $0xFFFF, v61;
	v8 =	vld.idx.msk [tilespmem:v16+s21+$0x0], $0xffff;
	v16 =	vsub.f32 v18, v19;
	v62 =	vsub.f32 $5.000000000e-01, v10  }
0x17a: {  	v11 =	vsub.f32 $5.000000000e-01, v7;
	v10 =	vld.idx.msk [tilespmem:v13+s26+$0x0], $0xffff;
	v9 =	vsub.f32 v14, v15  }
0x17b: {  	v7 =	vld.idx.msk [tilespmem:v17+s21+$0x0], $0xffff;
	v17 =	vshrl.u32 v63, $0x10;
	v13 =	vand.u32 $0xFFFF, v20;
	vm0 =	vgt.f32 v62, $0.0e+00  }
0x17c: {  	s2 =	simm.s32 $0x40;
	v15 =	vshrl.u32 v20, $0x10;
	v14 =	vsel vm0, $0x3F800000, v0;
	v20 =	vmul.f32 v9, v9  }
0x17d: {  	v18 =	vld [tilespmem:s2+$0x1A800];
	v21 =	vnsel vm0, $0x0, v62;
	vm0 =	vgt.f32 v11, $0.0e+00;
	v6 =	vadd.f32 v14, v6  }
0x17e: {  	s1 =	simm.s32 $0x140;
	v9 =	vld.idx.msk [tilespmem:v12+s26+$0x0], $0xffff;
	v14 =	vand.u32 $0xFFFF, v63;
	v5 =	vadd.f32 v21, v5;
	v12 =	vsub.f32 $5.000000000e-01, v20  }
.LBB2_26:
0x17f: {  	p0 =	sne.s32 s1, $0x3FC0;
	v19 =	vld [tilespmem:s2+$0x1B800];
	v16 =	vmul.f32 v16, v16;
	v11 =	vnsel vm0, $0x0, v11;
	v20 =	vsel vm0, $0x3F800000, v0  }
0x180: {  	vm0 =	vgt.f32 v12, $0.0e+00;
	v3 =	vadd.f32 v11, v3;
	v2 =	vadd.f32 v20, v2  }
.Ltmp12:
0x181: {  	v20 =	vsub.f32 v8, v10;
	v8 =	vld.idx.msk [tilespmem:v15+s21+$0x0], $0xffff;
	v11 =	vsub.f32 $5.000000000e-01, v16;
	v15 =	vsel vm0, $0x3F800000, v0;
	(pc) =	sbr.rel @p0 .LBB2_26-.Ltmp12, $4  }
0x182: {  	v21 =	vnsel vm0, $0x0, v12;
	v12 =	vmov v7;
	v10 =	vld.idx.msk [tilespmem:v17+s26+$0x0], $0xffff;
	v6 =	vadd.f32 v15, v6  }
0x183: {  	v20 =	vmul.f32 v20, v20;
	v15 =	vshrl.u32 v18, $0x10;
	v7 =	vld.idx.msk [tilespmem:v13+s21+$0x0], $0xffff;
	v13 =	vand.u32 $0xFFFF, v18  }
0x184: {  	s2 =	sshra.s32 s1, $0x2;
	v16 =	vsub.f32 v12, v9;
	v17 =	vshrl.u32 v19, $0x10;
	v9 =	vld.idx.msk [tilespmem:v14+s26+$0x0], $0xffff;
	v14 =	vand.u32 $0xFFFF, v19  }
0x185: {  	s1 =	sadd.s32 $0x40, s1;
	v5 =	vadd.f32 v21, v5;
	vm0 =	vgt.f32 v11, $0.0e+00;
	v12 =	vsub.f32 $5.000000000e-01, v20;
	v18 =	vld [tilespmem:s2+$0x1A800]  }
0x186: {  	_ = 	snop  }
0x187: {  	v19 =	vld [tilespmem:s2+$0x1B800];
	_ =	sdelay $0x2  }
0x188: {  	v20 =	vshrl.u32 v18, $0x10  }
0x189: {  	v15 =	vld.idx.msk [tilespmem:v15+s21+$0x0], $0xffff;
	v18 =	vand.u32 $0xFFFF, v18  }
0x18a: {  	v17 =	vld.idx.msk [tilespmem:v17+s26+$0x0], $0xffff;
	v21 =	vshrl.u32 v19, $0x10  }
0x18b: {  	v13 =	vld.idx.msk [tilespmem:v13+s21+$0x0], $0xffff;
	v19 =	vand.u32 $0xFFFF, v19  }
0x18c: {  	v14 =	vld.idx.msk [tilespmem:v14+s26+$0x0], $0xffff  }
0x18d: {  	v20 =	vld.idx.msk [tilespmem:v20+s21+$0x0], $0xffff  }
0x18e: {  	v18 =	vld.idx.msk [tilespmem:v18+s21+$0x0], $0xffff  }
0x18f: {  	s1 =	simm.s32 $0x0;
	v21 =	vld.idx.msk [tilespmem:v21+s26+$0x0], $0xffff  }
0x190: {  	v19 =	vld.idx.msk [tilespmem:v19+s26+$0x0], $0xffff;
	[tilespmem:s1], [sflag:$0x1] =	stream.strided.gather [hbm4b:s13+s17], $0xC400, s0, s17, $0x38  }
0x191: {  	_ = 	snop  }
0x192: {  	v8 =	vsub.f32 v8, v10;
	v10 =	vnsel vm0, $0x0, v11;
	[tilespmem:s26], [sflag:$0x1] =	stream.strided.gather [hbm4b:s14+s17], $0xC400, s0, s17, $0x38;
	[tilespmem:$0x1C900] =	vst v63  }
0x193: {  	v11 =	vmul.f32 v16, v16;
	v3 =	vadd.f32 v10, v3;
	v10 =	vsel vm0, $0x3F800000, v0;
	_ =	swait.ge [sflag:s28], $0xC400  }
0x194: {  	vm8 =	vgt.f32 v12, $0.0e+00;
	v2 =	vadd.f32 v10, v2;
	[sflag:s28] =	ssyncset.done $0x0  }
0x195: {  	v8 =	vmul.f32 v8, v8;
	v10 =	vsub.f32 $5.000000000e-01, v11;
	v11 =	vsel vm8, $0x3F800000, v0;
	[sflag:s28] =	ssyncadd.s32 $0xFFFF3C00  }
0x196: {  	v7 =	vsub.f32 v7, v9;
	v9 =	vnsel vm8, $0x0, v12;
	v6 =	vadd.f32 v11, v6;
	_ =	swait.ge [sflag:s28], $0xC400  }
0x197: {  	v5 =	vadd.f32 v9, v5;
	v8 =	vsub.f32 $5.000000000e-01, v8;
	[sflag:s28] =	ssyncset.done $0x0  }
0x198: {  	s2 =	simm.s32 $0x0;
	vm9 =	vgt.f32 v10, $0.0e+00;
	v7 =	vmul.f32 v7, v7;
	v15 =	vsub.f32 v15, v17;
	[sflag:s28] =	ssyncadd.s32 $0xFFFF3C00  }
0x199: {  	v13 =	vsub.f32 v13, v14;
	v10 =	vnsel vm9, $0x0, v10;
	v12 =	vsel vm9, $0x3F800000, v0;
	v11 =	vld [tilespmem:s2+$0x18800]  }
0x19a: {  	vm10 =	vgt.f32 v8, $0.0e+00;
	v2 =	vadd.f32 v12, v2;
	v12 =	vmul.f32 v15, v15;
	v9 =	vld [tilespmem:s2+$0x19800]  }
0x19b: {  	v3 =	vadd.f32 v10, v3;
	v7 =	vsub.f32 $5.000000000e-01, v7;
	v10 =	vsel vm10, $0x3F800000, v0  }
0x19c: {  	v8 =	vnsel vm10, $0x0, v8;
	v6 =	vadd.f32 v10, v6;
	v10 =	vsub.f32 $5.000000000e-01, v12  }
0x19d: {  	s3 =	simm.s32 $0x10;
	vm11 =	vgt.f32 v7, $0.0e+00;
	v5 =	vadd.f32 v8, v5;
	v8 =	vmul.f32 v13, v13  }
0x19e: {  	v7 =	vnsel vm11, $0x0, v7;
	v16 =	vsel vm11, $0x3F800000, v0;
	v12 =	vld [tilespmem:s3+$0x18800];
	v14 =	vshrl.u32 v11, $0x10  }
0x19f: {  	v3 =	vadd.f32 v7, v3;
	v2 =	vadd.f32 v16, v2;
	v13 =	vld [tilespmem:s3+$0x19800];
	v15 =	vshrl.u32 v9, $0x10  }
0x1a0: {  	s5 =	simm.s32 $0x20;
	vm12 =	vgt.f32 v10, $0.0e+00;
	v8 =	vsub.f32 $5.000000000e-01, v8;
	v7 =	vsub.f32 v20, v21  }
0x1a1: {  	v16 =	vsel vm12, $0x3F800000, v0;
	v18 =	vsub.f32 v18, v19;
	v19 =	vld [tilespmem:s5+$0x18800];
	v11 =	vand.u32 $0xFFFF, v11  }
0x1a2: {  	v10 =	vnsel vm12, $0x0, v10;
	v7 =	vmul.f32 v7, v7;
	v62 =	vld [tilespmem:s5+$0x19800];
	v9 =	vand.u32 $0xFFFF, v9  }
0x1a3: {  	v6 =	vadd.f32 v16, v6;
	vm13 =	vgt.f32 v8, $0.0e+00;
	v17 =	vshrl.u32 v12, $0x10;
	v14 =	vld.idx.msk [tilespmem:v14+s1+$0x0], $0xffff  }
0x1a4: {  	s4 =	simm.s32 $0x30;
	v16 =	vsub.f32 $5.000000000e-01, v7;
	v7 =	vmul.f32 v18, v18;
	v61 =	vshrl.u32 v13, $0x10;
	v15 =	vld.idx.msk [tilespmem:v15+s26+$0x0], $0xffff  }
0x1a5: {  	v5 =	vadd.f32 v10, v5;
	v8 =	vnsel vm13, $0x0, v8;
	v22 =	vand.u32 $0xFFFF, v12;
	v12 =	vld [tilespmem:s4+$0x18800]  }
0x1a6: {  	v10 =	vsel vm13, $0x3F800000, v0;
	v3 =	vadd.f32 v8, v3;
	v8 =	vsub.f32 $5.000000000e-01, v7;
	v18 =	vld.idx.msk [tilespmem:v11+s1+$0x0], $0xffff  }
0x1a7: {  	v2 =	vadd.f32 v10, v2;
	vm14 =	vgt.f32 v16, $0.0e+00;
	v23 =	vand.u32 $0xFFFF, v13;
	v9 =	vld.idx.msk [tilespmem:v9+s26+$0x0], $0xffff  }
0x1a8: {  	v10 =	vsel vm14, $0x3F800000, v0;
	vm15 =	vgt.f32 v8, $0.0e+00;
	v24 =	vshrl.u32 v19, $0x10;
	v11 =	vld.idx.msk [tilespmem:v17+s1+$0x0], $0xffff  }
0x1a9: {  	v13 =	vnsel vm14, $0x0, v16;
	v7 =	vld.idx.msk [tilespmem:v61+s26+$0x0], $0xffff;
	v17 =	vshrl.u32 v62, $0x10;
	v14 =	vsub.f32 v14, v15  }
0x1aa: {  	v6 =	vadd.f32 v10, v6;
	v8 =	vnsel vm15, $0x0, v8;
	v5 =	vadd.f32 v13, v5;
	v13 =	vld [tilespmem:s4+$0x19800]  }
0x1ab: {  	v10 =	vsel vm15, $0x3F800000, v0;
	v3 =	vadd.f32 v8, v3;
	v8 =	vld.idx.msk [tilespmem:v22+s1+$0x0], $0xffff;
	v63 =	vmul.f32 v14, v14  }
0x1ac: {  	v2 =	vadd.f32 v10, v2;
	v10 =	vld.idx.msk [tilespmem:v23+s26+$0x0], $0xffff;
	v14 =	vand.u32 $0xFFFF, v19  }
0x1ad: {  	s6 =	simm.s32 $0x100;
	v15 =	vand.u32 $0xFFFF, v62;
	v16 =	vsub.f32 v18, v9;
	v9 =	vld.idx.msk [tilespmem:v24+s1+$0x0], $0xffff;
	v4 =	vadd.f32 v63, v4  }
.LBB2_28:
0x1ae: {  	s7 =	sshra.s32 s6, $0x2;
	v18 =	vand.u32 $0xFFFF, v12;
	v19 =	vshrl.u32 v12, $0x10;
	v11 =	vsub.f32 v11, v7;
	v7 =	vld.idx.msk [tilespmem:v17+s26+$0x0], $0xffff;
	p0 =	sne.s32 s6, $0x3FC0  }
.Ltmp13:
0x1af: {  	s6 =	sadd.s32 $0x40, s6;
	v21 =	vmul.f32 v16, v16;
	v12 =	vld [tilespmem:s7+$0x18800];
	v20 =	vand.u32 $0xFFFF, v13;
	v17 =	vshrl.u32 v13, $0x10;
	(pc) =	sbr.rel @p0 .LBB2_28-.Ltmp13, $4  }
0x1b0: {  	v13 =	vld [tilespmem:s7+$0x19800];
	v22 =	vmul.f32 v11, v11  }
0x1b1: {  	v1 =	vadd.f32 v21, v1;
	v16 =	vmov v8;
	v8 =	vld.idx.msk [tilespmem:v14+s1+$0x0], $0xffff;
	v14 =	vmov v18  }
0x1b2: {  	v16 =	vsub.f32 v16, v10;
	v10 =	vld.idx.msk [tilespmem:v15+s26+$0x0], $0xffff;
	v4 =	vadd.f32 v22, v4;
	v15 =	vmov v20  }
0x1b3: {  	v11 =	vmov v9;
	v9 =	vld.idx.msk [tilespmem:v19+s1+$0x0], $0xffff  }
0x1b4: {  	_ =	sdelay $0x3  }
0x1b5: {  	v17 =	vld.idx.msk [tilespmem:v17+s26+$0x0], $0xffff  }
0x1b6: {  	v20 =	vld [tilespmem:s2+$0x1A800]  }
0x1b7: {  	v21 =	vld [tilespmem:s2+$0x1B800]  }
0x1b8: {  	v14 =	vld.idx.msk [tilespmem:v14+s1+$0x0], $0xffff  }
0x1b9: {  	v15 =	vld.idx.msk [tilespmem:v15+s26+$0x0], $0xffff  }
0x1ba: {  	v18 =	vshrl.u32 v12, $0x10;
	v24 =	vld [tilespmem:s3+$0x1A800]  }
0x1bb: {  	v12 =	vand.u32 $0xFFFF, v12;
	v25 =	vld [tilespmem:s3+$0x1B800]  }
0x1bc: {  	v59 =	vld [tilespmem:s5+$0x1A800];
	v19 =	vshrl.u32 v13, $0x10  }
0x1bd: {  	v61 =	vld [tilespmem:s5+$0x1B800];
	v13 =	vand.u32 $0xFFFF, v13  }
0x1be: {  	v63 =	vld [tilespmem:s4+$0x1B800];
	v22 =	vshrl.u32 v20, $0x10  }
0x1bf: {  	v18 =	vld.idx.msk [tilespmem:v18+s1+$0x0], $0xffff;
	v23 =	vshrl.u32 v21, $0x10  }
0x1c0: {  	v20 =	vand.u32 $0xFFFF, v20;
	v12 =	vld.idx.msk [tilespmem:v12+s1+$0x0], $0xffff  }
0x1c1: {  	v7 =	vsub.f32 v11, v7;
	v11 =	vmul.f32 v16, v16;
	v16 =	vand.u32 $0xFFFF, v21;
	v19 =	vld.idx.msk [tilespmem:v19+s26+$0x0], $0xffff  }
0x1c2: {  	v8 =	vsub.f32 v8, v10;
	v58 =	vshrl.u32 v24, $0x10;
	v13 =	vld.idx.msk [tilespmem:v13+s26+$0x0], $0xffff  }
0x1c3: {  	v7 =	vmul.f32 v7, v7;
	v9 =	vsub.f32 v9, v17;
	v17 =	vand.u32 $0xFFFF, v24;
	v57 =	vld.idx.msk [tilespmem:v22+s21+$0x0], $0xffff  }
0x1c4: {  	v1 =	vadd.f32 v11, v1;
	v8 =	vmul.f32 v8, v8;
	v60 =	vand.u32 $0xFFFF, v25;
	v10 =	vld.idx.msk [tilespmem:v23+s26+$0x0], $0xffff  }
0x1c5: {  	v4 =	vadd.f32 v7, v4;
	v11 =	vld.idx.msk [tilespmem:v20+s21+$0x0], $0xffff;
	v20 =	vshrl.u32 v25, $0x10  }
0x1c6: {  	v1 =	vadd.f32 v8, v1;
	v7 =	vmul.f32 v9, v9;
	v9 =	vsub.f32 v14, v15;
	v8 =	vld.idx.msk [tilespmem:v16+s26+$0x0], $0xffff  }
0x1c7: {  	v14 =	vld.idx.msk [tilespmem:v58+s21+$0x0], $0xffff  }
0x1c8: {  	v4 =	vadd.f32 v7, v4;
	v9 =	vmul.f32 v9, v9;
	v7 =	vsub.f32 v18, v19;
	v18 =	vld.idx.msk [tilespmem:v17+s21+$0x0], $0xffff  }
0x1c9: {  	v16 =	vshrl.u32 v59, $0x10;
	v12 =	vsub.f32 v12, v13;
	v13 =	vshrl.u32 v61, $0x10;
	v19 =	vld.idx.msk [tilespmem:v60+s26+$0x0], $0xffff  }
0x1ca: {  	v17 =	vand.u32 $0xFFFF, v59;
	v1 =	vadd.f32 v9, v1;
	v10 =	vsub.f32 v57, v10;
	v15 =	vld.idx.msk [tilespmem:v20+s26+$0x0], $0xffff  }
0x1cb: {  	v7 =	vmul.f32 v7, v7;
	v9 =	vmul.f32 v12, v12;
	v8 =	vsub.f32 v11, v8;
	v20 =	vld [tilespmem:s4+$0x1A800]  }
0x1cc: {  	v10 =	vmul.f32 v10, v10  }
0x1cd: {  	v4 =	vadd.f32 v7, v4;
	v1 =	vadd.f32 v9, v1;
	v7 =	vmul.f32 v8, v8  }
0x1ce: {  	v12 =	vand.u32 $0xFFFF, v61;
	v8 =	vld.idx.msk [tilespmem:v16+s21+$0x0], $0xffff;
	v16 =	vsub.f32 v18, v19;
	v62 =	vsub.f32 $5.000000000e-01, v10  }
0x1cf: {  	v11 =	vsub.f32 $5.000000000e-01, v7;
	v10 =	vld.idx.msk [tilespmem:v13+s26+$0x0], $0xffff;
	v9 =	vsub.f32 v14, v15  }
0x1d0: {  	v7 =	vld.idx.msk [tilespmem:v17+s21+$0x0], $0xffff;
	v17 =	vshrl.u32 v63, $0x10;
	v13 =	vand.u32 $0xFFFF, v20;
	vm0 =	vgt.f32 v62, $0.0e+00  }
0x1d1: {  	s2 =	simm.s32 $0x40;
	v15 =	vshrl.u32 v20, $0x10;
	v14 =	vsel vm0, $0x3F800000, v0;
	v20 =	vmul.f32 v9, v9  }
0x1d2: {  	v18 =	vld [tilespmem:s2+$0x1A800];
	v21 =	vnsel vm0, $0x0, v62;
	vm0 =	vgt.f32 v11, $0.0e+00;
	v6 =	vadd.f32 v14, v6  }
0x1d3: {  	s1 =	simm.s32 $0x140;
	v9 =	vld.idx.msk [tilespmem:v12+s26+$0x0], $0xffff;
	v14 =	vand.u32 $0xFFFF, v63;
	v5 =	vadd.f32 v21, v5;
	v12 =	vsub.f32 $5.000000000e-01, v20  }
.LBB2_30:
0x1d4: {  	p0 =	sne.s32 s1, $0x3FC0;
	v19 =	vld [tilespmem:s2+$0x1B800];
	v16 =	vmul.f32 v16, v16;
	v11 =	vnsel vm0, $0x0, v11;
	v20 =	vsel vm0, $0x3F800000, v0  }
0x1d5: {  	vm0 =	vgt.f32 v12, $0.0e+00;
	v3 =	vadd.f32 v11, v3;
	v2 =	vadd.f32 v20, v2  }
.Ltmp14:
0x1d6: {  	v20 =	vsub.f32 v8, v10;
	v8 =	vld.idx.msk [tilespmem:v15+s21+$0x0], $0xffff;
	v11 =	vsub.f32 $5.000000000e-01, v16;
	v15 =	vsel vm0, $0x3F800000, v0;
	(pc) =	sbr.rel @p0 .LBB2_30-.Ltmp14, $4  }
0x1d7: {  	v21 =	vnsel vm0, $0x0, v12;
	v12 =	vmov v7;
	v10 =	vld.idx.msk [tilespmem:v17+s26+$0x0], $0xffff;
	v6 =	vadd.f32 v15, v6  }
0x1d8: {  	v20 =	vmul.f32 v20, v20;
	v15 =	vshrl.u32 v18, $0x10;
	v7 =	vld.idx.msk [tilespmem:v13+s21+$0x0], $0xffff;
	v13 =	vand.u32 $0xFFFF, v18  }
0x1d9: {  	s2 =	sshra.s32 s1, $0x2;
	v16 =	vsub.f32 v12, v9;
	v17 =	vshrl.u32 v19, $0x10;
	v9 =	vld.idx.msk [tilespmem:v14+s26+$0x0], $0xffff;
	v14 =	vand.u32 $0xFFFF, v19  }
0x1da: {  	s1 =	sadd.s32 $0x40, s1;
	v5 =	vadd.f32 v21, v5;
	vm0 =	vgt.f32 v11, $0.0e+00;
	v12 =	vsub.f32 $5.000000000e-01, v20;
	v18 =	vld [tilespmem:s2+$0x1A800]  }
0x1db: {  	_ = 	snop  }
0x1dc: {  	v19 =	vld [tilespmem:s2+$0x1B800];
	_ =	sdelay $0x2  }
0x1dd: {  	v20 =	vshrl.u32 v18, $0x10  }
0x1de: {  	v15 =	vld.idx.msk [tilespmem:v15+s21+$0x0], $0xffff;
	v18 =	vand.u32 $0xFFFF, v18  }
0x1df: {  	v17 =	vld.idx.msk [tilespmem:v17+s26+$0x0], $0xffff;
	v21 =	vshrl.u32 v19, $0x10  }
0x1e0: {  	v13 =	vld.idx.msk [tilespmem:v13+s21+$0x0], $0xffff;
	v19 =	vand.u32 $0xFFFF, v19  }
0x1e1: {  	v14 =	vld.idx.msk [tilespmem:v14+s26+$0x0], $0xffff  }
0x1e2: {  	v20 =	vld.idx.msk [tilespmem:v20+s21+$0x0], $0xffff  }
0x1e3: {  	v18 =	vld.idx.msk [tilespmem:v18+s21+$0x0], $0xffff  }
0x1e4: {  	s1 =	simm.s32 $0x0;
	v21 =	vld.idx.msk [tilespmem:v21+s26+$0x0], $0xffff  }
0x1e5: {  	v19 =	vld.idx.msk [tilespmem:v19+s26+$0x0], $0xffff;
	[tilespmem:s1], [sflag:$0x1] =	stream.strided.gather [hbm4b:s15+s17], $0xC400, s0, s17, $0x38  }
0x1e6: {  	_ = 	snop  }
0x1e7: {  	v8 =	vsub.f32 v8, v10;
	v10 =	vnsel vm0, $0x0, v11;
	[tilespmem:s26], [sflag:$0x1] =	stream.strided.gather [hbm4b:s16+s17], $0xC400, s0, s17, $0x38;
	[tilespmem:$0x1C900] =	vst v63  }
0x1e8: {  	v11 =	vmul.f32 v16, v16;
	v3 =	vadd.f32 v10, v3;
	v10 =	vsel vm0, $0x3F800000, v0;
	_ =	swait.ge [sflag:s28], $0xC400  }
0x1e9: {  	vm8 =	vgt.f32 v12, $0.0e+00;
	v2 =	vadd.f32 v10, v2;
	[sflag:s28] =	ssyncset.done $0x0  }
0x1ea: {  	v8 =	vmul.f32 v8, v8;
	v10 =	vsub.f32 $5.000000000e-01, v11;
	v11 =	vsel vm8, $0x3F800000, v0;
	[sflag:s28] =	ssyncadd.s32 $0xFFFF3C00  }
0x1eb: {  	v7 =	vsub.f32 v7, v9;
	v9 =	vnsel vm8, $0x0, v12;
	v6 =	vadd.f32 v11, v6;
	_ =	swait.ge [sflag:s28], $0xC400  }
0x1ec: {  	v5 =	vadd.f32 v9, v5;
	v8 =	vsub.f32 $5.000000000e-01, v8;
	[sflag:s28] =	ssyncset.done $0x0  }
0x1ed: {  	s2 =	simm.s32 $0x0;
	vm9 =	vgt.f32 v10, $0.0e+00;
	v7 =	vmul.f32 v7, v7;
	v15 =	vsub.f32 v15, v17;
	[sflag:s28] =	ssyncadd.s32 $0xFFFF3C00  }
0x1ee: {  	v13 =	vsub.f32 v13, v14;
	v10 =	vnsel vm9, $0x0, v10;
	v12 =	vsel vm9, $0x3F800000, v0;
	v11 =	vld [tilespmem:s2+$0x18800]  }
0x1ef: {  	vm10 =	vgt.f32 v8, $0.0e+00;
	v2 =	vadd.f32 v12, v2;
	v12 =	vmul.f32 v15, v15;
	v9 =	vld [tilespmem:s2+$0x19800]  }
0x1f0: {  	v3 =	vadd.f32 v10, v3;
	v7 =	vsub.f32 $5.000000000e-01, v7;
	v10 =	vsel vm10, $0x3F800000, v0  }
0x1f1: {  	v8 =	vnsel vm10, $0x0, v8;
	v6 =	vadd.f32 v10, v6;
	v10 =	vsub.f32 $5.000000000e-01, v12  }
0x1f2: {  	s3 =	simm.s32 $0x10;
	vm11 =	vgt.f32 v7, $0.0e+00;
	v5 =	vadd.f32 v8, v5;
	v8 =	vmul.f32 v13, v13  }
0x1f3: {  	v7 =	vnsel vm11, $0x0, v7;
	v16 =	vsel vm11, $0x3F800000, v0;
	v12 =	vld [tilespmem:s3+$0x18800];
	v14 =	vshrl.u32 v11, $0x10  }
0x1f4: {  	v3 =	vadd.f32 v7, v3;
	v2 =	vadd.f32 v16, v2;
	v13 =	vld [tilespmem:s3+$0x19800];
	v15 =	vshrl.u32 v9, $0x10  }
0x1f5: {  	s5 =	simm.s32 $0x20;
	vm12 =	vgt.f32 v10, $0.0e+00;
	v8 =	vsub.f32 $5.000000000e-01, v8;
	v7 =	vsub.f32 v20, v21  }
0x1f6: {  	v16 =	vsel vm12, $0x3F800000, v0;
	v18 =	vsub.f32 v18, v19;
	v19 =	vld [tilespmem:s5+$0x18800];
	v11 =	vand.u32 $0xFFFF, v11  }
0x1f7: {  	v10 =	vnsel vm12, $0x0, v10;
	v7 =	vmul.f32 v7, v7;
	v62 =	vld [tilespmem:s5+$0x19800];
	v9 =	vand.u32 $0xFFFF, v9  }
0x1f8: {  	v6 =	vadd.f32 v16, v6;
	vm13 =	vgt.f32 v8, $0.0e+00;
	v17 =	vshrl.u32 v12, $0x10;
	v14 =	vld.idx.msk [tilespmem:v14+s1+$0x0], $0xffff  }
0x1f9: {  	s4 =	simm.s32 $0x30;
	v16 =	vsub.f32 $5.000000000e-01, v7;
	v7 =	vmul.f32 v18, v18;
	v61 =	vshrl.u32 v13, $0x10;
	v15 =	vld.idx.msk [tilespmem:v15+s26+$0x0], $0xffff  }
0x1fa: {  	v5 =	vadd.f32 v10, v5;
	v8 =	vnsel vm13, $0x0, v8;
	v22 =	vand.u32 $0xFFFF, v12;
	v12 =	vld [tilespmem:s4+$0x18800]  }
0x1fb: {  	v10 =	vsel vm13, $0x3F800000, v0;
	v3 =	vadd.f32 v8, v3;
	v8 =	vsub.f32 $5.000000000e-01, v7;
	v18 =	vld.idx.msk [tilespmem:v11+s1+$0x0], $0xffff  }
0x1fc: {  	v2 =	vadd.f32 v10, v2;
	vm14 =	vgt.f32 v16, $0.0e+00;
	v23 =	vand.u32 $0xFFFF, v13;
	v9 =	vld.idx.msk [tilespmem:v9+s26+$0x0], $0xffff  }
0x1fd: {  	v10 =	vsel vm14, $0x3F800000, v0;
	vm15 =	vgt.f32 v8, $0.0e+00;
	v24 =	vshrl.u32 v19, $0x10;
	v11 =	vld.idx.msk [tilespmem:v17+s1+$0x0], $0xffff  }
0x1fe: {  	v13 =	vnsel vm14, $0x0, v16;
	v7 =	vld.idx.msk [tilespmem:v61+s26+$0x0], $0xffff;
	v17 =	vshrl.u32 v62, $0x10;
	v14 =	vsub.f32 v14, v15  }
0x1ff: {  	v6 =	vadd.f32 v10, v6;
	v8 =	vnsel vm15, $0x0, v8;
	v5 =	vadd.f32 v13, v5;
	v13 =	vld [tilespmem:s4+$0x19800]  }
0x200: {  	v10 =	vsel vm15, $0x3F800000, v0;
	v3 =	vadd.f32 v8, v3;
	v8 =	vld.idx.msk [tilespmem:v22+s1+$0x0], $0xffff;
	v63 =	vmul.f32 v14, v14  }
0x201: {  	v2 =	vadd.f32 v10, v2;
	v10 =	vld.idx.msk [tilespmem:v23+s26+$0x0], $0xffff;
	v14 =	vand.u32 $0xFFFF, v19  }
0x202: {  	s6 =	simm.s32 $0x100;
	v15 =	vand.u32 $0xFFFF, v62;
	v16 =	vsub.f32 v18, v9;
	v9 =	vld.idx.msk [tilespmem:v24+s1+$0x0], $0xffff;
	v4 =	vadd.f32 v63, v4  }
.LBB2_32:
0x203: {  	s7 =	sshra.s32 s6, $0x2;
	v18 =	vand.u32 $0xFFFF, v12;
	v19 =	vshrl.u32 v12, $0x10;
	v11 =	vsub.f32 v11, v7;
	v7 =	vld.idx.msk [tilespmem:v17+s26+$0x0], $0xffff;
	p0 =	sne.s32 s6, $0x3FC0  }
.Ltmp15:
0x204: {  	s6 =	sadd.s32 $0x40, s6;
	v21 =	vmul.f32 v16, v16;
	v12 =	vld [tilespmem:s7+$0x18800];
	v20 =	vand.u32 $0xFFFF, v13;
	v17 =	vshrl.u32 v13, $0x10;
	(pc) =	sbr.rel @p0 .LBB2_32-.Ltmp15, $4  }
0x205: {  	v13 =	vld [tilespmem:s7+$0x19800];
	v22 =	vmul.f32 v11, v11  }
0x206: {  	v1 =	vadd.f32 v21, v1;
	v16 =	vmov v8;
	v8 =	vld.idx.msk [tilespmem:v14+s1+$0x0], $0xffff;
	v14 =	vmov v18  }
0x207: {  	v16 =	vsub.f32 v16, v10;
	v10 =	vld.idx.msk [tilespmem:v15+s26+$0x0], $0xffff;
	v4 =	vadd.f32 v22, v4;
	v15 =	vmov v20  }
0x208: {  	v11 =	vmov v9;
	v9 =	vld.idx.msk [tilespmem:v19+s1+$0x0], $0xffff  }
0x209: {  	_ =	sdelay $0x3  }
0x20a: {  	v17 =	vld.idx.msk [tilespmem:v17+s26+$0x0], $0xffff  }
0x20b: {  	v20 =	vld [tilespmem:s2+$0x1A800]  }
0x20c: {  	v21 =	vld [tilespmem:s2+$0x1B800]  }
0x20d: {  	v14 =	vld.idx.msk [tilespmem:v14+s1+$0x0], $0xffff  }
0x20e: {  	v15 =	vld.idx.msk [tilespmem:v15+s26+$0x0], $0xffff  }
0x20f: {  	v18 =	vshrl.u32 v12, $0x10;
	v24 =	vld [tilespmem:s3+$0x1A800]  }
0x210: {  	v12 =	vand.u32 $0xFFFF, v12;
	v25 =	vld [tilespmem:s3+$0x1B800]  }
0x211: {  	v59 =	vld [tilespmem:s5+$0x1A800];
	v19 =	vshrl.u32 v13, $0x10  }
0x212: {  	v61 =	vld [tilespmem:s5+$0x1B800];
	v13 =	vand.u32 $0xFFFF, v13  }
0x213: {  	v63 =	vld [tilespmem:s4+$0x1B800];
	v22 =	vshrl.u32 v20, $0x10  }
0x214: {  	v18 =	vld.idx.msk [tilespmem:v18+s1+$0x0], $0xffff;
	v23 =	vshrl.u32 v21, $0x10  }
0x215: {  	v20 =	vand.u32 $0xFFFF, v20;
	v12 =	vld.idx.msk [tilespmem:v12+s1+$0x0], $0xffff  }
0x216: {  	v7 =	vsub.f32 v11, v7;
	v11 =	vmul.f32 v16, v16;
	v16 =	vand.u32 $0xFFFF, v21;
	v19 =	vld.idx.msk [tilespmem:v19+s26+$0x0], $0xffff  }
0x217: {  	v8 =	vsub.f32 v8, v10;
	v58 =	vshrl.u32 v24, $0x10;
	v13 =	vld.idx.msk [tilespmem:v13+s26+$0x0], $0xffff  }
0x218: {  	v7 =	vmul.f32 v7, v7;
	v9 =	vsub.f32 v9, v17;
	v17 =	vand.u32 $0xFFFF, v24;
	v57 =	vld.idx.msk [tilespmem:v22+s21+$0x0], $0xffff  }
0x219: {  	v1 =	vadd.f32 v11, v1;
	v8 =	vmul.f32 v8, v8;
	v60 =	vand.u32 $0xFFFF, v25;
	v10 =	vld.idx.msk [tilespmem:v23+s26+$0x0], $0xffff  }
0x21a: {  	v4 =	vadd.f32 v7, v4;
	v11 =	vld.idx.msk [tilespmem:v20+s21+$0x0], $0xffff;
	v20 =	vshrl.u32 v25, $0x10  }
0x21b: {  	v1 =	vadd.f32 v8, v1;
	v7 =	vmul.f32 v9, v9;
	v9 =	vsub.f32 v14, v15;
	v8 =	vld.idx.msk [tilespmem:v16+s26+$0x0], $0xffff  }
0x21c: {  	v14 =	vld.idx.msk [tilespmem:v58+s21+$0x0], $0xffff  }
0x21d: {  	v4 =	vadd.f32 v7, v4;
	v9 =	vmul.f32 v9, v9;
	v7 =	vsub.f32 v18, v19;
	v18 =	vld.idx.msk [tilespmem:v17+s21+$0x0], $0xffff  }
0x21e: {  	v16 =	vshrl.u32 v59, $0x10;
	v12 =	vsub.f32 v12, v13;
	v13 =	vshrl.u32 v61, $0x10;
	v19 =	vld.idx.msk [tilespmem:v60+s26+$0x0], $0xffff  }
0x21f: {  	v17 =	vand.u32 $0xFFFF, v59;
	v1 =	vadd.f32 v9, v1;
	v10 =	vsub.f32 v57, v10;
	v15 =	vld.idx.msk [tilespmem:v20+s26+$0x0], $0xffff  }
0x220: {  	v7 =	vmul.f32 v7, v7;
	v9 =	vmul.f32 v12, v12;
	v8 =	vsub.f32 v11, v8;
	v20 =	vld [tilespmem:s4+$0x1A800]  }
0x221: {  	v10 =	vmul.f32 v10, v10  }
0x222: {  	v4 =	vadd.f32 v7, v4;
	v1 =	vadd.f32 v9, v1;
	v7 =	vmul.f32 v8, v8  }
0x223: {  	v12 =	vand.u32 $0xFFFF, v61;
	v8 =	vld.idx.msk [tilespmem:v16+s21+$0x0], $0xffff;
	v16 =	vsub.f32 v18, v19;
	v62 =	vsub.f32 $5.000000000e-01, v10  }
0x224: {  	v11 =	vsub.f32 $5.000000000e-01, v7;
	v10 =	vld.idx.msk [tilespmem:v13+s26+$0x0], $0xffff;
	v9 =	vsub.f32 v14, v15  }
0x225: {  	v7 =	vld.idx.msk [tilespmem:v17+s21+$0x0], $0xffff;
	v17 =	vshrl.u32 v63, $0x10;
	v13 =	vand.u32 $0xFFFF, v20;
	vm0 =	vgt.f32 v62, $0.0e+00  }
0x226: {  	s2 =	simm.s32 $0x40;
	v15 =	vshrl.u32 v20, $0x10;
	v14 =	vsel vm0, $0x3F800000, v0;
	v20 =	vmul.f32 v9, v9  }
0x227: {  	v18 =	vld [tilespmem:s2+$0x1A800];
	v21 =	vnsel vm0, $0x0, v62;
	vm0 =	vgt.f32 v11, $0.0e+00;
	v6 =	vadd.f32 v14, v6  }
0x228: {  	s1 =	simm.s32 $0x140;
	v9 =	vld.idx.msk [tilespmem:v12+s26+$0x0], $0xffff;
	v14 =	vand.u32 $0xFFFF, v63;
	v5 =	vadd.f32 v21, v5;
	v12 =	vsub.f32 $5.000000000e-01, v20  }
.LBB2_34:
0x229: {  	p0 =	sne.s32 s1, $0x3FC0;
	v19 =	vld [tilespmem:s2+$0x1B800];
	v16 =	vmul.f32 v16, v16;
	v11 =	vnsel vm0, $0x0, v11;
	v20 =	vsel vm0, $0x3F800000, v0  }
0x22a: {  	vm0 =	vgt.f32 v12, $0.0e+00;
	v3 =	vadd.f32 v11, v3;
	v2 =	vadd.f32 v20, v2  }
.Ltmp16:
0x22b: {  	v20 =	vsub.f32 v8, v10;
	v8 =	vld.idx.msk [tilespmem:v15+s21+$0x0], $0xffff;
	v11 =	vsub.f32 $5.000000000e-01, v16;
	v15 =	vsel vm0, $0x3F800000, v0;
	(pc) =	sbr.rel @p0 .LBB2_34-.Ltmp16, $4  }
0x22c: {  	v21 =	vnsel vm0, $0x0, v12;
	v12 =	vmov v7;
	v10 =	vld.idx.msk [tilespmem:v17+s26+$0x0], $0xffff;
	v6 =	vadd.f32 v15, v6  }
0x22d: {  	v20 =	vmul.f32 v20, v20;
	v15 =	vshrl.u32 v18, $0x10;
	v7 =	vld.idx.msk [tilespmem:v13+s21+$0x0], $0xffff;
	v13 =	vand.u32 $0xFFFF, v18  }
0x22e: {  	s2 =	sshra.s32 s1, $0x2;
	v16 =	vsub.f32 v12, v9;
	v17 =	vshrl.u32 v19, $0x10;
	v9 =	vld.idx.msk [tilespmem:v14+s26+$0x0], $0xffff;
	v14 =	vand.u32 $0xFFFF, v19  }
0x22f: {  	s1 =	sadd.s32 $0x40, s1;
	v5 =	vadd.f32 v21, v5;
	vm0 =	vgt.f32 v11, $0.0e+00;
	v12 =	vsub.f32 $5.000000000e-01, v20;
	v18 =	vld [tilespmem:s2+$0x1A800]  }
0x230: {  	_ = 	snop  }
0x231: {  	v19 =	vld [tilespmem:s2+$0x1B800];
	_ =	sdelay $0x2  }
0x232: {  	v20 =	vshrl.u32 v18, $0x10  }
0x233: {  	v15 =	vld.idx.msk [tilespmem:v15+s21+$0x0], $0xffff;
	v18 =	vand.u32 $0xFFFF, v18  }
0x234: {  	v17 =	vld.idx.msk [tilespmem:v17+s26+$0x0], $0xffff;
	v21 =	vshrl.u32 v19, $0x10  }
0x235: {  	v13 =	vld.idx.msk [tilespmem:v13+s21+$0x0], $0xffff;
	v19 =	vand.u32 $0xFFFF, v19  }
0x236: {  	v14 =	vld.idx.msk [tilespmem:v14+s26+$0x0], $0xffff  }
0x237: {  	v20 =	vld.idx.msk [tilespmem:v20+s21+$0x0], $0xffff  }
0x238: {  	v18 =	vld.idx.msk [tilespmem:v18+s21+$0x0], $0xffff  }
0x239: {  	s1 =	simm.s32 $0x0;
	v21 =	vld.idx.msk [tilespmem:v21+s26+$0x0], $0xffff  }
0x23a: {  	v19 =	vld.idx.msk [tilespmem:v19+s26+$0x0], $0xffff;
	[tilespmem:s1], [sflag:$0x1] =	stream.strided.gather [hbm4b:s18+s17], $0xC400, s0, s17, $0x38  }
0x23b: {  	_ = 	snop  }
0x23c: {  	v8 =	vsub.f32 v8, v10;
	v10 =	vnsel vm0, $0x0, v11;
	[tilespmem:s26], [sflag:$0x1] =	stream.strided.gather [hbm4b:s19+s17], $0xC400, s0, s17, $0x38;
	[tilespmem:$0x1C900] =	vst v63  }
0x23d: {  	v11 =	vmul.f32 v16, v16;
	v3 =	vadd.f32 v10, v3;
	v10 =	vsel vm0, $0x3F800000, v0;
	_ =	swait.ge [sflag:s28], $0xC400  }
0x23e: {  	vm8 =	vgt.f32 v12, $0.0e+00;
	v2 =	vadd.f32 v10, v2;
	[sflag:s28] =	ssyncset.done $0x0  }
0x23f: {  	v8 =	vmul.f32 v8, v8;
	v10 =	vsub.f32 $5.000000000e-01, v11;
	v11 =	vsel vm8, $0x3F800000, v0;
	[sflag:s28] =	ssyncadd.s32 $0xFFFF3C00  }
0x240: {  	v7 =	vsub.f32 v7, v9;
	v9 =	vnsel vm8, $0x0, v12;
	v6 =	vadd.f32 v11, v6;
	_ =	swait.ge [sflag:s28], $0xC400  }
0x241: {  	v5 =	vadd.f32 v9, v5;
	v8 =	vsub.f32 $5.000000000e-01, v8;
	[sflag:s28] =	ssyncset.done $0x0  }
0x242: {  	s2 =	simm.s32 $0x0;
	vm9 =	vgt.f32 v10, $0.0e+00;
	v7 =	vmul.f32 v7, v7;
	v15 =	vsub.f32 v15, v17;
	[sflag:s28] =	ssyncadd.s32 $0xFFFF3C00  }
0x243: {  	v13 =	vsub.f32 v13, v14;
	v10 =	vnsel vm9, $0x0, v10;
	v12 =	vsel vm9, $0x3F800000, v0;
	v11 =	vld [tilespmem:s2+$0x18800]  }
0x244: {  	vm10 =	vgt.f32 v8, $0.0e+00;
	v2 =	vadd.f32 v12, v2;
	v12 =	vmul.f32 v15, v15;
	v9 =	vld [tilespmem:s2+$0x19800]  }
0x245: {  	v3 =	vadd.f32 v10, v3;
	v7 =	vsub.f32 $5.000000000e-01, v7;
	v10 =	vsel vm10, $0x3F800000, v0  }
0x246: {  	v8 =	vnsel vm10, $0x0, v8;
	v6 =	vadd.f32 v10, v6;
	v10 =	vsub.f32 $5.000000000e-01, v12  }
0x247: {  	s3 =	simm.s32 $0x10;
	vm11 =	vgt.f32 v7, $0.0e+00;
	v5 =	vadd.f32 v8, v5;
	v8 =	vmul.f32 v13, v13  }
0x248: {  	v7 =	vnsel vm11, $0x0, v7;
	v16 =	vsel vm11, $0x3F800000, v0;
	v12 =	vld [tilespmem:s3+$0x18800];
	v14 =	vshrl.u32 v11, $0x10  }
0x249: {  	v3 =	vadd.f32 v7, v3;
	v2 =	vadd.f32 v16, v2;
	v13 =	vld [tilespmem:s3+$0x19800];
	v15 =	vshrl.u32 v9, $0x10  }
0x24a: {  	s5 =	simm.s32 $0x20;
	vm12 =	vgt.f32 v10, $0.0e+00;
	v8 =	vsub.f32 $5.000000000e-01, v8;
	v7 =	vsub.f32 v20, v21  }
0x24b: {  	v16 =	vsel vm12, $0x3F800000, v0;
	v18 =	vsub.f32 v18, v19;
	v19 =	vld [tilespmem:s5+$0x18800];
	v11 =	vand.u32 $0xFFFF, v11  }
0x24c: {  	v10 =	vnsel vm12, $0x0, v10;
	v7 =	vmul.f32 v7, v7;
	v62 =	vld [tilespmem:s5+$0x19800];
	v9 =	vand.u32 $0xFFFF, v9  }
0x24d: {  	v6 =	vadd.f32 v16, v6;
	vm13 =	vgt.f32 v8, $0.0e+00;
	v17 =	vshrl.u32 v12, $0x10;
	v14 =	vld.idx.msk [tilespmem:v14+s1+$0x0], $0xffff  }
0x24e: {  	s4 =	simm.s32 $0x30;
	v16 =	vsub.f32 $5.000000000e-01, v7;
	v7 =	vmul.f32 v18, v18;
	v61 =	vshrl.u32 v13, $0x10;
	v15 =	vld.idx.msk [tilespmem:v15+s26+$0x0], $0xffff  }
0x24f: {  	v5 =	vadd.f32 v10, v5;
	v8 =	vnsel vm13, $0x0, v8;
	v22 =	vand.u32 $0xFFFF, v12;
	v12 =	vld [tilespmem:s4+$0x18800]  }
0x250: {  	v10 =	vsel vm13, $0x3F800000, v0;
	v3 =	vadd.f32 v8, v3;
	v8 =	vsub.f32 $5.000000000e-01, v7;
	v18 =	vld.idx.msk [tilespmem:v11+s1+$0x0], $0xffff  }
0x251: {  	v2 =	vadd.f32 v10, v2;
	vm14 =	vgt.f32 v16, $0.0e+00;
	v23 =	vand.u32 $0xFFFF, v13;
	v9 =	vld.idx.msk [tilespmem:v9+s26+$0x0], $0xffff  }
0x252: {  	v10 =	vsel vm14, $0x3F800000, v0;
	vm15 =	vgt.f32 v8, $0.0e+00;
	v24 =	vshrl.u32 v19, $0x10;
	v11 =	vld.idx.msk [tilespmem:v17+s1+$0x0], $0xffff  }
0x253: {  	v13 =	vnsel vm14, $0x0, v16;
	v7 =	vld.idx.msk [tilespmem:v61+s26+$0x0], $0xffff;
	v17 =	vshrl.u32 v62, $0x10;
	v14 =	vsub.f32 v14, v15  }
0x254: {  	v6 =	vadd.f32 v10, v6;
	v8 =	vnsel vm15, $0x0, v8;
	v5 =	vadd.f32 v13, v5;
	v13 =	vld [tilespmem:s4+$0x19800]  }
0x255: {  	v10 =	vsel vm15, $0x3F800000, v0;
	v3 =	vadd.f32 v8, v3;
	v8 =	vld.idx.msk [tilespmem:v22+s1+$0x0], $0xffff;
	v63 =	vmul.f32 v14, v14  }
0x256: {  	v2 =	vadd.f32 v10, v2;
	v10 =	vld.idx.msk [tilespmem:v23+s26+$0x0], $0xffff;
	v14 =	vand.u32 $0xFFFF, v19  }
0x257: {  	s6 =	simm.s32 $0x100;
	v15 =	vand.u32 $0xFFFF, v62;
	v16 =	vsub.f32 v18, v9;
	v9 =	vld.idx.msk [tilespmem:v24+s1+$0x0], $0xffff;
	v4 =	vadd.f32 v63, v4  }
.LBB2_36:
0x258: {  	s7 =	sshra.s32 s6, $0x2;
	v18 =	vand.u32 $0xFFFF, v12;
	v19 =	vshrl.u32 v12, $0x10;
	v11 =	vsub.f32 v11, v7;
	v7 =	vld.idx.msk [tilespmem:v17+s26+$0x0], $0xffff;
	p0 =	sne.s32 s6, $0x3FC0  }
.Ltmp17:
0x259: {  	s6 =	sadd.s32 $0x40, s6;
	v21 =	vmul.f32 v16, v16;
	v12 =	vld [tilespmem:s7+$0x18800];
	v20 =	vand.u32 $0xFFFF, v13;
	v17 =	vshrl.u32 v13, $0x10;
	(pc) =	sbr.rel @p0 .LBB2_36-.Ltmp17, $4  }
0x25a: {  	v13 =	vld [tilespmem:s7+$0x19800];
	v22 =	vmul.f32 v11, v11  }
0x25b: {  	v1 =	vadd.f32 v21, v1;
	v16 =	vmov v8;
	v8 =	vld.idx.msk [tilespmem:v14+s1+$0x0], $0xffff;
	v14 =	vmov v18  }
0x25c: {  	v16 =	vsub.f32 v16, v10;
	v10 =	vld.idx.msk [tilespmem:v15+s26+$0x0], $0xffff;
	v4 =	vadd.f32 v22, v4;
	v15 =	vmov v20  }
0x25d: {  	v11 =	vmov v9;
	v9 =	vld.idx.msk [tilespmem:v19+s1+$0x0], $0xffff  }
0x25e: {  	_ =	sdelay $0x3  }
0x25f: {  	v17 =	vld.idx.msk [tilespmem:v17+s26+$0x0], $0xffff  }
0x260: {  	v20 =	vld [tilespmem:s2+$0x1A800]  }
0x261: {  	v21 =	vld [tilespmem:s2+$0x1B800]  }
0x262: {  	v14 =	vld.idx.msk [tilespmem:v14+s1+$0x0], $0xffff  }
0x263: {  	v15 =	vld.idx.msk [tilespmem:v15+s26+$0x0], $0xffff  }
0x264: {  	v18 =	vshrl.u32 v12, $0x10;
	v24 =	vld [tilespmem:s3+$0x1A800]  }
0x265: {  	v12 =	vand.u32 $0xFFFF, v12;
	v25 =	vld [tilespmem:s3+$0x1B800]  }
0x266: {  	v59 =	vld [tilespmem:s5+$0x1A800];
	v19 =	vshrl.u32 v13, $0x10  }
0x267: {  	v61 =	vld [tilespmem:s5+$0x1B800];
	v13 =	vand.u32 $0xFFFF, v13  }
0x268: {  	v63 =	vld [tilespmem:s4+$0x1B800];
	v22 =	vshrl.u32 v20, $0x10  }
0x269: {  	v18 =	vld.idx.msk [tilespmem:v18+s1+$0x0], $0xffff;
	v23 =	vshrl.u32 v21, $0x10  }
0x26a: {  	v20 =	vand.u32 $0xFFFF, v20;
	v12 =	vld.idx.msk [tilespmem:v12+s1+$0x0], $0xffff  }
0x26b: {  	v7 =	vsub.f32 v11, v7;
	v11 =	vmul.f32 v16, v16;
	v16 =	vand.u32 $0xFFFF, v21;
	v19 =	vld.idx.msk [tilespmem:v19+s26+$0x0], $0xffff  }
0x26c: {  	v8 =	vsub.f32 v8, v10;
	v58 =	vshrl.u32 v24, $0x10;
	v13 =	vld.idx.msk [tilespmem:v13+s26+$0x0], $0xffff  }
0x26d: {  	v7 =	vmul.f32 v7, v7;
	v9 =	vsub.f32 v9, v17;
	v17 =	vand.u32 $0xFFFF, v24;
	v57 =	vld.idx.msk [tilespmem:v22+s21+$0x0], $0xffff  }
0x26e: {  	v1 =	vadd.f32 v11, v1;
	v8 =	vmul.f32 v8, v8;
	v60 =	vand.u32 $0xFFFF, v25;
	v10 =	vld.idx.msk [tilespmem:v23+s26+$0x0], $0xffff  }
0x26f: {  	v4 =	vadd.f32 v7, v4;
	v11 =	vld.idx.msk [tilespmem:v20+s21+$0x0], $0xffff;
	v20 =	vshrl.u32 v25, $0x10  }
0x270: {  	v1 =	vadd.f32 v8, v1;
	v7 =	vmul.f32 v9, v9;
	v9 =	vsub.f32 v14, v15;
	v8 =	vld.idx.msk [tilespmem:v16+s26+$0x0], $0xffff  }
0x271: {  	v14 =	vld.idx.msk [tilespmem:v58+s21+$0x0], $0xffff  }
0x272: {  	v4 =	vadd.f32 v7, v4;
	v9 =	vmul.f32 v9, v9;
	v7 =	vsub.f32 v18, v19;
	v18 =	vld.idx.msk [tilespmem:v17+s21+$0x0], $0xffff  }
0x273: {  	v16 =	vshrl.u32 v59, $0x10;
	v12 =	vsub.f32 v12, v13;
	v13 =	vshrl.u32 v61, $0x10;
	v19 =	vld.idx.msk [tilespmem:v60+s26+$0x0], $0xffff  }
0x274: {  	v17 =	vand.u32 $0xFFFF, v59;
	v1 =	vadd.f32 v9, v1;
	v10 =	vsub.f32 v57, v10;
	v15 =	vld.idx.msk [tilespmem:v20+s26+$0x0], $0xffff  }
0x275: {  	v7 =	vmul.f32 v7, v7;
	v9 =	vmul.f32 v12, v12;
	v8 =	vsub.f32 v11, v8;
	v20 =	vld [tilespmem:s4+$0x1A800]  }
0x276: {  	v10 =	vmul.f32 v10, v10  }
0x277: {  	v4 =	vadd.f32 v7, v4;
	v1 =	vadd.f32 v9, v1;
	v7 =	vmul.f32 v8, v8  }
0x278: {  	v12 =	vand.u32 $0xFFFF, v61;
	v8 =	vld.idx.msk [tilespmem:v16+s21+$0x0], $0xffff;
	v16 =	vsub.f32 v18, v19;
	v62 =	vsub.f32 $5.000000000e-01, v10  }
0x279: {  	v11 =	vsub.f32 $5.000000000e-01, v7;
	v10 =	vld.idx.msk [tilespmem:v13+s26+$0x0], $0xffff;
	v9 =	vsub.f32 v14, v15  }
0x27a: {  	v7 =	vld.idx.msk [tilespmem:v17+s21+$0x0], $0xffff;
	v17 =	vshrl.u32 v63, $0x10;
	v13 =	vand.u32 $0xFFFF, v20;
	vm0 =	vgt.f32 v62, $0.0e+00  }
0x27b: {  	s2 =	simm.s32 $0x40;
	v15 =	vshrl.u32 v20, $0x10;
	v14 =	vsel vm0, $0x3F800000, v0;
	v20 =	vmul.f32 v9, v9  }
0x27c: {  	v18 =	vld [tilespmem:s2+$0x1A800];
	v21 =	vnsel vm0, $0x0, v62;
	vm0 =	vgt.f32 v11, $0.0e+00;
	v6 =	vadd.f32 v14, v6  }
0x27d: {  	s1 =	simm.s32 $0x140;
	v9 =	vld.idx.msk [tilespmem:v12+s26+$0x0], $0xffff;
	v14 =	vand.u32 $0xFFFF, v63;
	v5 =	vadd.f32 v21, v5;
	v12 =	vsub.f32 $5.000000000e-01, v20  }
.LBB2_38:
0x27e: {  	p0 =	sne.s32 s1, $0x3FC0;
	v19 =	vld [tilespmem:s2+$0x1B800];
	v16 =	vmul.f32 v16, v16;
	v11 =	vnsel vm0, $0x0, v11;
	v20 =	vsel vm0, $0x3F800000, v0  }
0x27f: {  	vm0 =	vgt.f32 v12, $0.0e+00;
	v3 =	vadd.f32 v11, v3;
	v2 =	vadd.f32 v20, v2  }
.Ltmp18:
0x280: {  	v20 =	vsub.f32 v8, v10;
	v8 =	vld.idx.msk [tilespmem:v15+s21+$0x0], $0xffff;
	v11 =	vsub.f32 $5.000000000e-01, v16;
	v15 =	vsel vm0, $0x3F800000, v0;
	(pc) =	sbr.rel @p0 .LBB2_38-.Ltmp18, $4  }
0x281: {  	v21 =	vnsel vm0, $0x0, v12;
	v12 =	vmov v7;
	v10 =	vld.idx.msk [tilespmem:v17+s26+$0x0], $0xffff;
	v6 =	vadd.f32 v15, v6  }
0x282: {  	v20 =	vmul.f32 v20, v20;
	v15 =	vshrl.u32 v18, $0x10;
	v7 =	vld.idx.msk [tilespmem:v13+s21+$0x0], $0xffff;
	v13 =	vand.u32 $0xFFFF, v18  }
0x283: {  	s2 =	sshra.s32 s1, $0x2;
	v16 =	vsub.f32 v12, v9;
	v17 =	vshrl.u32 v19, $0x10;
	v9 =	vld.idx.msk [tilespmem:v14+s26+$0x0], $0xffff;
	v14 =	vand.u32 $0xFFFF, v19  }
0x284: {  	s1 =	sadd.s32 $0x40, s1;
	v5 =	vadd.f32 v21, v5;
	vm0 =	vgt.f32 v11, $0.0e+00;
	v12 =	vsub.f32 $5.000000000e-01, v20;
	v18 =	vld [tilespmem:s2+$0x1A800]  }
0x285: {  	_ = 	snop  }
0x286: {  	v19 =	vld [tilespmem:s2+$0x1B800];
	_ =	sdelay $0x2  }
0x287: {  	v20 =	vshrl.u32 v18, $0x10  }
0x288: {  	v15 =	vld.idx.msk [tilespmem:v15+s21+$0x0], $0xffff;
	v18 =	vand.u32 $0xFFFF, v18  }
0x289: {  	v17 =	vld.idx.msk [tilespmem:v17+s26+$0x0], $0xffff;
	v21 =	vshrl.u32 v19, $0x10  }
0x28a: {  	v13 =	vld.idx.msk [tilespmem:v13+s21+$0x0], $0xffff;
	v19 =	vand.u32 $0xFFFF, v19  }
0x28b: {  	v14 =	vld.idx.msk [tilespmem:v14+s26+$0x0], $0xffff  }
0x28c: {  	v20 =	vld.idx.msk [tilespmem:v20+s21+$0x0], $0xffff  }
0x28d: {  	v18 =	vld.idx.msk [tilespmem:v18+s21+$0x0], $0xffff  }
0x28e: {  	s1 =	simm.s32 $0x0;
	v21 =	vld.idx.msk [tilespmem:v21+s26+$0x0], $0xffff  }
0x28f: {  	v19 =	vld.idx.msk [tilespmem:v19+s26+$0x0], $0xffff;
	[tilespmem:s1], [sflag:$0x1] =	stream.strided.gather [hbm4b:s20+s17], $0xC400, s0, s17, $0x38  }
0x290: {  	_ = 	snop  }
0x291: {  	v8 =	vsub.f32 v8, v10;
	v10 =	vnsel vm0, $0x0, v11;
	[tilespmem:s26], [sflag:$0x1] =	stream.strided.gather [hbm4b:s22+s17], $0xC400, s0, s17, $0x38;
	[tilespmem:$0x1C900] =	vst v63  }
0x292: {  	v11 =	vmul.f32 v16, v16;
	v3 =	vadd.f32 v10, v3;
	v10 =	vsel vm0, $0x3F800000, v0;
	_ =	swait.ge [sflag:s28], $0xC400  }
0x293: {  	vm8 =	vgt.f32 v12, $0.0e+00;
	v2 =	vadd.f32 v10, v2;
	[sflag:s28] =	ssyncset.done $0x0  }
0x294: {  	v8 =	vmul.f32 v8, v8;
	v10 =	vsub.f32 $5.000000000e-01, v11;
	v11 =	vsel vm8, $0x3F800000, v0;
	[sflag:s28] =	ssyncadd.s32 $0xFFFF3C00  }
0x295: {  	v7 =	vsub.f32 v7, v9;
	v9 =	vnsel vm8, $0x0, v12;
	v6 =	vadd.f32 v11, v6;
	_ =	swait.ge [sflag:s28], $0xC400  }
0x296: {  	v5 =	vadd.f32 v9, v5;
	v8 =	vsub.f32 $5.000000000e-01, v8;
	[sflag:s28] =	ssyncset.done $0x0  }
0x297: {  	s2 =	simm.s32 $0x0;
	vm9 =	vgt.f32 v10, $0.0e+00;
	v7 =	vmul.f32 v7, v7;
	v15 =	vsub.f32 v15, v17;
	[sflag:s28] =	ssyncadd.s32 $0xFFFF3C00  }
0x298: {  	v13 =	vsub.f32 v13, v14;
	v10 =	vnsel vm9, $0x0, v10;
	v12 =	vsel vm9, $0x3F800000, v0;
	v11 =	vld [tilespmem:s2+$0x18800]  }
0x299: {  	vm10 =	vgt.f32 v8, $0.0e+00;
	v2 =	vadd.f32 v12, v2;
	v12 =	vmul.f32 v15, v15;
	v9 =	vld [tilespmem:s2+$0x19800]  }
0x29a: {  	v3 =	vadd.f32 v10, v3;
	v7 =	vsub.f32 $5.000000000e-01, v7;
	v10 =	vsel vm10, $0x3F800000, v0  }
0x29b: {  	v8 =	vnsel vm10, $0x0, v8;
	v6 =	vadd.f32 v10, v6;
	v10 =	vsub.f32 $5.000000000e-01, v12  }
0x29c: {  	s3 =	simm.s32 $0x10;
	vm11 =	vgt.f32 v7, $0.0e+00;
	v5 =	vadd.f32 v8, v5;
	v8 =	vmul.f32 v13, v13  }
0x29d: {  	v7 =	vnsel vm11, $0x0, v7;
	v16 =	vsel vm11, $0x3F800000, v0;
	v12 =	vld [tilespmem:s3+$0x18800];
	v14 =	vshrl.u32 v11, $0x10  }
0x29e: {  	v3 =	vadd.f32 v7, v3;
	v2 =	vadd.f32 v16, v2;
	v13 =	vld [tilespmem:s3+$0x19800];
	v15 =	vshrl.u32 v9, $0x10  }
0x29f: {  	s5 =	simm.s32 $0x20;
	vm12 =	vgt.f32 v10, $0.0e+00;
	v8 =	vsub.f32 $5.000000000e-01, v8;
	v7 =	vsub.f32 v20, v21  }
0x2a0: {  	v16 =	vsel vm12, $0x3F800000, v0;
	v18 =	vsub.f32 v18, v19;
	v19 =	vld [tilespmem:s5+$0x18800];
	v11 =	vand.u32 $0xFFFF, v11  }
0x2a1: {  	v10 =	vnsel vm12, $0x0, v10;
	v7 =	vmul.f32 v7, v7;
	v62 =	vld [tilespmem:s5+$0x19800];
	v9 =	vand.u32 $0xFFFF, v9  }
0x2a2: {  	v6 =	vadd.f32 v16, v6;
	vm13 =	vgt.f32 v8, $0.0e+00;
	v17 =	vshrl.u32 v12, $0x10;
	v14 =	vld.idx.msk [tilespmem:v14+s1+$0x0], $0xffff  }
0x2a3: {  	s4 =	simm.s32 $0x30;
	v16 =	vsub.f32 $5.000000000e-01, v7;
	v7 =	vmul.f32 v18, v18;
	v61 =	vshrl.u32 v13, $0x10;
	v15 =	vld.idx.msk [tilespmem:v15+s26+$0x0], $0xffff  }
0x2a4: {  	v5 =	vadd.f32 v10, v5;
	v8 =	vnsel vm13, $0x0, v8;
	v22 =	vand.u32 $0xFFFF, v12;
	v12 =	vld [tilespmem:s4+$0x18800]  }
0x2a5: {  	v10 =	vsel vm13, $0x3F800000, v0;
	v3 =	vadd.f32 v8, v3;
	v8 =	vsub.f32 $5.000000000e-01, v7;
	v18 =	vld.idx.msk [tilespmem:v11+s1+$0x0], $0xffff  }
0x2a6: {  	v2 =	vadd.f32 v10, v2;
	vm14 =	vgt.f32 v16, $0.0e+00;
	v23 =	vand.u32 $0xFFFF, v13;
	v9 =	vld.idx.msk [tilespmem:v9+s26+$0x0], $0xffff  }
0x2a7: {  	v10 =	vsel vm14, $0x3F800000, v0;
	vm15 =	vgt.f32 v8, $0.0e+00;
	v24 =	vshrl.u32 v19, $0x10;
	v11 =	vld.idx.msk [tilespmem:v17+s1+$0x0], $0xffff  }
0x2a8: {  	v13 =	vnsel vm14, $0x0, v16;
	v7 =	vld.idx.msk [tilespmem:v61+s26+$0x0], $0xffff;
	v17 =	vshrl.u32 v62, $0x10;
	v14 =	vsub.f32 v14, v15  }
0x2a9: {  	v6 =	vadd.f32 v10, v6;
	v8 =	vnsel vm15, $0x0, v8;
	v5 =	vadd.f32 v13, v5;
	v13 =	vld [tilespmem:s4+$0x19800]  }
0x2aa: {  	v10 =	vsel vm15, $0x3F800000, v0;
	v3 =	vadd.f32 v8, v3;
	v8 =	vld.idx.msk [tilespmem:v22+s1+$0x0], $0xffff;
	v63 =	vmul.f32 v14, v14  }
0x2ab: {  	v2 =	vadd.f32 v10, v2;
	v10 =	vld.idx.msk [tilespmem:v23+s26+$0x0], $0xffff;
	v14 =	vand.u32 $0xFFFF, v19  }
0x2ac: {  	s6 =	simm.s32 $0x100;
	v15 =	vand.u32 $0xFFFF, v62;
	v16 =	vsub.f32 v18, v9;
	v9 =	vld.idx.msk [tilespmem:v24+s1+$0x0], $0xffff;
	v4 =	vadd.f32 v63, v4  }
.LBB2_40:
0x2ad: {  	s7 =	sshra.s32 s6, $0x2;
	v18 =	vand.u32 $0xFFFF, v12;
	v19 =	vshrl.u32 v12, $0x10;
	v11 =	vsub.f32 v11, v7;
	v7 =	vld.idx.msk [tilespmem:v17+s26+$0x0], $0xffff;
	p0 =	sne.s32 s6, $0x3FC0  }
.Ltmp19:
0x2ae: {  	s6 =	sadd.s32 $0x40, s6;
	v21 =	vmul.f32 v16, v16;
	v12 =	vld [tilespmem:s7+$0x18800];
	v20 =	vand.u32 $0xFFFF, v13;
	v17 =	vshrl.u32 v13, $0x10;
	(pc) =	sbr.rel @p0 .LBB2_40-.Ltmp19, $4  }
0x2af: {  	v13 =	vld [tilespmem:s7+$0x19800];
	v22 =	vmul.f32 v11, v11  }
0x2b0: {  	v1 =	vadd.f32 v21, v1;
	v16 =	vmov v8;
	v8 =	vld.idx.msk [tilespmem:v14+s1+$0x0], $0xffff;
	v14 =	vmov v18  }
0x2b1: {  	v16 =	vsub.f32 v16, v10;
	v10 =	vld.idx.msk [tilespmem:v15+s26+$0x0], $0xffff;
	v4 =	vadd.f32 v22, v4;
	v15 =	vmov v20  }
0x2b2: {  	v11 =	vmov v9;
	v9 =	vld.idx.msk [tilespmem:v19+s1+$0x0], $0xffff  }
0x2b3: {  	_ =	sdelay $0x3  }
0x2b4: {  	v17 =	vld.idx.msk [tilespmem:v17+s26+$0x0], $0xffff  }
0x2b5: {  	v20 =	vld [tilespmem:s2+$0x1A800]  }
0x2b6: {  	v21 =	vld [tilespmem:s2+$0x1B800]  }
0x2b7: {  	v14 =	vld.idx.msk [tilespmem:v14+s1+$0x0], $0xffff  }
0x2b8: {  	v18 =	vshrl.u32 v12, $0x10;
	v15 =	vld.idx.msk [tilespmem:v15+s26+$0x0], $0xffff  }
0x2b9: {  	v12 =	vand.u32 $0xFFFF, v12;
	v24 =	vld [tilespmem:s3+$0x1A800]  }
0x2ba: {  	v25 =	vld [tilespmem:s3+$0x1B800];
	v19 =	vshrl.u32 v13, $0x10  }
0x2bb: {  	v58 =	vld [tilespmem:s5+$0x1A800];
	v13 =	vand.u32 $0xFFFF, v13  }
0x2bc: {  	v60 =	vld [tilespmem:s5+$0x1B800];
	v22 =	vshrl.u32 v20, $0x10  }
0x2bd: {  	v18 =	vld.idx.msk [tilespmem:v18+s1+$0x0], $0xffff;
	v23 =	vshrl.u32 v21, $0x10  }
0x2be: {  	v20 =	vand.u32 $0xFFFF, v20;
	v12 =	vld.idx.msk [tilespmem:v12+s1+$0x0], $0xffff  }
0x2bf: {  	v7 =	vsub.f32 v11, v7;
	v11 =	vmul.f32 v16, v16;
	v16 =	vand.u32 $0xFFFF, v21;
	v19 =	vld.idx.msk [tilespmem:v19+s26+$0x0], $0xffff  }
0x2c0: {  	v8 =	vsub.f32 v8, v10;
	v57 =	vshrl.u32 v24, $0x10;
	v13 =	vld.idx.msk [tilespmem:v13+s26+$0x0], $0xffff  }
0x2c1: {  	v7 =	vmul.f32 v7, v7;
	v9 =	vsub.f32 v9, v17;
	v17 =	vand.u32 $0xFFFF, v24;
	v56 =	vld.idx.msk [tilespmem:v22+s21+$0x0], $0xffff  }
0x2c2: {  	v1 =	vadd.f32 v11, v1;
	v8 =	vmul.f32 v8, v8;
	v59 =	vand.u32 $0xFFFF, v25;
	v10 =	vld.idx.msk [tilespmem:v23+s26+$0x0], $0xffff  }
0x2c3: {  	v11 =	vld.idx.msk [tilespmem:v20+s21+$0x0], $0xffff;
	v20 =	vshrl.u32 v25, $0x10  }
0x2c4: {  	v4 =	vadd.f32 v7, v4;
	v1 =	vadd.f32 v8, v1;
	v7 =	vmul.f32 v9, v9;
	v8 =	vld.idx.msk [tilespmem:v16+s26+$0x0], $0xffff  }
0x2c5: {  	v9 =	vsub.f32 v14, v15;
	v14 =	vld.idx.msk [tilespmem:v57+s21+$0x0], $0xffff  }
0x2c6: {  	v4 =	vadd.f32 v7, v4;
	v17 =	vld.idx.msk [tilespmem:v17+s21+$0x0], $0xffff  }
0x2c7: {  	v9 =	vmul.f32 v9, v9;
	v7 =	vsub.f32 v18, v19;
	v19 =	vld.idx.msk [tilespmem:v59+s26+$0x0], $0xffff;
	v10 =	vsub.f32 v56, v10  }
0x2c8: {  	v12 =	vsub.f32 v12, v13;
	v18 =	vshrl.u32 v60, $0x10;
	v15 =	vld.idx.msk [tilespmem:v20+s26+$0x0], $0xffff  }
0x2c9: {  	v62 =	vld [tilespmem:s4+$0x1B800];
	v16 =	vshrl.u32 v58, $0x10;
	v9 =	vadd.f32 v9, v1;
	v10 =	vmul.f32 v10, v10  }
0x2ca: {  	v7 =	vmul.f32 v7, v7;
	v12 =	vmul.f32 v12, v12;
	v8 =	vsub.f32 v11, v8;
	v11 =	vld [tilespmem:s4+$0x1A800]  }
0x2cb: {  	v61 =	vand.u32 $0xFFFF, v60;
	v20 =	vand.u32 $0xFFFF, v58;
	v10 =	vsub.f32 $5.000000000e-01, v10  }
0x2cc: {  	v1 =	vadd.f32 v7, v4;
	v4 =	vadd.f32 v12, v9;
	v7 =	vmul.f32 v8, v8  }
0x2cd: {  	v12 =	vld.idx.msk [tilespmem:v18+s26+$0x0], $0xffff;
	v18 =	vsub.f32 v17, v19;
	v9 =	vsub.f32 v14, v15;
	vm0 =	vgt.f32 v10, $0.0e+00  }
0x2ce: {  	s2 =	simm.s32 $0x40;
	v8 =	vld.idx.msk [tilespmem:v16+s21+$0x0], $0xffff;
	v16 =	vshrl.u32 v62, $0x10;
	v13 =	vsub.f32 $5.000000000e-01, v7;
	v14 =	vsel vm0, $0x3F800000, v0  }
0x2cf: {  	v17 =	vld [tilespmem:s2+$0x1A800];
	v15 =	vmul.f32 v9, v9;
	v6 =	vadd.f32 v14, v6;
	v14 =	vshrl.u32 v11, $0x10  }
0x2d0: {  	v7 =	vld.idx.msk [tilespmem:v20+s21+$0x0], $0xffff;
	v63 =	vnsel vm0, $0x0, v10;
	v10 =	vand.u32 $0xFFFF, v11;
	vm0 =	vgt.f32 v13, $0.0e+00  }
0x2d1: {  	s1 =	simm.s32 $0x140;
	v9 =	vld.idx.msk [tilespmem:v61+s26+$0x0], $0xffff;
	v11 =	vand.u32 $0xFFFF, v62;
	v5 =	vadd.f32 v63, v5;
	v15 =	vsub.f32 $5.000000000e-01, v15  }
.LBB2_42:
0x2d2: {  	p0 =	sne.s32 s1, $0x3FC0;
	v19 =	vld [tilespmem:s2+$0x1B800];
	v18 =	vmul.f32 v18, v18;
	v13 =	vnsel vm0, $0x0, v13;
	v20 =	vsel vm0, $0x3F800000, v0  }
0x2d3: {  	vm0 =	vgt.f32 v15, $0.0e+00;
	v3 =	vadd.f32 v13, v3;
	v2 =	vadd.f32 v20, v2  }
.Ltmp20:
0x2d4: {  	v20 =	vsub.f32 v8, v12;
	v8 =	vld.idx.msk [tilespmem:v14+s21+$0x0], $0xffff;
	v13 =	vsub.f32 $5.000000000e-01, v18;
	v14 =	vsel vm0, $0x3F800000, v0;
	(pc) =	sbr.rel @p0 .LBB2_42-.Ltmp20, $4  }
0x2d5: {  	v21 =	vnsel vm0, $0x0, v15;
	v15 =	vmov v7;
	v12 =	vld.idx.msk [tilespmem:v16+s26+$0x0], $0xffff;
	v6 =	vadd.f32 v14, v6  }
0x2d6: {  	v20 =	vmul.f32 v20, v20;
	v14 =	vshrl.u32 v17, $0x10;
	v7 =	vld.idx.msk [tilespmem:v10+s21+$0x0], $0xffff;
	v10 =	vand.u32 $0xFFFF, v17  }
0x2d7: {  	s2 =	sshra.s32 s1, $0x2;
	v18 =	vsub.f32 v15, v9;
	v16 =	vshrl.u32 v19, $0x10;
	v9 =	vld.idx.msk [tilespmem:v11+s26+$0x0], $0xffff;
	v11 =	vand.u32 $0xFFFF, v19  }
0x2d8: {  	s1 =	sadd.s32 $0x40, s1;
	v5 =	vadd.f32 v21, v5;
	vm0 =	vgt.f32 v13, $0.0e+00;
	v15 =	vsub.f32 $5.000000000e-01, v20;
	v17 =	vld [tilespmem:s2+$0x1A800]  }
0x2d9: {  	_ =	sdelay $0x1  }
0x2da: {  	v19 =	vld [tilespmem:s2+$0x1B800];
	_ =	sdelay $0x1  }
0x2db: {  	v13 =	vnsel vm0, $0x0, v13;
	v43 =	vld.idx.msk [tilespmem:v14+s21+$0x0], $0xffff;
	v18 =	vmul.f32 v18, v18  }
0x2dc: {  	v45 =	vld.idx.msk [tilespmem:v16+s26+$0x0], $0xffff;
	v47 =	vsel vm0, $0x3F800000, v0;
	v1 =	vadd.f32 v1, v4;
	v20 =	vshrl.u32 v17, $0x10  }
0x2dd: {  	v10 =	vld.idx.msk [tilespmem:v10+s21+$0x0], $0xffff;
	v3 =	vadd.f32 v13, v3;
	v8 =	vsub.f32 v8, v12;
	v46 =	vand.u32 $0xFFFF, v17  }
0x2de: {  	v11 =	vld.idx.msk [tilespmem:v11+s26+$0x0], $0xffff;
	vm8 =	vgt.f32 v15, $0.0e+00;
	v2 =	vadd.f32 v47, v2;
	v44 =	vshrl.u32 v19, $0x10  }
0x2df: {  	v48 =	vsub.f32 $5.000000000e-01, v18;
	v49 =	vsel vm8, $0x3F800000, v0;
	v19 =	vand.u32 $0xFFFF, v19  }
0x2e0: {  	v15 =	vnsel vm8, $0x0, v15;
	v8 =	vmul.f32 v8, v8;
	v7 =	vsub.f32 v7, v9  }
0x2e1: {  	v6 =	vadd.f32 v49, v6;
	v5 =	vadd.f32 v15, v5;
	vm9 =	vgt.f32 v48, $0.0e+00;
	v50 =	vld.idx.msk [tilespmem:v20+s21+$0x0], $0xffff  }
0x2e2: {  	v8 =	vsub.f32 $5.000000000e-01, v8;
	v7 =	vmul.f32 v7, v7;
	v12 =	vsub.f32 v43, v45;
	v51 =	vld.idx.msk [tilespmem:v46+s21+$0x0], $0xffff  }
0x2e3: {  	v52 =	vnsel vm9, $0x0, v48;
	v53 =	vsel vm9, $0x3F800000, v0;
	v10 =	vsub.f32 v10, v11;
	v14 =	vld.idx.msk [tilespmem:v44+s26+$0x0], $0xffff  }
0x2e4: {  	v3 =	vadd.f32 v52, v3;
	v2 =	vadd.f32 v53, v2;
	v54 =	vld.idx.msk [tilespmem:v19+s26+$0x0], $0xffff;
	[tilespmem:$0x1C800] =	vst v0  }
0x2e5: {  	vm10 =	vgt.f32 v8, $0.0e+00;
	v12 =	vmul.f32 v12, v12;
	v7 =	vsub.f32 $5.000000000e-01, v7;
	[tilespmem:$0x1C810] =	vst v0  }
0x2e6: {  	v57 =	vmul.f32 v10, v10;
	v55 =	vsel vm10, $0x3F800000, v0;
	v8 =	vnsel vm10, $0x0, v8;
	[tilespmem:$0x1C820] =	vst v0  }
0x2e7: {  	v6 =	vadd.f32 v55, v6;
	v56 =	vsub.f32 $5.000000000e-01, v12;
	vm11 =	vgt.f32 v7, $0.0e+00;
	[tilespmem:$0x1C830] =	vst v0  }
0x2e8: {  	v5 =	vadd.f32 v8, v5;
	v8 =	vsub.f32 $5.000000000e-01, v57;
	v7 =	vnsel vm11, $0x0, v7;
	[tilespmem:$0x1C840] =	vst v0  }
0x2e9: {  	v58 =	vsel vm11, $0x3F800000, v0;
	[tilespmem:$0x1C850] =	vst v0;
	v9 =	vsub.f32 v50, v14;
	v59 =	vsub.f32 v51, v54  }
0x2ea: {  	[tilespmem:$0x1C860] =	vst v0;
	vm12 =	vgt.f32 v56, $0.0e+00;
	v3 =	vadd.f32 v7, v3;
	v2 =	vadd.f32 v58, v2  }
0x2eb: {  	[tilespmem:$0x1C870] =	vst v0;
	v60 =	vsel vm12, $0x3F800000, v0;
	v9 =	vmul.f32 v9, v9;
	v7 =	vmul.f32 v59, v59  }
0x2ec: {  	[tilespmem:$0x1C880] =	vst v0;
	vm13 =	vgt.f32 v8, $0.0e+00;
	v11 =	vnsel vm12, $0x0, v56;
	v6 =	vadd.f32 v60, v6  }
0x2ed: {  	[tilespmem:$0x1C890] =	vst v0;
	v8 =	vnsel vm13, $0x0, v8;
	v9 =	vsub.f32 $5.000000000e-01, v9;
	v7 =	vsub.f32 $5.000000000e-01, v7  }
0x2ee: {  	[tilespmem:$0x1C8A0] =	vst v0;
	v61 =	vsel vm13, $0x3F800000, v0;
	v5 =	vadd.f32 v11, v5;
	v3 =	vadd.f32 v8, v3  }
0x2ef: {  	[tilespmem:$0x1C8B0] =	vst v0;
	v2 =	vadd.f32 v61, v2;
	vm14 =	vgt.f32 v9, $0.0e+00;
	vm15 =	vgt.f32 v7, $0.0e+00  }
0x2f0: {  	[tilespmem:$0x1C8C0] =	vst v0;
	v62 =	vsel vm14, $0x3F800000, v0;
	v9 =	vnsel vm14, $0x0, v9;
	v7 =	vnsel vm15, $0x0, v7  }
0x2f1: {  	[tilespmem:$0x1C8D0] =	vst v0;
	v63 =	vsel vm15, $0x3F800000, v0;
	v5 =	vadd.f32 v9, v5;
	v3 =	vadd.f32 v7, v3  }
0x2f2: {  	[tilespmem:$0x1C8E0] =	vst v0;
	v6 =	vadd.f32 v62, v6;
	v2 =	vadd.f32 v63, v2  }
0x2f3: {  	[tilespmem:$0x1C8F0] =	vst v0;
	v3 =	vadd.f32 v5, v3  }
0x2f4: {  	[tilespmem:s24+$0x1C800] =	vst v1;
	v1 =	vadd.f32 v6, v2  }
0x2f5: {  	s29 =	sadd.s32 $0x1, s29;
	[tilespmem:s24+$0x1C810] =	vst v3  }
0x2f6: {  	s1 =	simm.s32 $0x1C800;
	p0 =	sne.s32 s29, s25;
	[tilespmem:s24+$0x1C820] =	vst v1  }
0x2f7: {  	[hbm4b:s23+s21] =	stream.linear.scatter [tilespmem:s1], [sflag:$0x3], $0x100, $0x38;
	[tilespmem:$0x1C900] =	vst v63  }
.Ltmp21:
0x2f8: {  	_ = 	snop;
	(pc) =	sbr.rel @p0 .LBB2_1-.Ltmp21, $4  }
.Ltmp22:
0x2f9: {  	_ = 	snop;
	(pc) =	sbr.rel @!p0 .LBB2_44-.Ltmp22, $4  }
0x2fa: {  	_ =	swait.ge [sflag:s30], $0x100  }
0x2fb: {  	[sflag:s30] =	ssyncset.done $0x0  }
0x2fc: {  	[sflag:s30] =	ssyncadd.s32 $0xFFFFFF00  }
0x2fd: {  	_ = 	snop  }
.LBB2_4:
.Ltmp23:
0x2fe: {  	(pc) =	sbr.rel .LBB2_15-.Ltmp23, $3  }
0x2ff: {  	_ =	sdelay $0x1  }
0x300: {  	v18 =	vimm.f32 $0.0e+00  }
0x301: {  	v21 =	vimm.f32 $0.0e+00;
	v17 =	vimm.f32 $0.0e+00;
	v23 =	vimm.f32 $0.0e+00  }
.LBB2_6:
.Ltmp24:
0x302: {  	(pc) =	sbr.rel .LBB2_15-.Ltmp24, $3  }
0x303: {  	_ =	sdelay $0x1  }
0x304: {  	v18 =	vimm.f32 $0.0e+00  }
0x305: {  	v21 =	vimm.f32 $0.0e+00;
	v17 =	vimm.f32 $0.0e+00;
	v23 =	vimm.f32 $0.0e+00  }
.LBB2_8:
.Ltmp25:
0x306: {  	(pc) =	sbr.rel .LBB2_15-.Ltmp25, $3  }
0x307: {  	_ =	sdelay $0x1  }
0x308: {  	v18 =	vimm.f32 $0.0e+00  }
0x309: {  	v21 =	vimm.f32 $0.0e+00;
	v17 =	vimm.f32 $0.0e+00;
	v24 =	vmovc v11;
	v23 =	vimm.f32 $0.0e+00  }
.LBB2_10:
.Ltmp26:
0x30a: {  	(pc) =	sbr.rel .LBB2_15-.Ltmp26, $3  }
0x30b: {  	_ =	sdelay $0x1  }
0x30c: {  	v18 =	vimm.f32 $0.0e+00;
	v22 =	vmovc v11;
	v21 =	vimm.f32 $0.0e+00;
	v10 =	vmovc v5;
	v17 =	vimm.f32 $0.0e+00  }
0x30d: {  	v23 =	vimm.f32 $0.0e+00;
	v20 =	vmovc v14;
	v16 =	vmovc v7;
	v12 =	vmov v8;
	v15 =	vmov v13  }
.LBB2_12:
.Ltmp27:
0x30e: {  	(pc) =	sbr.rel .LBB2_15-.Ltmp27, $2  }
0x30f: {  	_ =	sdelay $0x2  }
0x310: {  	v18 =	vimm.f32 $0.0e+00;
	v21 =	vimm.f32 $0.0e+00;
	v25 =	vmovc v26;
	v24 =	vmov v27  }
.LBB2_44:
0x311: {  	_ =	sfence.sel $0x180000  }
0x312: {  	[bflag:$0x0] =	sbarrier.arrive $0xFFFF  }
0x313: {  	_ =	strace $0x90000047  }
0x314: {  	s0 =	stileid.u32;
	[bflag:$0x2] =	sbarrier.arrive $0xFFFF  }
0x315: {  	p0 =	sne.s32 s0, $0x0;
	s0 =	rddreg [dreg:$0x7]  }
0x316: {  	s0 =	sadd.s32 @!p0 $0x100000, s0  }
0x317: {  	[sflag:s0] =	ssyncadd.tile.s32 @!p0 $0x1;
	_ =	shalt  }
.Lfunc_end2:
_tile_overlayer_lowered:
.L_overlay_start_2:
0x318: {  	(tag) =	ssettag $0x2  }
0x319: {  	s0 =	rddreg [dreg:$0x0];
	s2 =	stileid.u32  }
0x31a: {  	s1 =	rddreg [dreg:$0x1];
	p0 =	sne.s32 s2, $0x0  }
0x31b: {  	s3 =	rddreg [dreg:$0x2];
	[bflag:$0x3] =	sbarrier.arrive $0xFFFF;
	s2 =	simm.s32 @!p0 $0x1C03  }
0x31c: {  	[timem:s3], [sflag:s2] =	dma.local @!p0 [hbm:s0], s1  }
0x31d: {  	s0 =	simm.s32 @!p0 $0x3  }
0x31e: {  	_ =	swait.ge @!p0 [sflag:s0], s1  }
0x31f: {  	s1 =	ssub.s32 @!p0 $0x0, s1;
	[sflag:s0] =	ssyncset.done @!p0 $0x0  }
0x320: {  	[sflag:s0] =	ssyncadd.s32 @!p0 s1  }
0x321: {  	[bflag:$0x3] =	sbarrier.arrive $0xFFFF  }
0x322: {  	_ =	shalt  }

</sc_bundles>
